<compile_context>
chip_gen: v7x
topology: tpu7x:2x2x1
jax: 0.10.2.dev20260603
libtpu: 0.0.44.dev20260713+nightly
codegen_flags: <defaults>
</compile_context>

<pallas_src>
import functools

import jax
import jax.numpy as jnp
from jax import lax
from jax.experimental import pallas as pl
from jax.experimental.pallas import tpu as pltpu
from jax.experimental.pallas import tpu_sc as plsc

N_DEP = 10000
N_OBJ = 1024
E_DEP = 320000
E_OBJ = 16384
D = 128
NH = 3

NSC = 2
NT = 16
KW = 128
JUNK = N_DEP
N_DEP_P = 10240
RPT = N_DEP_P // NT

W_AGG = 79
EPC = E_DEP // (NSC * NT)
W_OBJ = 8

_mesh = plsc.VectorSubcoreMesh(core_axis_name="c", subcore_axis_name="s")


@functools.partial(
    pl.kernel,
    out_type=jax.ShapeDtypeStruct((NSC, N_DEP_P), jnp.float32),
    mesh=_mesh,
    scratch_types=[
        pltpu.VMEM_SHARED((N_DEP_P,), jnp.float32),
        pltpu.VMEM((W_AGG, KW), jnp.int32),
        pltpu.VMEM((KW,), jnp.float32),
    ],
)
def _sc_hist(ddst_hbm, zeros_hbm, hist_hbm, hist_sh, ddst_vm, ones_vm):
    c = lax.axis_index("c")
    s = lax.axis_index("s")
    CH = N_DEP_P // NT

    def fill_ones(j, _):
        ones_vm[pl.ds(j * 16, 16)] = jnp.full((16,), 1.0, jnp.float32)
        return 0
    lax.fori_loop(0, KW // 16, fill_ones, 0)

    pltpu.sync_copy(zeros_hbm.at[pl.ds(0, CH)],
                    hist_sh.at[pl.ds(s * CH, CH)])
    pltpu.sync_copy(ddst_hbm.at[c, s], ddst_vm)
    plsc.subcore_barrier()

    def body(w, _):
        pltpu.sync_copy(ones_vm, hist_sh.at[ddst_vm.at[w]], add=True)
        return 0
    lax.fori_loop(0, W_AGG, body, 0)

    plsc.subcore_barrier()
    pltpu.sync_copy(hist_sh.at[pl.ds(s * CH, CH)],
                    hist_hbm.at[c, pl.ds(s * CH, CH)])


@functools.partial(
    pl.kernel,
    out_type=jax.ShapeDtypeStruct((N_OBJ * N_OBJ,), jnp.float32),
    mesh=_mesh,
    scratch_types=[
        pltpu.VMEM_SHARED((N_OBJ * N_OBJ,), jnp.float32),
        pltpu.VMEM((W_OBJ, KW), jnp.int32),
        pltpu.VMEM((W_OBJ, KW), jnp.int32),
        pltpu.VMEM((KW,), jnp.int32),
        pltpu.VMEM((KW,), jnp.float32),
    ],
)
def _sc_adj(osrc_hbm, odst_hbm, zeros_hbm, adj_hbm,
            adj_sh, osrc_vm, odst_vm, flat_vm, ones_vm):
    c = lax.axis_index("c")
    s = lax.axis_index("s")
    MCH = (N_OBJ * N_OBJ) // NT

    def fill_ones(j, _):
        ones_vm[pl.ds(j * 16, 16)] = jnp.full((16,), 1.0, jnp.float32)
        return 0
    lax.fori_loop(0, KW // 16, fill_ones, 0)

    @pl.when(c == 0)
    def _():
        pltpu.sync_copy(zeros_hbm.at[pl.ds(0, MCH)],
                        adj_sh.at[pl.ds(s * MCH, MCH)])
        pltpu.sync_copy(osrc_hbm.at[s], osrc_vm)
        pltpu.sync_copy(odst_hbm.at[s], odst_vm)

    plsc.subcore_barrier()

    @pl.when(c == 0)
    def _():
        def body(w, _):
            def pack(j, _):
                sv = osrc_vm[w, pl.ds(j * 16, 16)]
                dv = odst_vm[w, pl.ds(j * 16, 16)]
                flat_vm[pl.ds(j * 16, 16)] = dv * N_OBJ + sv
                return 0
            lax.fori_loop(0, KW // 16, pack, 0)
            pltpu.sync_copy(ones_vm, adj_sh.at[flat_vm], add=True)
            return 0
        lax.fori_loop(0, W_OBJ, body, 0)

    plsc.subcore_barrier()

    @pl.when(c == 0)
    def _():
        pltpu.sync_copy(adj_sh.at[pl.ds(s * MCH, MCH)],
                        adj_hbm.at[pl.ds(s * MCH, MCH)])


@functools.partial(
    pl.kernel,
    out_type=jax.ShapeDtypeStruct((NSC, N_DEP_P, D), jnp.float32),
    mesh=_mesh,
    scratch_types=[
        pltpu.VMEM_SHARED((N_DEP_P, D), jnp.float32),
        pltpu.VMEM((W_AGG, KW), jnp.int32),
        pltpu.VMEM((W_AGG, KW), jnp.int32),
        pltpu.VMEM((KW, D), jnp.float32),
        pltpu.SemaphoreType.DMA,
    ],
)
def _sc_aggregate(hp_hbm, zeros_hbm, src_hbm, dst_hbm, acc_hbm,
                  acc_sh, src_vm, dst_vm, rows_vm, sem):
    c = lax.axis_index("c")
    s = lax.axis_index("s")
    r0 = s * RPT
    pltpu.sync_copy(zeros_hbm, acc_sh.at[pl.ds(r0, RPT)])
    pltpu.sync_copy(src_hbm.at[c, s], src_vm)
    pltpu.sync_copy(dst_hbm.at[c, s], dst_vm)
    plsc.subcore_barrier()

    def body(w, _):
        pltpu.async_copy(hp_hbm.at[src_vm.at[w]], rows_vm, sem).wait()
        pltpu.sync_copy(rows_vm, acc_sh.at[dst_vm.at[w]], add=True)
        return 0
    lax.fori_loop(0, W_AGG, body, 0)

    plsc.subcore_barrier()
    pltpu.sync_copy(acc_sh.at[pl.ds(r0, RPT)], acc_hbm.at[c, pl.ds(r0, RPT)])


def _obj_front_body(labels_ref, boxes_ref, ws_ref, wo_ref, wbs_ref, wbo_ref,
                    wo0_ref, st_ref, h0_ref):
    labels = labels_ref[...]
    ids = lax.broadcasted_iota(jnp.int32, (N_OBJ, 1600), 1)
    onehot = (ids == labels).astype(jnp.bfloat16)
    f32 = jnp.float32

    def ohdot(w):
        return lax.dot_general(onehot, w.astype(jnp.bfloat16),
                               (((1,), (0,)), ((), ())),
                               preferred_element_type=f32)
    subj = ohdot(ws_ref[...]) + boxes_ref[...] @ wbs_ref[...]
    objf = ohdot(wo_ref[...]) + boxes_ref[...] @ wbo_ref[...]
    st_ref[...] = lax.dot_general(objf, subj, (((1,), (1,)), ((), ())))
    h0_ref[...] = onehot.astype(f32) @ wo0_ref[...]


def _obj_conv_body(adj_ref, st_ref, h0_ref, bo0_ref, wq_ref, wvo_ref,
                   objh_ref, q_ref, vo_ref):
    sig = 1.0 / (1.0 + jnp.exp(-st_ref[...]))
    a = adj_ref[...] * sig
    deg = jnp.sum(a, axis=1, keepdims=True) + 1.0
    dinv = lax.rsqrt(jnp.maximum(deg, 1e-12))
    hp = dinv * h0_ref[...]
    out = dinv * (a @ hp + hp) + bo0_ref[...]
    objh_ref[...] = out
    for h in range(NH):
        q_ref[h] = out @ wq_ref[h]
        vo_ref[h] = out @ wvo_ref[h]


def _dep_prep0_body(x_ref, w_ref, hist0_ref, hist1_ref, dinv_ref, hp_ref):
    deg = hist0_ref[...] + hist1_ref[...] + 1.0
    dinv = lax.rsqrt(jnp.maximum(deg, 1e-12))
    dinv_ref[...] = dinv
    hp_ref[...] = dinv * (x_ref[...] @ w_ref[...])


def _dep_prep2_body(acca_ref, accb_ref, hp1_ref, dinv_ref, bt1_ref, w_ref,
                    hp_ref):
    dinv = dinv_ref[...]
    dep1 = dinv * (acca_ref[...] + accb_ref[...] + hp1_ref[...]) + bt1_ref[...]
    hp_ref[...] = dinv * (dep1 @ w_ref[...])


BT = 400
BGRID = N_DEP // BT


def _biatt_body(acca_ref, accb_ref, hp0_ref, dinv_ref, bt0_ref, wk_ref,
                wvd_ref, q_ref, vo_ref, wt1_ref, hp1_ref, objo_ref,
                cmax_ref, csum_ref, cacc_ref):
    i = pl.program_id(0)
    scale = 1.0 / jnp.sqrt(jnp.float32(D))
    dinv = dinv_ref[...]
    dep_in = dinv * (acca_ref[...] + accb_ref[...] + hp0_ref[...]) \
        + bt0_ref[...]

    @pl.when(i == 0)
    def _():
        cmax_ref[...] = jnp.full_like(cmax_ref, -1e30)
        csum_ref[...] = jnp.zeros_like(csum_ref)
        cacc_ref[...] = jnp.zeros_like(cacc_ref)

    dep_acc = jnp.zeros((BT, D), jnp.float32)
    for h in range(NH):
        k_t = dep_in @ wk_ref[h]
        vd_t = dep_in @ wvd_ref[h]
        a = lax.dot_general(k_t, q_ref[h],
                            (((1,), (1,)), ((), ()))) * scale
        rmax = jnp.max(a, axis=1, keepdims=True)
        p = jnp.exp(a - rmax)
        rsum = jnp.sum(p, axis=1, keepdims=True)
        pn = (p / rsum).astype(jnp.bfloat16)
        dep_acc = dep_acc + lax.dot_general(
            pn, vo_ref[h].astype(jnp.bfloat16), (((1,), (0,)), ((), ())),
            preferred_element_type=jnp.float32)
        tmax = jnp.max(a, axis=0, keepdims=True)
        old_m = cmax_ref[h]
        new_m = jnp.maximum(old_m, tmax)
        corr = jnp.exp(old_m - new_m)
        e = jnp.exp(a - new_m)
        cmax_ref[h] = new_m
        csum_ref[h] = csum_ref[h] * corr + jnp.sum(e, axis=0, keepdims=True)
        corr_t = corr.reshape(N_OBJ, 1)
        cacc_ref[h] = cacc_ref[h] * corr_t + lax.dot_general(
            e.astype(jnp.bfloat16), vd_t.astype(jnp.bfloat16),
            (((0,), (0,)), ((), ())),
            preferred_element_type=jnp.float32)

    hp1_ref[...] = dinv * ((dep_acc * (1.0 / NH)) @ wt1_ref[...])

    @pl.when(i == BGRID - 1)
    def _():
        acc = jnp.zeros((N_OBJ, D), jnp.float32)
        for h in range(NH):
            acc = acc + cacc_ref[h] / csum_ref[h].reshape(N_OBJ, 1)
        objo_ref[...] = acc * (1.0 / NH)


def _final_body(acca_ref, accb_ref, hp2_ref, dinv_ref, bt2_ref, objh_ref,
                dbatch_ref, obatch_ref, f1_ref, fb1_ref, f2_ref, fb2_ref,
                out_ref):
    dinv = dinv_ref[...]
    dep2 = dinv * (acca_ref[...] + accb_ref[...] + hp2_ref[...]) \
        + bt2_ref[...]
    db = dbatch_ref[...]
    ids = lax.broadcasted_iota(jnp.int32, (N_DEP, 64), 1)
    ohd = (ids == db).astype(jnp.float32)
    dsum = lax.dot_general(ohd, dep2, (((0,), (0,)), ((), ())))
    dcnt = jnp.sum(ohd, axis=0, keepdims=True).reshape(64, 1)
    dep_p = dsum / jnp.maximum(dcnt, 1.0)

    ob = obatch_ref[...]
    ids_o = lax.broadcasted_iota(jnp.int32, (N_OBJ, 64), 1)
    oho = (ids_o == ob).astype(jnp.float32)
    osum = lax.dot_general(oho, objh_ref[...], (((0,), (0,)), ((), ())))
    ocnt = jnp.sum(oho, axis=0, keepdims=True).reshape(64, 1)
    obj_p = osum / jnp.maximum(ocnt, 1.0)

    fused = jnp.concatenate([dep_p, obj_p], axis=1)
    hmid = fused @ f1_ref[...] + fb1_ref[...]
    logits = hmid @ f2_ref[...] + fb2_ref[...]
    lmax = jnp.max(logits, axis=1, keepdims=True)
    lse = jnp.log(jnp.sum(jnp.exp(logits - lmax), axis=1, keepdims=True)) + lmax
    out_ref[...] = logits - lse


def _full_spec(shape):
    return pl.BlockSpec(shape, lambda *_: tuple(0 for _ in shape))


def kernel(dep_x, dep_edge_index, dep_batch, obj_boxes, obj_labels,
           obj_edge_index, obj_batch, Wt0, bt0, Wo0, bo0, Wk, Wq, Wvd, Wvo,
           Wt1, bt1, Wt2, bt2, Ws_rel, Wo_rel, Wbs, Wbo, F1, fb1, F2, fb2):
    f32 = jnp.float32
    i32 = jnp.int32

    padc = W_AGG * KW - EPC
    dsrc_a = dep_edge_index[0].astype(i32).reshape(NSC * NT, EPC)
    dsrc_a = jnp.concatenate(
        [dsrc_a, jnp.zeros((NSC * NT, padc), i32)], axis=1)
    dsrc_a = dsrc_a.reshape(NSC, NT, W_AGG, KW)
    ddst_a = dep_edge_index[1].astype(i32).reshape(NSC * NT, EPC)
    ddst_a = jnp.concatenate(
        [ddst_a, jnp.full((NSC * NT, padc), JUNK, i32)], axis=1)
    ddst_a = ddst_a.reshape(NSC, NT, W_AGG, KW)
    osrc = obj_edge_index[0].astype(i32).reshape(NT, W_OBJ, KW)
    odst = obj_edge_index[1].astype(i32).reshape(NT, W_OBJ, KW)
    zeros_row = jnp.zeros((RPT, D), f32)
    zeros_hist = jnp.zeros((N_DEP_P // NT,), f32)
    zeros_adj = jnp.zeros(((N_OBJ * N_OBJ) // NT,), f32)

    hist = _sc_hist(ddst_a, zeros_hist)
    adj = _sc_adj(osrc, odst, zeros_adj).reshape(N_OBJ, N_OBJ)
    hist0 = hist[0].reshape(N_DEP_P, 1)
    hist1 = hist[1].reshape(N_DEP_P, 1)

    st, obj_h0 = pl.pallas_call(
        _obj_front_body,
        out_shape=(jax.ShapeDtypeStruct((N_OBJ, N_OBJ), f32),
                   jax.ShapeDtypeStruct((N_OBJ, D), f32)),
        in_specs=[_full_spec((N_OBJ, 1)), _full_spec((N_OBJ, 4)),
                  _full_spec((1600, 64)), _full_spec((1600, 64)),
                  _full_spec((4, 64)), _full_spec((4, 64)),
                  _full_spec((1600, D))],
        out_specs=(_full_spec((N_OBJ, N_OBJ)), _full_spec((N_OBJ, D))),
    )(obj_labels.astype(i32).reshape(N_OBJ, 1), obj_boxes, Ws_rel, Wo_rel,
      Wbs, Wbo, Wo0)

    obj_h, q, vo = pl.pallas_call(
        _obj_conv_body,
        out_shape=(jax.ShapeDtypeStruct((N_OBJ, D), f32),
                   jax.ShapeDtypeStruct((NH, N_OBJ, D), f32),
                   jax.ShapeDtypeStruct((NH, N_OBJ, D), f32)),
        in_specs=[_full_spec((N_OBJ, N_OBJ)), _full_spec((N_OBJ, N_OBJ)),
                  _full_spec((N_OBJ, D)), _full_spec((1, D)),
                  _full_spec((NH, D, D)), _full_spec((NH, D, D))],
        out_specs=(_full_spec((N_OBJ, D)), _full_spec((NH, N_OBJ, D)),
                   _full_spec((NH, N_OBJ, D))),
    )(adj, st, obj_h0, bo0.reshape(1, D), Wq, Wvo)

    BR = 2048
    dinv, hp0 = pl.pallas_call(
        _dep_prep0_body,
        grid=(N_DEP_P // BR,),
        out_shape=(jax.ShapeDtypeStruct((N_DEP_P, 1), f32),
                   jax.ShapeDtypeStruct((N_DEP_P, D), f32)),
        in_specs=[pl.BlockSpec((BR, D), lambda i: (i, 0)),
                  pl.BlockSpec((D, D), lambda i: (0, 0)),
                  pl.BlockSpec((BR, 1), lambda i: (i, 0)),
                  pl.BlockSpec((BR, 1), lambda i: (i, 0))],
        out_specs=(pl.BlockSpec((BR, 1), lambda i: (i, 0)),
                   pl.BlockSpec((BR, D), lambda i: (i, 0))),
    )(dep_x, Wt0, hist0, hist1)

    acc0 = _sc_aggregate(hp0, zeros_row, dsrc_a, ddst_a)

    hp1, obj_hb = pl.pallas_call(
        _biatt_body,
        grid=(BGRID,),
        out_shape=(jax.ShapeDtypeStruct((N_DEP, D), f32),
                   jax.ShapeDtypeStruct((N_OBJ, D), f32)),
        in_specs=[pl.BlockSpec((BT, D), lambda i: (i, 0)),
                  pl.BlockSpec((BT, D), lambda i: (i, 0)),
                  pl.BlockSpec((BT, D), lambda i: (i, 0)),
                  pl.BlockSpec((BT, 1), lambda i: (i, 0)),
                  pl.BlockSpec((1, D), lambda i: (0, 0)),
                  pl.BlockSpec((NH, D, D), lambda i: (0, 0, 0)),
                  pl.BlockSpec((NH, D, D), lambda i: (0, 0, 0)),
                  pl.BlockSpec((NH, N_OBJ, D), lambda i: (0, 0, 0)),
                  pl.BlockSpec((NH, N_OBJ, D), lambda i: (0, 0, 0)),
                  pl.BlockSpec((D, D), lambda i: (0, 0))],
        out_specs=(pl.BlockSpec((BT, D), lambda i: (i, 0)),
                   pl.BlockSpec((N_OBJ, D), lambda i: (0, 0))),
        scratch_shapes=[pltpu.VMEM((NH, 1, N_OBJ), f32),
                        pltpu.VMEM((NH, 1, N_OBJ), f32),
                        pltpu.VMEM((NH, N_OBJ, D), f32)],
    )(acc0[0], acc0[1], hp0, dinv, bt0.reshape(1, D), Wk, Wvd, q, vo, Wt1)

    acc1 = _sc_aggregate(hp1, zeros_row, dsrc_a, ddst_a)

    hp2 = pl.pallas_call(
        _dep_prep2_body,
        grid=(N_DEP_P // BR,),
        out_shape=jax.ShapeDtypeStruct((N_DEP_P, D), f32),
        in_specs=[pl.BlockSpec((BR, D), lambda i: (i, 0)),
                  pl.BlockSpec((BR, D), lambda i: (i, 0)),
                  pl.BlockSpec((BR, D), lambda i: (i, 0)),
                  pl.BlockSpec((BR, 1), lambda i: (i, 0)),
                  pl.BlockSpec((1, D), lambda i: (0, 0)),
                  pl.BlockSpec((D, D), lambda i: (0, 0))],
        out_specs=pl.BlockSpec((BR, D), lambda i: (i, 0)),
    )(acc1[0], acc1[1], hp1, dinv, bt1.reshape(1, D), Wt2)

    acc2 = _sc_aggregate(hp2, zeros_row, dsrc_a, ddst_a)

    hid = F1.shape[1]
    a_cls = F2.shape[1]
    out = pl.pallas_call(
        _final_body,
        out_shape=jax.ShapeDtypeStruct((64, a_cls), f32),
        in_specs=[_full_spec((N_DEP, D)), _full_spec((N_DEP, D)),
                  _full_spec((N_DEP, D)), _full_spec((N_DEP, 1)),
                  _full_spec((1, D)), _full_spec((N_OBJ, D)),
                  _full_spec((N_DEP, 1)), _full_spec((N_OBJ, 1)),
                  _full_spec((2 * D, hid)), _full_spec((1, hid)),
                  _full_spec((hid, a_cls)), _full_spec((1, a_cls))],
        out_specs=_full_spec((64, a_cls)),
        compiler_params=pltpu.CompilerParams(
            vmem_limit_bytes=100 * 1024 * 1024),
    )(acc2[0, :N_DEP], acc2[1, :N_DEP], hp2[:N_DEP], dinv[:N_DEP],
      bt2.reshape(1, D), obj_hb,
      dep_batch.astype(i32).reshape(N_DEP, 1),
      obj_batch.astype(i32).reshape(N_OBJ, 1),
      F1, fb1.reshape(1, hid), F2, fb2.reshape(1, a_cls))
    return out

# --- scband reference (transcript-rebuilt; emitter-appended) ---
"""Pipeline reference for scband-multi-gcn-17119739642253 (READ-ONLY COPY).

The authoritative reference and input builder live on the scoring server;
editing this copy changes nothing except your own understanding.
"""

import jax, jax.numpy as jnp
import numpy as np

B = 64

def gcn_conv(x, edge_index, W, b, edge_weight=None):
    n = x.shape[0]
    src = edge_index[0]
    dst = edge_index[1]
    loop = jnp.arange(n, dtype=src.dtype)
    src = jnp.concatenate([src, loop])
    dst = jnp.concatenate([dst, loop])
    if edge_weight is None:
        ew = jnp.ones(src.shape[0], dtype=x.dtype)
    else:
        ew = jnp.concatenate([edge_weight, jnp.ones(n, dtype=x.dtype)])
    deg = jax.ops.segment_sum(ew, dst, num_segments=n)
    dinv = jax.lax.rsqrt(jnp.clip(deg, 1e-12))
    norm = dinv[src] * ew * dinv[dst]
    h = x @ W
    out = jax.ops.segment_sum(h[src] * norm[:, None], dst, num_segments=n)
    return out + b

def biatt(dep_x, obj_x, Wk, Wq, Wvd, Wvo):
    scale = 1.0 / jnp.sqrt(jnp.asarray(dep_x.shape[-1], dep_x.dtype))
    K = jnp.einsum('nd,hde->hne', dep_x, Wk)
    Q = jnp.einsum('md,hde->hme', obj_x, Wq)
    A = jnp.einsum('hne,hme->hnm', K, Q) * scale
    Adep = jax.nn.softmax(A, axis=-1)
    Aobj = jax.nn.softmax(A, axis=1)
    Vo = jnp.einsum('md,hde->hme', obj_x, Wvo)
    Vd = jnp.einsum('nd,hde->hne', dep_x, Wvd)
    dep_out = jnp.mean(jnp.einsum('hnm,hme->hne', Adep, Vo), axis=0)
    obj_out = jnp.mean(jnp.einsum('hnm,hne->hme', Aobj, Vd), axis=0)
    return dep_out, obj_out

def mean_pool(x, seg, num_segments):
    s = jax.ops.segment_sum(x, seg, num_segments=num_segments)
    cnt = jax.ops.segment_sum(jnp.ones((x.shape[0],), x.dtype), seg, num_segments=num_segments)
    return s / jnp.clip(cnt, 1.0)[:, None]

def setup_inputs(seed: int = 0):
    key = jax.random.key(seed)
    ks = jax.random.split(key, 24)
    N_dep, E_dep, D = 10000, 320000, 128
    N_obj, E_obj, C = 1024, 16384, 1600
    A_cls = 3129
    hid = (2 * D + A_cls) // 2
    def w(k, shape, fan_in):
        return jax.random.normal(k, shape, jnp.float32) / jnp.sqrt(jnp.asarray(fan_in, jnp.float32))
    inp = {}
    inp['dep_x'] = jax.random.normal(ks[0], (N_dep, D), jnp.float32)
    inp['dep_edge_index'] = jax.random.randint(ks[1], (2, E_dep), 0, N_dep)
    inp['dep_batch'] = jnp.sort(jax.random.randint(ks[2], (N_dep,), 0, B))
    inp['obj_boxes'] = jax.random.uniform(ks[3], (N_obj, 4), jnp.float32)
    inp['obj_labels'] = jax.random.randint(ks[4], (N_obj,), 0, C)
    inp['obj_edge_index'] = jax.random.randint(ks[5], (2, E_obj), 0, N_obj)
    inp['obj_batch'] = jnp.sort(jax.random.randint(ks[6], (N_obj,), 0, B))
    inp['Wt0'] = w(ks[7], (D, D), D)
    inp['bt0'] = jnp.zeros((D,), jnp.float32)
    inp['Wo0'] = w(ks[8], (C, D), C)
    inp['bo0'] = jnp.zeros((D,), jnp.float32)
    inp['Wk'] = w(ks[9], (3, D, D), D)
    inp['Wq'] = w(ks[10], (3, D, D), D)
    inp['Wvd'] = w(ks[11], (3, D, D), D)
    inp['Wvo'] = w(ks[12], (3, D, D), D)
    inp['Wt1'] = w(ks[13], (D, D), D)
    inp['bt1'] = jnp.zeros((D,), jnp.float32)
    inp['Wt2'] = w(ks[14], (D, D), D)
    inp['bt2'] = jnp.zeros((D,), jnp.float32)
    inp['Ws_rel'] = w(ks[15], (C, 64), C)
    inp['Wo_rel'] = w(ks[16], (C, 64), C)
    inp['Wbs'] = w(ks[17], (4, 64), 4)
    inp['Wbo'] = w(ks[18], (4, 64), 4)
    inp['F1'] = w(ks[19], (2 * D, hid), 2 * D)
    inp['fb1'] = jnp.zeros((hid,), jnp.float32)
    inp['F2'] = w(ks[20], (hid, A_cls), hid)
    inp['fb2'] = jnp.zeros((A_cls,), jnp.float32)
    return inp

def reference(dep_x, dep_edge_index, dep_batch, obj_boxes, obj_labels, obj_edge_index, obj_batch, Wt0, bt0, Wo0, bo0, Wk, Wq, Wvd, Wvo, Wt1, bt1, Wt2, bt2, Ws_rel, Wo_rel, Wbs, Wbo, F1, fb1, F2, fb2):
    C = Wo0.shape[0]
    cls_logits = jax.nn.one_hot(obj_labels, C, dtype=jnp.float32)
    # RelPN: relatedness scores for proposed object-pair relations
    src = obj_edge_index[0]
    dst = obj_edge_index[1]
    subj = cls_logits @ Ws_rel + obj_boxes @ Wbs
    objf = cls_logits @ Wo_rel + obj_boxes @ Wbo
    rel_scores = jax.nn.sigmoid(jnp.sum(subj[src] * objf[dst], axis=-1))
    # layer-0 GCNs
    dep_h = gcn_conv(dep_x, dep_edge_index, Wt0, bt0)
    obj_h = gcn_conv(cls_logits, obj_edge_index, Wo0, bo0, edge_weight=rel_scores)
    # bidirectional attention (heads=3)
    dep_h, obj_h = biatt(dep_h, obj_h, Wk, Wq, Wvd, Wvo)
    # deeper txt GCN stack
    dep_h = gcn_conv(dep_h, dep_edge_index, Wt1, bt1)
    dep_h = gcn_conv(dep_h, dep_edge_index, Wt2, bt2)
    # global mean pool per graph
    dep_p = mean_pool(dep_h, dep_batch, B)
    obj_p = mean_pool(obj_h, obj_batch, B)
    fused = jnp.concatenate([dep_p, obj_p], axis=1)
    h = fused @ F1 + fb1
    logits = h @ F2 + fb2
    return jax.nn.log_softmax(logits, axis=1)

if __name__ == "__main__":
    import jax
    _d = setup_inputs()
    print(jax.jit(kernel)(*tuple(_d.values())))

</pallas_src>

<mosaic_0001>
#map = affine_map<(d0, d1) -> (0, 0)>
#map1 = affine_map<(d0, d1) -> (0, 0, 0, 0)>
#map2 = affine_map<(d0, d1) -> (0, 0, 0)>
module attributes {stable_mosaic.version = 14 : i64} {
  func.func @_sc_aggregate(%arg0: i32, %arg1: i32, %arg2: memref<10240x128xf32, #tpu.memory_space<hbm>>, %arg3: memref<640x128xf32, #tpu.memory_space<hbm>>, %arg4: memref<2x16x79x128xi32, #tpu.memory_space<hbm>>, %arg5: memref<2x16x79x128xi32, #tpu.memory_space<hbm>>, %arg6: memref<2x10240x128xf32, #tpu.memory_space<hbm>>, %arg7: memref<10240x128xf32, #tpu.memory_space<vmem_shared>>, %arg8: memref<79x128xi32, #tpu.memory_space<vmem>>, %arg9: memref<79x128xi32, #tpu.memory_space<vmem>>, %arg10: memref<128x128xf32, #tpu.memory_space<vmem>>, %arg11: memref<!tpu.dma_semaphore, #tpu.memory_space<semaphore_mem>>) attributes {dimension_semantics = [#tpu.dimension_semantics<core_parallel>, #tpu.dimension_semantics<subcore_parallel>], iteration_bounds = array<i64: 2, 16>, scalar_prefetch = 0 : i64, scratch_operands = 5 : i64, tpu.core_type = #tpu.core_type<sc_vector_subcore>, window_params = [{transform_indices = #map}, {transform_indices = #map}, {transform_indices = #map1}, {transform_indices = #map1}, {transform_indices = #map2}]} {
    %mul3A = arith.constant 640 : i32
    %mul3A_0 = arith.muli %arg1, %mul3A : i32
    "tpu.region"() ({
      %run_scoped3A = tpu.sem_alloc : memref<!tpu.dma_semaphore, #tpu.memory_space<semaphore_mem>>
      %dma_start3A = arith.constant 0 : i32
      %dma_start3A_8 = tpu.memref_slice %arg7[%mul3A_0, %dma_start3A] : memref<10240x128xf32, #tpu.memory_space<vmem_shared>> -> memref<640x128xf32, #tpu.memory_space<vmem_shared>>
      tpu.enqueue_dma source(%arg3 : memref<640x128xf32, #tpu.memory_space<hbm>>) target(%dma_start3A_8 : memref<640x128xf32, #tpu.memory_space<vmem_shared>>) target_semaphore(%run_scoped3A : memref<!tpu.dma_semaphore, #tpu.memory_space<semaphore_mem>>)
      %dma_wait3A = arith.constant 0 : i32
      %dma_wait3A_9 = tpu.memref_slice %arg7[%mul3A_0, %dma_wait3A] : memref<10240x128xf32, #tpu.memory_space<vmem_shared>> -> memref<640x128xf32, #tpu.memory_space<vmem_shared>>
      tpu.wait_dma2 semaphore(%run_scoped3A : memref<!tpu.dma_semaphore, #tpu.memory_space<semaphore_mem>>) src(%arg3 : memref<640x128xf32, #tpu.memory_space<hbm>>) dst(%dma_wait3A_9 : memref<640x128xf32, #tpu.memory_space<vmem_shared>>)
      tpu.yield
    }) : () -> ()
    "tpu.region"() ({
      %run_scoped3A = tpu.sem_alloc : memref<!tpu.dma_semaphore, #tpu.memory_space<semaphore_mem>>
      %dma_start3A = arith.constant 0 : i32
      %dma_start3A_8 = arith.constant 0 : i32
      %dma_start3A_9 = tpu.memref_slice %arg4[%arg0, %arg1, %dma_start3A, %dma_start3A_8] : memref<2x16x79x128xi32, #tpu.memory_space<hbm>> -> memref<1x1x79x128xi32, #tpu.memory_space<hbm>>
      %dma_start3A_10 = tpu.memref_squeeze %dma_start3A_9 : memref<1x1x79x128xi32, #tpu.memory_space<hbm>> -> memref<79x128xi32, #tpu.memory_space<hbm>>
      %dma_start3A_11 = arith.constant 0 : i32
      %dma_start3A_12 = arith.constant 0 : i32
      %dma_start3A_13 = tpu.memref_slice %arg4[%arg0, %arg1, %dma_start3A_11, %dma_start3A_12] : memref<2x16x79x128xi32, #tpu.memory_space<hbm>> -> memref<1x1x79x128xi32, #tpu.memory_space<hbm>>
      %dma_start3A_14 = tpu.memref_squeeze %dma_start3A_13 : memref<1x1x79x128xi32, #tpu.memory_space<hbm>> -> memref<79x128xi32, #tpu.memory_space<hbm>>
      tpu.enqueue_dma source(%dma_start3A_14 : memref<79x128xi32, #tpu.memory_space<hbm>>) target(%arg8 : memref<79x128xi32, #tpu.memory_space<vmem>>) target_semaphore(%run_scoped3A : memref<!tpu.dma_semaphore, #tpu.memory_space<semaphore_mem>>)
      %dma_wait3A = arith.constant 0 : i32
      %dma_wait3A_15 = arith.constant 0 : i32
      %dma_wait3A_16 = tpu.memref_slice %arg4[%arg0, %arg1, %dma_wait3A, %dma_wait3A_15] : memref<2x16x79x128xi32, #tpu.memory_space<hbm>> -> memref<1x1x79x128xi32, #tpu.memory_space<hbm>>
      %dma_wait3A_17 = tpu.memref_squeeze %dma_wait3A_16 : memref<1x1x79x128xi32, #tpu.memory_space<hbm>> -> memref<79x128xi32, #tpu.memory_space<hbm>>
      %dma_wait3A_18 = arith.constant 0 : i32
      %dma_wait3A_19 = arith.constant 0 : i32
      %dma_wait3A_20 = tpu.memref_slice %arg4[%arg0, %arg1, %dma_wait3A_18, %dma_wait3A_19] : memref<2x16x79x128xi32, #tpu.memory_space<hbm>> -> memref<1x1x79x128xi32, #tpu.memory_space<hbm>>
      %dma_wait3A_21 = tpu.memref_squeeze %dma_wait3A_20 : memref<1x1x79x128xi32, #tpu.memory_space<hbm>> -> memref<79x128xi32, #tpu.memory_space<hbm>>
      tpu.wait_dma2 semaphore(%run_scoped3A : memref<!tpu.dma_semaphore, #tpu.memory_space<semaphore_mem>>) src(%dma_wait3A_21 : memref<79x128xi32, #tpu.memory_space<hbm>>) dst(%arg8 : memref<79x128xi32, #tpu.memory_space<vmem>>)
      tpu.yield
    }) : () -> ()
    "tpu.region"() ({
      %run_scoped3A = tpu.sem_alloc : memref<!tpu.dma_semaphore, #tpu.memory_space<semaphore_mem>>
      %dma_start3A = arith.constant 0 : i32
      %dma_start3A_8 = arith.constant 0 : i32
      %dma_start3A_9 = tpu.memref_slice %arg5[%arg0, %arg1, %dma_start3A, %dma_start3A_8] : memref<2x16x79x128xi32, #tpu.memory_space<hbm>> -> memref<1x1x79x128xi32, #tpu.memory_space<hbm>>
      %dma_start3A_10 = tpu.memref_squeeze %dma_start3A_9 : memref<1x1x79x128xi32, #tpu.memory_space<hbm>> -> memref<79x128xi32, #tpu.memory_space<hbm>>
      %dma_start3A_11 = arith.constant 0 : i32
      %dma_start3A_12 = arith.constant 0 : i32
      %dma_start3A_13 = tpu.memref_slice %arg5[%arg0, %arg1, %dma_start3A_11, %dma_start3A_12] : memref<2x16x79x128xi32, #tpu.memory_space<hbm>> -> memref<1x1x79x128xi32, #tpu.memory_space<hbm>>
      %dma_start3A_14 = tpu.memref_squeeze %dma_start3A_13 : memref<1x1x79x128xi32, #tpu.memory_space<hbm>> -> memref<79x128xi32, #tpu.memory_space<hbm>>
      tpu.enqueue_dma source(%dma_start3A_14 : memref<79x128xi32, #tpu.memory_space<hbm>>) target(%arg9 : memref<79x128xi32, #tpu.memory_space<vmem>>) target_semaphore(%run_scoped3A : memref<!tpu.dma_semaphore, #tpu.memory_space<semaphore_mem>>)
      %dma_wait3A = arith.constant 0 : i32
      %dma_wait3A_15 = arith.constant 0 : i32
      %dma_wait3A_16 = tpu.memref_slice %arg5[%arg0, %arg1, %dma_wait3A, %dma_wait3A_15] : memref<2x16x79x128xi32, #tpu.memory_space<hbm>> -> memref<1x1x79x128xi32, #tpu.memory_space<hbm>>
      %dma_wait3A_17 = tpu.memref_squeeze %dma_wait3A_16 : memref<1x1x79x128xi32, #tpu.memory_space<hbm>> -> memref<79x128xi32, #tpu.memory_space<hbm>>
      %dma_wait3A_18 = arith.constant 0 : i32
      %dma_wait3A_19 = arith.constant 0 : i32
      %dma_wait3A_20 = tpu.memref_slice %arg5[%arg0, %arg1, %dma_wait3A_18, %dma_wait3A_19] : memref<2x16x79x128xi32, #tpu.memory_space<hbm>> -> memref<1x1x79x128xi32, #tpu.memory_space<hbm>>
      %dma_wait3A_21 = tpu.memref_squeeze %dma_wait3A_20 : memref<1x1x79x128xi32, #tpu.memory_space<hbm>> -> memref<79x128xi32, #tpu.memory_space<hbm>>
      tpu.wait_dma2 semaphore(%run_scoped3A : memref<!tpu.dma_semaphore, #tpu.memory_space<semaphore_mem>>) src(%dma_wait3A_21 : memref<79x128xi32, #tpu.memory_space<hbm>>) dst(%arg9 : memref<79x128xi32, #tpu.memory_space<vmem>>)
      tpu.yield
    }) : () -> ()
    %barrier3A = arith.constant 0 : index
    tpu.barrier barrier_id(%barrier3A)
    %scan3A = arith.constant 0 : i32
    %scan3A_1 = arith.constant 0 : i32
    %scan3A_2 = arith.constant 79 : i32
    %scan3A_3 = arith.addi %scan3A_1, %scan3A_2 : i32
    %scan3A_4 = arith.constant 1 : i32
    %scan3A_5 = scf.for %scan3A_8 = %scan3A_1 to %scan3A_3 step %scan3A_4 iter_args(%scan3A_9 = %scan3A) -> (i32)  : i32 {
      %dma_start3A = arith.constant 0 : i32
      %dma_start3A_10 = tpu.memref_slice %arg8[%scan3A_8, %dma_start3A] : memref<79x128xi32, #tpu.memory_space<vmem>> -> memref<1x128xi32, #tpu.memory_space<vmem>>
      %dma_start3A_11 = tpu.memref_squeeze %dma_start3A_10 : memref<1x128xi32, #tpu.memory_space<vmem>> -> memref<128xi32, #tpu.memory_space<vmem>>
      %dma_start3A_12 = arith.constant 0 : i32
      %dma_start3A_13 = arith.constant 0 : i32
      %dma_start3A_14 = tpu.memref_slice %arg2[%dma_start3A_12, %dma_start3A_13] : memref<10240x128xf32, #tpu.memory_space<hbm>> -> memref<10240x128xf32, #tpu.memory_space<hbm>>
      tpu.enqueue_indirect_dma source(%dma_start3A_14 : memref<10240x128xf32, #tpu.memory_space<hbm>>) target(%arg10 : memref<128x128xf32, #tpu.memory_space<vmem>>) offsets(%dma_start3A_11 : memref<128xi32, #tpu.memory_space<vmem>>) semaphore(%arg11 : memref<!tpu.dma_semaphore, #tpu.memory_space<semaphore_mem>>)
      %dma_wait3A = arith.constant 0 : i32
      %dma_wait3A_15 = tpu.memref_slice %arg8[%scan3A_8, %dma_wait3A] : memref<79x128xi32, #tpu.memory_space<vmem>> -> memref<1x128xi32, #tpu.memory_space<vmem>>
      %dma_wait3A_16 = tpu.memref_squeeze %dma_wait3A_15 : memref<1x128xi32, #tpu.memory_space<vmem>> -> memref<128xi32, #tpu.memory_space<vmem>>
      %dma_wait3A_17 = arith.constant 0 : i32
      %dma_wait3A_18 = arith.constant 0 : i32
      %dma_wait3A_19 = tpu.memref_slice %arg2[%dma_wait3A_17, %dma_wait3A_18] : memref<10240x128xf32, #tpu.memory_space<hbm>> -> memref<10240x128xf32, #tpu.memory_space<hbm>>
      tpu.wait_indirect_dma semaphore(%arg11 : memref<!tpu.dma_semaphore, #tpu.memory_space<semaphore_mem>>) src(%dma_wait3A_19 : memref<10240x128xf32, #tpu.memory_space<hbm>>) dst(%arg10 : memref<128x128xf32, #tpu.memory_space<vmem>>)
      "tpu.region"() ({
        %run_scoped3A = tpu.sem_alloc : memref<!tpu.dma_semaphore, #tpu.memory_space<semaphore_mem>>
        %dma_start3A_21 = arith.constant 0 : i32
        %dma_start3A_22 = tpu.memref_slice %arg9[%scan3A_8, %dma_start3A_21] : memref<79x128xi32, #tpu.memory_space<vmem>> -> memref<1x128xi32, #tpu.memory_space<vmem>>
        %dma_start3A_23 = tpu.memref_squeeze %dma_start3A_22 : memref<1x128xi32, #tpu.memory_space<vmem>> -> memref<128xi32, #tpu.memory_space<vmem>>
        %dma_start3A_24 = arith.constant 0 : i32
        %dma_start3A_25 = arith.constant 0 : i32
        %dma_start3A_26 = tpu.memref_slice %arg7[%dma_start3A_24, %dma_start3A_25] : memref<10240x128xf32, #tpu.memory_space<vmem_shared>> -> memref<10240x128xf32, #tpu.memory_space<vmem_shared>>
        tpu.enqueue_indirect_dma source(%arg10 : memref<128x128xf32, #tpu.memory_space<vmem>>) target(%dma_start3A_26 : memref<10240x128xf32, #tpu.memory_space<vmem_shared>>) offsets(%dma_start3A_23 : memref<128xi32, #tpu.memory_space<vmem>>) semaphore(%run_scoped3A : memref<!tpu.dma_semaphore, #tpu.memory_space<semaphore_mem>>) {add = true}
        %dma_wait3A_27 = arith.constant 0 : i32
        %dma_wait3A_28 = tpu.memref_slice %arg9[%scan3A_8, %dma_wait3A_27] : memref<79x128xi32, #tpu.memory_space<vmem>> -> memref<1x128xi32, #tpu.memory_space<vmem>>
        %dma_wait3A_29 = tpu.memref_squeeze %dma_wait3A_28 : memref<1x128xi32, #tpu.memory_space<vmem>> -> memref<128xi32, #tpu.memory_space<vmem>>
        %dma_wait3A_30 = arith.constant 0 : i32
        %dma_wait3A_31 = arith.constant 0 : i32
        %dma_wait3A_32 = tpu.memref_slice %arg7[%dma_wait3A_30, %dma_wait3A_31] : memref<10240x128xf32, #tpu.memory_space<vmem_shared>> -> memref<10240x128xf32, #tpu.memory_space<vmem_shared>>
        tpu.wait_indirect_dma semaphore(%run_scoped3A : memref<!tpu.dma_semaphore, #tpu.memory_space<semaphore_mem>>) src(%arg10 : memref<128x128xf32, #tpu.memory_space<vmem>>) dst(%dma_wait3A_32 : memref<10240x128xf32, #tpu.memory_space<vmem_shared>>)
        tpu.yield
      }) : () -> ()
      %scan3A_20 = arith.constant 0 : i32
      scf.yield %scan3A_20 : i32
    }
    %scan3A_6 = arith.constant 79 : i32
    %barrier3A_7 = arith.constant 0 : index
    tpu.barrier barrier_id(%barrier3A_7)
    "tpu.region"() ({
      %run_scoped3A = tpu.sem_alloc : memref<!tpu.dma_semaphore, #tpu.memory_space<semaphore_mem>>
      %dma_start3A = arith.constant 0 : i32
      %dma_start3A_8 = tpu.memref_slice %arg6[%arg0, %mul3A_0, %dma_start3A] : memref<2x10240x128xf32, #tpu.memory_space<hbm>> -> memref<1x640x128xf32, #tpu.memory_space<hbm>>
      %dma_start3A_9 = tpu.memref_squeeze %dma_start3A_8 : memref<1x640x128xf32, #tpu.memory_space<hbm>> -> memref<640x128xf32, #tpu.memory_space<hbm>>
      %dma_start3A_10 = arith.constant 0 : i32
      %dma_start3A_11 = tpu.memref_slice %arg7[%mul3A_0, %dma_start3A_10] : memref<10240x128xf32, #tpu.memory_space<vmem_shared>> -> memref<640x128xf32, #tpu.memory_space<vmem_shared>>
      tpu.enqueue_dma source(%dma_start3A_11 : memref<640x128xf32, #tpu.memory_space<vmem_shared>>) target(%dma_start3A_9 : memref<640x128xf32, #tpu.memory_space<hbm>>) target_semaphore(%run_scoped3A : memref<!tpu.dma_semaphore, #tpu.memory_space<semaphore_mem>>)
      %dma_wait3A = arith.constant 0 : i32
      %dma_wait3A_12 = tpu.memref_slice %arg6[%arg0, %mul3A_0, %dma_wait3A] : memref<2x10240x128xf32, #tpu.memory_space<hbm>> -> memref<1x640x128xf32, #tpu.memory_space<hbm>>
      %dma_wait3A_13 = tpu.memref_squeeze %dma_wait3A_12 : memref<1x640x128xf32, #tpu.memory_space<hbm>> -> memref<640x128xf32, #tpu.memory_space<hbm>>
      %dma_wait3A_14 = arith.constant 0 : i32
      %dma_wait3A_15 = tpu.memref_slice %arg7[%mul3A_0, %dma_wait3A_14] : memref<10240x128xf32, #tpu.memory_space<vmem_shared>> -> memref<640x128xf32, #tpu.memory_space<vmem_shared>>
      tpu.wait_dma2 semaphore(%run_scoped3A : memref<!tpu.dma_semaphore, #tpu.memory_space<semaphore_mem>>) src(%dma_wait3A_15 : memref<640x128xf32, #tpu.memory_space<vmem_shared>>) dst(%dma_wait3A_13 : memref<640x128xf32, #tpu.memory_space<hbm>>)
      tpu.yield
    }) : () -> ()
    return
  }
}

#map = affine_map<(d0, d1) -> (0, 0, 0)>
#map1 = affine_map<(d0, d1) -> (0)>
module attributes {stable_mosaic.version = 14 : i64} {
  func.func @_sc_adj(%arg0: i32, %arg1: i32, %arg2: memref<16x8x128xi32, #tpu.memory_space<hbm>>, %arg3: memref<16x8x128xi32, #tpu.memory_space<hbm>>, %arg4: memref<65536xf32, #tpu.memory_space<hbm>>, %arg5: memref<1048576xf32, #tpu.memory_space<hbm>>, %arg6: memref<1048576xf32, #tpu.memory_space<vmem_shared>>, %arg7: memref<8x128xi32, #tpu.memory_space<vmem>>, %arg8: memref<8x128xi32, #tpu.memory_space<vmem>>, %arg9: memref<128xi32, #tpu.memory_space<vmem>>, %arg10: memref<128xf32, #tpu.memory_space<vmem>>) attributes {dimension_semantics = [#tpu.dimension_semantics<core_parallel>, #tpu.dimension_semantics<subcore_parallel>], iteration_bounds = array<i64: 2, 16>, scalar_prefetch = 0 : i64, scratch_operands = 5 : i64, tpu.core_type = #tpu.core_type<sc_vector_subcore>, window_params = [{transform_indices = #map}, {transform_indices = #map}, {transform_indices = #map1}, {transform_indices = #map1}]} {
    %scan3A = arith.constant 0 : i32
    %scan3A_0 = arith.constant 0 : i32
    %scan3A_1 = arith.constant 8 : i32
    %scan3A_2 = arith.addi %scan3A_0, %scan3A_1 : i32
    %scan3A_3 = arith.constant 1 : i32
    %scan3A_4 = scf.for %scan3A_19 = %scan3A_0 to %scan3A_2 step %scan3A_3 iter_args(%scan3A_20 = %scan3A) -> (i32)  : i32 {
      %broadcast_in_dim3A = arith.constant 1.000000e+00 : f32
      %broadcast_in_dim3A_21 = vector.broadcast %broadcast_in_dim3A : f32 to vector<16xf32>
      %mul3A = arith.constant 16 : i32
      %mul3A_22 = arith.muli %scan3A_19, %mul3A : i32
      %swap3A = arith.index_cast %mul3A_22 : i32 to index
      %swap3A_23 = tpu.vector_load %arg10[%swap3A] {strides = array<i32>} : memref<128xf32, #tpu.memory_space<vmem>>, vector<16xf32>,
      %swap3A_24 = vector.shape_cast %swap3A_23 : vector<16xf32> to vector<16xf32>
      %swap3A_25 = vector.shape_cast %broadcast_in_dim3A_21 : vector<16xf32> to vector<16xf32>
      tpu.vector_store %arg10[%swap3A], %swap3A_25 {strides = array<i32>} : memref<128xf32, #tpu.memory_space<vmem>>, vector<16xf32>,
      %scan3A_26 = arith.constant 0 : i32
      scf.yield %scan3A_26 : i32
    }
    %scan3A_5 = arith.constant 8 : i32
    %eq3A = arith.constant 0 : i32
    %eq3A_6 = arith.cmpi eq, %arg0, %eq3A : i32
    %convert_element_type3A = arith.extui %eq3A_6 : i1 to i32
    %cond3A = arith.constant 0 : i32
    %cond3A_7 = arith.cmpi ne, %convert_element_type3A, %cond3A : i32
    scf.if %cond3A_7 {
      %mul3A = arith.constant 65536 : i32
      %mul3A_19 = arith.muli %arg1, %mul3A : i32
      "tpu.region"() ({
        %run_scoped3A = tpu.sem_alloc : memref<!tpu.dma_semaphore, #tpu.memory_space<semaphore_mem>>
        %dma_start3A = tpu.memref_slice %arg6[%mul3A_19] : memref<1048576xf32, #tpu.memory_space<vmem_shared>> -> memref<65536xf32, #tpu.memory_space<vmem_shared>>
        %dma_start3A_20 = arith.constant 0 : i32
        %dma_start3A_21 = tpu.memref_slice %arg4[%dma_start3A_20] : memref<65536xf32, #tpu.memory_space<hbm>> -> memref<65536xf32, #tpu.memory_space<hbm>>
        tpu.enqueue_dma source(%dma_start3A_21 : memref<65536xf32, #tpu.memory_space<hbm>>) target(%dma_start3A : memref<65536xf32, #tpu.memory_space<vmem_shared>>) target_semaphore(%run_scoped3A : memref<!tpu.dma_semaphore, #tpu.memory_space<semaphore_mem>>)
        %dma_wait3A = tpu.memref_slice %arg6[%mul3A_19] : memref<1048576xf32, #tpu.memory_space<vmem_shared>> -> memref<65536xf32, #tpu.memory_space<vmem_shared>>
        %dma_wait3A_22 = arith.constant 0 : i32
        %dma_wait3A_23 = tpu.memref_slice %arg4[%dma_wait3A_22] : memref<65536xf32, #tpu.memory_space<hbm>> -> memref<65536xf32, #tpu.memory_space<hbm>>
        tpu.wait_dma2 semaphore(%run_scoped3A : memref<!tpu.dma_semaphore, #tpu.memory_space<semaphore_mem>>) src(%dma_wait3A_23 : memref<65536xf32, #tpu.memory_space<hbm>>) dst(%dma_wait3A : memref<65536xf32, #tpu.memory_space<vmem_shared>>)
        tpu.yield
      }) : () -> ()
      "tpu.region"() ({
        %run_scoped3A = tpu.sem_alloc : memref<!tpu.dma_semaphore, #tpu.memory_space<semaphore_mem>>
        %dma_start3A = arith.constant 0 : i32
        %dma_start3A_20 = arith.constant 0 : i32
        %dma_start3A_21 = tpu.memref_slice %arg2[%arg1, %dma_start3A, %dma_start3A_20] : memref<16x8x128xi32, #tpu.memory_space<hbm>> -> memref<1x8x128xi32, #tpu.memory_space<hbm>>
        %dma_start3A_22 = tpu.memref_squeeze %dma_start3A_21 : memref<1x8x128xi32, #tpu.memory_space<hbm>> -> memref<8x128xi32, #tpu.memory_space<hbm>>
        %dma_start3A_23 = arith.constant 0 : i32
        %dma_start3A_24 = arith.constant 0 : i32
        %dma_start3A_25 = tpu.memref_slice %arg2[%arg1, %dma_start3A_23, %dma_start3A_24] : memref<16x8x128xi32, #tpu.memory_space<hbm>> -> memref<1x8x128xi32, #tpu.memory_space<hbm>>
        %dma_start3A_26 = tpu.memref_squeeze %dma_start3A_25 : memref<1x8x128xi32, #tpu.memory_space<hbm>> -> memref<8x128xi32, #tpu.memory_space<hbm>>
        tpu.enqueue_dma source(%dma_start3A_26 : memref<8x128xi32, #tpu.memory_space<hbm>>) target(%arg7 : memref<8x128xi32, #tpu.memory_space<vmem>>) target_semaphore(%run_scoped3A : memref<!tpu.dma_semaphore, #tpu.memory_space<semaphore_mem>>)
        %dma_wait3A = arith.constant 0 : i32
        %dma_wait3A_27 = arith.constant 0 : i32
        %dma_wait3A_28 = tpu.memref_slice %arg2[%arg1, %dma_wait3A, %dma_wait3A_27] : memref<16x8x128xi32, #tpu.memory_space<hbm>> -> memref<1x8x128xi32, #tpu.memory_space<hbm>>
        %dma_wait3A_29 = tpu.memref_squeeze %dma_wait3A_28 : memref<1x8x128xi32, #tpu.memory_space<hbm>> -> memref<8x128xi32, #tpu.memory_space<hbm>>
        %dma_wait3A_30 = arith.constant 0 : i32
        %dma_wait3A_31 = arith.constant 0 : i32
        %dma_wait3A_32 = tpu.memref_slice %arg2[%arg1, %dma_wait3A_30, %dma_wait3A_31] : memref<16x8x128xi32, #tpu.memory_space<hbm>> -> memref<1x8x128xi32, #tpu.memory_space<hbm>>
        %dma_wait3A_33 = tpu.memref_squeeze %dma_wait3A_32 : memref<1x8x128xi32, #tpu.memory_space<hbm>> -> memref<8x128xi32, #tpu.memory_space<hbm>>
        tpu.wait_dma2 semaphore(%run_scoped3A : memref<!tpu.dma_semaphore, #tpu.memory_space<semaphore_mem>>) src(%dma_wait3A_33 : memref<8x128xi32, #tpu.memory_space<hbm>>) dst(%arg7 : memref<8x128xi32, #tpu.memory_space<vmem>>)
        tpu.yield
      }) : () -> ()
      "tpu.region"() ({
        %run_scoped3A = tpu.sem_alloc : memref<!tpu.dma_semaphore, #tpu.memory_space<semaphore_mem>>
        %dma_start3A = arith.constant 0 : i32
        %dma_start3A_20 = arith.constant 0 : i32
        %dma_start3A_21 = tpu.memref_slice %arg3[%arg1, %dma_start3A, %dma_start3A_20] : memref<16x8x128xi32, #tpu.memory_space<hbm>> -> memref<1x8x128xi32, #tpu.memory_space<hbm>>
        %dma_start3A_22 = tpu.memref_squeeze %dma_start3A_21 : memref<1x8x128xi32, #tpu.memory_space<hbm>> -> memref<8x128xi32, #tpu.memory_space<hbm>>
        %dma_start3A_23 = arith.constant 0 : i32
        %dma_start3A_24 = arith.constant 0 : i32
        %dma_start3A_25 = tpu.memref_slice %arg3[%arg1, %dma_start3A_23, %dma_start3A_24] : memref<16x8x128xi32, #tpu.memory_space<hbm>> -> memref<1x8x128xi32, #tpu.memory_space<hbm>>
        %dma_start3A_26 = tpu.memref_squeeze %dma_start3A_25 : memref<1x8x128xi32, #tpu.memory_space<hbm>> -> memref<8x128xi32, #tpu.memory_space<hbm>>
        tpu.enqueue_dma source(%dma_start3A_26 : memref<8x128xi32, #tpu.memory_space<hbm>>) target(%arg8 : memref<8x128xi32, #tpu.memory_space<vmem>>) target_semaphore(%run_scoped3A : memref<!tpu.dma_semaphore, #tpu.memory_space<semaphore_mem>>)
        %dma_wait3A = arith.constant 0 : i32
        %dma_wait3A_27 = arith.constant 0 : i32
        %dma_wait3A_28 = tpu.memref_slice %arg3[%arg1, %dma_wait3A, %dma_wait3A_27] : memref<16x8x128xi32, #tpu.memory_space<hbm>> -> memref<1x8x128xi32, #tpu.memory_space<hbm>>
        %dma_wait3A_29 = tpu.memref_squeeze %dma_wait3A_28 : memref<1x8x128xi32, #tpu.memory_space<hbm>> -> memref<8x128xi32, #tpu.memory_space<hbm>>
        %dma_wait3A_30 = arith.constant 0 : i32
        %dma_wait3A_31 = arith.constant 0 : i32
        %dma_wait3A_32 = tpu.memref_slice %arg3[%arg1, %dma_wait3A_30, %dma_wait3A_31] : memref<16x8x128xi32, #tpu.memory_space<hbm>> -> memref<1x8x128xi32, #tpu.memory_space<hbm>>
        %dma_wait3A_33 = tpu.memref_squeeze %dma_wait3A_32 : memref<1x8x128xi32, #tpu.memory_space<hbm>> -> memref<8x128xi32, #tpu.memory_space<hbm>>
        tpu.wait_dma2 semaphore(%run_scoped3A : memref<!tpu.dma_semaphore, #tpu.memory_space<semaphore_mem>>) src(%dma_wait3A_33 : memref<8x128xi32, #tpu.memory_space<hbm>>) dst(%arg8 : memref<8x128xi32, #tpu.memory_space<vmem>>)
        tpu.yield
      }) : () -> ()
    } else {
    }
    %barrier3A = arith.constant 0 : index
    tpu.barrier barrier_id(%barrier3A)
    %eq3A_8 = arith.constant 0 : i32
    %eq3A_9 = arith.cmpi eq, %arg0, %eq3A_8 : i32
    %convert_element_type3A_10 = arith.extui %eq3A_9 : i1 to i32
    %cond3A_11 = arith.constant 0 : i32
    %cond3A_12 = arith.cmpi ne, %convert_element_type3A_10, %cond3A_11 : i32
    scf.if %cond3A_12 {
      %scan3A_19 = arith.constant 0 : i32
      %scan3A_20 = arith.constant 0 : i32
      %scan3A_21 = arith.constant 8 : i32
      %scan3A_22 = arith.addi %scan3A_20, %scan3A_21 : i32
      %scan3A_23 = arith.constant 1 : i32
      %scan3A_24 = scf.for %scan3A_26 = %scan3A_20 to %scan3A_22 step %scan3A_23 iter_args(%scan3A_27 = %scan3A_19) -> (i32)  : i32 {
        %scan3A_28 = arith.constant 0 : i32
        %scan3A_29 = arith.constant 0 : i32
        %scan3A_30 = arith.constant 8 : i32
        %scan3A_31 = arith.addi %scan3A_29, %scan3A_30 : i32
        %scan3A_32 = arith.constant 1 : i32
        %scan3A_33 = scf.for %scan3A_36 = %scan3A_29 to %scan3A_31 step %scan3A_32 iter_args(%scan3A_37 = %scan3A_28) -> (i32)  : i32 {
          %mul3A = arith.constant 16 : i32
          %mul3A_38 = arith.muli %scan3A_36, %mul3A : i32
          %get3A = arith.index_cast %scan3A_26 : i32 to index
          %get3A_39 = arith.index_cast %mul3A_38 : i32 to index
          %get3A_40 = tpu.vector_load %arg7[%get3A, %get3A_39] {strides = array<i32>} : memref<8x128xi32, #tpu.memory_space<vmem>>, vector<1x16xi32>,
          %get3A_41 = vector.shape_cast %get3A_40 : vector<1x16xi32> to vector<16xi32>
          %mul3A_42 = arith.constant 16 : i32
          %mul3A_43 = arith.muli %scan3A_36, %mul3A_42 : i32
          %get3A_44 = arith.index_cast %scan3A_26 : i32 to index
          %get3A_45 = arith.index_cast %mul3A_43 : i32 to index
          %get3A_46 = tpu.vector_load %arg8[%get3A_44, %get3A_45] {strides = array<i32>} : memref<8x128xi32, #tpu.memory_space<vmem>>, vector<1x16xi32>,
          %get3A_47 = vector.shape_cast %get3A_46 : vector<1x16xi32> to vector<16xi32>
          %mul3A_48 = arith.constant 1024 : i32
          %mul3A_49 = vector.broadcast %mul3A_48 : i32 to vector<16xi32>
          %mul3A_50 = arith.muli %get3A_47, %mul3A_49 : vector<16xi32>
          %add3A = arith.addi %mul3A_50, %get3A_41 : vector<16xi32>
          %mul3A_51 = arith.constant 16 : i32
          %mul3A_52 = arith.muli %scan3A_36, %mul3A_51 : i32
          %swap3A = arith.index_cast %mul3A_52 : i32 to index
          %swap3A_53 = tpu.vector_load %arg9[%swap3A] {strides = array<i32>} : memref<128xi32, #tpu.memory_space<vmem>>, vector<16xi32>,
          %swap3A_54 = vector.shape_cast %swap3A_53 : vector<16xi32> to vector<16xi32>
          %swap3A_55 = vector.shape_cast %add3A : vector<16xi32> to vector<16xi32>
          tpu.vector_store %arg9[%swap3A], %swap3A_55 {strides = array<i32>} : memref<128xi32, #tpu.memory_space<vmem>>, vector<16xi32>,
          %scan3A_56 = arith.constant 0 : i32
          scf.yield %scan3A_56 : i32
        }
        %scan3A_34 = arith.constant 8 : i32
        "tpu.region"() ({
          %run_scoped3A = tpu.sem_alloc : memref<!tpu.dma_semaphore, #tpu.memory_space<semaphore_mem>>
          %dma_start3A = arith.constant 0 : i32
          %dma_start3A_36 = tpu.memref_slice %arg6[%dma_start3A] : memref<1048576xf32, #tpu.memory_space<vmem_shared>> -> memref<1048576xf32, #tpu.memory_space<vmem_shared>>
          tpu.enqueue_indirect_dma source(%arg10 : memref<128xf32, #tpu.memory_space<vmem>>) target(%dma_start3A_36 : memref<1048576xf32, #tpu.memory_space<vmem_shared>>) offsets(%arg9 : memref<128xi32, #tpu.memory_space<vmem>>) semaphore(%run_scoped3A : memref<!tpu.dma_semaphore, #tpu.memory_space<semaphore_mem>>) {add = true}
          %dma_wait3A = arith.constant 0 : i32
          %dma_wait3A_37 = tpu.memref_slice %arg6[%dma_wait3A] : memref<1048576xf32, #tpu.memory_space<vmem_shared>> -> memref<1048576xf32, #tpu.memory_space<vmem_shared>>
          tpu.wait_indirect_dma semaphore(%run_scoped3A : memref<!tpu.dma_semaphore, #tpu.memory_space<semaphore_mem>>) src(%arg10 : memref<128xf32, #tpu.memory_space<vmem>>) dst(%dma_wait3A_37 : memref<1048576xf32, #tpu.memory_space<vmem_shared>>)
          tpu.yield
        }) : () -> ()
        %scan3A_35 = arith.constant 0 : i32
        scf.yield %scan3A_35 : i32
      }
      %scan3A_25 = arith.constant 8 : i32
    } else {
    }
    %barrier3A_13 = arith.constant 0 : index
    tpu.barrier barrier_id(%barrier3A_13)
    %eq3A_14 = arith.constant 0 : i32
    %eq3A_15 = arith.cmpi eq, %arg0, %eq3A_14 : i32
    %convert_element_type3A_16 = arith.extui %eq3A_15 : i1 to i32
    %cond3A_17 = arith.constant 0 : i32
    %cond3A_18 = arith.cmpi ne, %convert_element_type3A_16, %cond3A_17 : i32
    scf.if %cond3A_18 {
      %mul3A = arith.constant 65536 : i32
      %mul3A_19 = arith.muli %arg1, %mul3A : i32
      %mul3A_20 = arith.constant 65536 : i32
      %mul3A_21 = arith.muli %arg1, %mul3A_20 : i32
      "tpu.region"() ({
        %run_scoped3A = tpu.sem_alloc : memref<!tpu.dma_semaphore, #tpu.memory_space<semaphore_mem>>
        %dma_start3A = tpu.memref_slice %arg5[%mul3A_21] : memref<1048576xf32, #tpu.memory_space<hbm>> -> memref<65536xf32, #tpu.memory_space<hbm>>
        %dma_start3A_22 = tpu.memref_slice %arg6[%mul3A_19] : memref<1048576xf32, #tpu.memory_space<vmem_shared>> -> memref<65536xf32, #tpu.memory_space<vmem_shared>>
        tpu.enqueue_dma source(%dma_start3A_22 : memref<65536xf32, #tpu.memory_space<vmem_shared>>) target(%dma_start3A : memref<65536xf32, #tpu.memory_space<hbm>>) target_semaphore(%run_scoped3A : memref<!tpu.dma_semaphore, #tpu.memory_space<semaphore_mem>>)
        %dma_wait3A = tpu.memref_slice %arg5[%mul3A_21] : memref<1048576xf32, #tpu.memory_space<hbm>> -> memref<65536xf32, #tpu.memory_space<hbm>>
        %dma_wait3A_23 = tpu.memref_slice %arg6[%mul3A_19] : memref<1048576xf32, #tpu.memory_space<vmem_shared>> -> memref<65536xf32, #tpu.memory_space<vmem_shared>>
        tpu.wait_dma2 semaphore(%run_scoped3A : memref<!tpu.dma_semaphore, #tpu.memory_space<semaphore_mem>>) src(%dma_wait3A_23 : memref<65536xf32, #tpu.memory_space<vmem_shared>>) dst(%dma_wait3A : memref<65536xf32, #tpu.memory_space<hbm>>)
        tpu.yield
      }) : () -> ()
    } else {
    }
    return
  }
}

#map = affine_map<(d0, d1) -> (0, 0, 0, 0)>
#map1 = affine_map<(d0, d1) -> (0)>
#map2 = affine_map<(d0, d1) -> (0, 0)>
module attributes {stable_mosaic.version = 14 : i64} {
  func.func @_sc_hist(%arg0: i32, %arg1: i32, %arg2: memref<2x16x79x128xi32, #tpu.memory_space<hbm>>, %arg3: memref<640xf32, #tpu.memory_space<hbm>>, %arg4: memref<2x10240xf32, #tpu.memory_space<hbm>>, %arg5: memref<10240xf32, #tpu.memory_space<vmem_shared>>, %arg6: memref<79x128xi32, #tpu.memory_space<vmem>>, %arg7: memref<128xf32, #tpu.memory_space<vmem>>) attributes {dimension_semantics = [#tpu.dimension_semantics<core_parallel>, #tpu.dimension_semantics<subcore_parallel>], iteration_bounds = array<i64: 2, 16>, scalar_prefetch = 0 : i64, scratch_operands = 3 : i64, tpu.core_type = #tpu.core_type<sc_vector_subcore>, window_params = [{transform_indices = #map}, {transform_indices = #map1}, {transform_indices = #map2}]} {
    %scan3A = arith.constant 0 : i32
    %scan3A_0 = arith.constant 0 : i32
    %scan3A_1 = arith.constant 8 : i32
    %scan3A_2 = arith.addi %scan3A_0, %scan3A_1 : i32
    %scan3A_3 = arith.constant 1 : i32
    %scan3A_4 = scf.for %scan3A_19 = %scan3A_0 to %scan3A_2 step %scan3A_3 iter_args(%scan3A_20 = %scan3A) -> (i32)  : i32 {
      %broadcast_in_dim3A = arith.constant 1.000000e+00 : f32
      %broadcast_in_dim3A_21 = vector.broadcast %broadcast_in_dim3A : f32 to vector<16xf32>
      %mul3A_22 = arith.constant 16 : i32
      %mul3A_23 = arith.muli %scan3A_19, %mul3A_22 : i32
      %swap3A = arith.index_cast %mul3A_23 : i32 to index
      %swap3A_24 = tpu.vector_load %arg7[%swap3A] {strides = array<i32>} : memref<128xf32, #tpu.memory_space<vmem>>, vector<16xf32>,
      %swap3A_25 = vector.shape_cast %swap3A_24 : vector<16xf32> to vector<16xf32>
      %swap3A_26 = vector.shape_cast %broadcast_in_dim3A_21 : vector<16xf32> to vector<16xf32>
      tpu.vector_store %arg7[%swap3A], %swap3A_26 {strides = array<i32>} : memref<128xf32, #tpu.memory_space<vmem>>, vector<16xf32>,
      %scan3A_27 = arith.constant 0 : i32
      scf.yield %scan3A_27 : i32
    }
    %scan3A_5 = arith.constant 8 : i32
    %mul3A = arith.constant 640 : i32
    %mul3A_6 = arith.muli %arg1, %mul3A : i32
    "tpu.region"() ({
      %run_scoped3A = tpu.sem_alloc : memref<!tpu.dma_semaphore, #tpu.memory_space<semaphore_mem>>
      %dma_start3A = tpu.memref_slice %arg5[%mul3A_6] : memref<10240xf32, #tpu.memory_space<vmem_shared>> -> memref<640xf32, #tpu.memory_space<vmem_shared>>
      %dma_start3A_19 = arith.constant 0 : i32
      %dma_start3A_20 = tpu.memref_slice %arg3[%dma_start3A_19] : memref<640xf32, #tpu.memory_space<hbm>> -> memref<640xf32, #tpu.memory_space<hbm>>
      tpu.enqueue_dma source(%dma_start3A_20 : memref<640xf32, #tpu.memory_space<hbm>>) target(%dma_start3A : memref<640xf32, #tpu.memory_space<vmem_shared>>) target_semaphore(%run_scoped3A : memref<!tpu.dma_semaphore, #tpu.memory_space<semaphore_mem>>)
      %dma_wait3A = tpu.memref_slice %arg5[%mul3A_6] : memref<10240xf32, #tpu.memory_space<vmem_shared>> -> memref<640xf32, #tpu.memory_space<vmem_shared>>
      %dma_wait3A_21 = arith.constant 0 : i32
      %dma_wait3A_22 = tpu.memref_slice %arg3[%dma_wait3A_21] : memref<640xf32, #tpu.memory_space<hbm>> -> memref<640xf32, #tpu.memory_space<hbm>>
      tpu.wait_dma2 semaphore(%run_scoped3A : memref<!tpu.dma_semaphore, #tpu.memory_space<semaphore_mem>>) src(%dma_wait3A_22 : memref<640xf32, #tpu.memory_space<hbm>>) dst(%dma_wait3A : memref<640xf32, #tpu.memory_space<vmem_shared>>)
      tpu.yield
    }) : () -> ()
    "tpu.region"() ({
      %run_scoped3A = tpu.sem_alloc : memref<!tpu.dma_semaphore, #tpu.memory_space<semaphore_mem>>
      %dma_start3A = arith.constant 0 : i32
      %dma_start3A_19 = arith.constant 0 : i32
      %dma_start3A_20 = tpu.memref_slice %arg2[%arg0, %arg1, %dma_start3A, %dma_start3A_19] : memref<2x16x79x128xi32, #tpu.memory_space<hbm>> -> memref<1x1x79x128xi32, #tpu.memory_space<hbm>>
      %dma_start3A_21 = tpu.memref_squeeze %dma_start3A_20 : memref<1x1x79x128xi32, #tpu.memory_space<hbm>> -> memref<79x128xi32, #tpu.memory_space<hbm>>
      %dma_start3A_22 = arith.constant 0 : i32
      %dma_start3A_23 = arith.constant 0 : i32
      %dma_start3A_24 = tpu.memref_slice %arg2[%arg0, %arg1, %dma_start3A_22, %dma_start3A_23] : memref<2x16x79x128xi32, #tpu.memory_space<hbm>> -> memref<1x1x79x128xi32, #tpu.memory_space<hbm>>
      %dma_start3A_25 = tpu.memref_squeeze %dma_start3A_24 : memref<1x1x79x128xi32, #tpu.memory_space<hbm>> -> memref<79x128xi32, #tpu.memory_space<hbm>>
      tpu.enqueue_dma source(%dma_start3A_25 : memref<79x128xi32, #tpu.memory_space<hbm>>) target(%arg6 : memref<79x128xi32, #tpu.memory_space<vmem>>) target_semaphore(%run_scoped3A : memref<!tpu.dma_semaphore, #tpu.memory_space<semaphore_mem>>)
      %dma_wait3A = arith.constant 0 : i32
      %dma_wait3A_26 = arith.constant 0 : i32
      %dma_wait3A_27 = tpu.memref_slice %arg2[%arg0, %arg1, %dma_wait3A, %dma_wait3A_26] : memref<2x16x79x128xi32, #tpu.memory_space<hbm>> -> memref<1x1x79x128xi32, #tpu.memory_space<hbm>>
      %dma_wait3A_28 = tpu.memref_squeeze %dma_wait3A_27 : memref<1x1x79x128xi32, #tpu.memory_space<hbm>> -> memref<79x128xi32, #tpu.memory_space<hbm>>
      %dma_wait3A_29 = arith.constant 0 : i32
      %dma_wait3A_30 = arith.constant 0 : i32
      %dma_wait3A_31 = tpu.memref_slice %arg2[%arg0, %arg1, %dma_wait3A_29, %dma_wait3A_30] : memref<2x16x79x128xi32, #tpu.memory_space<hbm>> -> memref<1x1x79x128xi32, #tpu.memory_space<hbm>>
      %dma_wait3A_32 = tpu.memref_squeeze %dma_wait3A_31 : memref<1x1x79x128xi32, #tpu.memory_space<hbm>> -> memref<79x128xi32, #tpu.memory_space<hbm>>
      tpu.wait_dma2 semaphore(%run_scoped3A : memref<!tpu.dma_semaphore, #tpu.memory_space<semaphore_mem>>) src(%dma_wait3A_32 : memref<79x128xi32, #tpu.memory_space<hbm>>) dst(%arg6 : memref<79x128xi32, #tpu.memory_space<vmem>>)
      tpu.yield
    }) : () -> ()
    %barrier3A = arith.constant 0 : index
    tpu.barrier barrier_id(%barrier3A)
    %scan3A_7 = arith.constant 0 : i32
    %scan3A_8 = arith.constant 0 : i32
    %scan3A_9 = arith.constant 79 : i32
    %scan3A_10 = arith.addi %scan3A_8, %scan3A_9 : i32
    %scan3A_11 = arith.constant 1 : i32
    %scan3A_12 = scf.for %scan3A_19 = %scan3A_8 to %scan3A_10 step %scan3A_11 iter_args(%scan3A_20 = %scan3A_7) -> (i32)  : i32 {
      "tpu.region"() ({
        %run_scoped3A = tpu.sem_alloc : memref<!tpu.dma_semaphore, #tpu.memory_space<semaphore_mem>>
        %dma_start3A = arith.constant 0 : i32
        %dma_start3A_22 = tpu.memref_slice %arg6[%scan3A_19, %dma_start3A] : memref<79x128xi32, #tpu.memory_space<vmem>> -> memref<1x128xi32, #tpu.memory_space<vmem>>
        %dma_start3A_23 = tpu.memref_squeeze %dma_start3A_22 : memref<1x128xi32, #tpu.memory_space<vmem>> -> memref<128xi32, #tpu.memory_space<vmem>>
        %dma_start3A_24 = arith.constant 0 : i32
        %dma_start3A_25 = tpu.memref_slice %arg5[%dma_start3A_24] : memref<10240xf32, #tpu.memory_space<vmem_shared>> -> memref<10240xf32, #tpu.memory_space<vmem_shared>>
        tpu.enqueue_indirect_dma source(%arg7 : memref<128xf32, #tpu.memory_space<vmem>>) target(%dma_start3A_25 : memref<10240xf32, #tpu.memory_space<vmem_shared>>) offsets(%dma_start3A_23 : memref<128xi32, #tpu.memory_space<vmem>>) semaphore(%run_scoped3A : memref<!tpu.dma_semaphore, #tpu.memory_space<semaphore_mem>>) {add = true}
        %dma_wait3A = arith.constant 0 : i32
        %dma_wait3A_26 = tpu.memref_slice %arg6[%scan3A_19, %dma_wait3A] : memref<79x128xi32, #tpu.memory_space<vmem>> -> memref<1x128xi32, #tpu.memory_space<vmem>>
        %dma_wait3A_27 = tpu.memref_squeeze %dma_wait3A_26 : memref<1x128xi32, #tpu.memory_space<vmem>> -> memref<128xi32, #tpu.memory_space<vmem>>
        %dma_wait3A_28 = arith.constant 0 : i32
        %dma_wait3A_29 = tpu.memref_slice %arg5[%dma_wait3A_28] : memref<10240xf32, #tpu.memory_space<vmem_shared>> -> memref<10240xf32, #tpu.memory_space<vmem_shared>>
        tpu.wait_indirect_dma semaphore(%run_scoped3A : memref<!tpu.dma_semaphore, #tpu.memory_space<semaphore_mem>>) src(%arg7 : memref<128xf32, #tpu.memory_space<vmem>>) dst(%dma_wait3A_29 : memref<10240xf32, #tpu.memory_space<vmem_shared>>)
        tpu.yield
      }) : () -> ()
      %scan3A_21 = arith.constant 0 : i32
      scf.yield %scan3A_21 : i32
    }
    %scan3A_13 = arith.constant 79 : i32
    %barrier3A_14 = arith.constant 0 : index
    tpu.barrier barrier_id(%barrier3A_14)
    %mul3A_15 = arith.constant 640 : i32
    %mul3A_16 = arith.muli %arg1, %mul3A_15 : i32
    %mul3A_17 = arith.constant 640 : i32
    %mul3A_18 = arith.muli %arg1, %mul3A_17 : i32
    "tpu.region"() ({
      %run_scoped3A = tpu.sem_alloc : memref<!tpu.dma_semaphore, #tpu.memory_space<semaphore_mem>>
      %dma_start3A = tpu.memref_slice %arg4[%arg0, %mul3A_18] : memref<2x10240xf32, #tpu.memory_space<hbm>> -> memref<1x640xf32, #tpu.memory_space<hbm>>
      %dma_start3A_19 = tpu.memref_squeeze %dma_start3A : memref<1x640xf32, #tpu.memory_space<hbm>> -> memref<640xf32, #tpu.memory_space<hbm>>
      %dma_start3A_20 = tpu.memref_slice %arg5[%mul3A_16] : memref<10240xf32, #tpu.memory_space<vmem_shared>> -> memref<640xf32, #tpu.memory_space<vmem_shared>>
      tpu.enqueue_dma source(%dma_start3A_20 : memref<640xf32, #tpu.memory_space<vmem_shared>>) target(%dma_start3A_19 : memref<640xf32, #tpu.memory_space<hbm>>) target_semaphore(%run_scoped3A : memref<!tpu.dma_semaphore, #tpu.memory_space<semaphore_mem>>)
      %dma_wait3A = tpu.memref_slice %arg4[%arg0, %mul3A_18] : memref<2x10240xf32, #tpu.memory_space<hbm>> -> memref<1x640xf32, #tpu.memory_space<hbm>>
      %dma_wait3A_21 = tpu.memref_squeeze %dma_wait3A : memref<1x640xf32, #tpu.memory_space<hbm>> -> memref<640xf32, #tpu.memory_space<hbm>>
      %dma_wait3A_22 = tpu.memref_slice %arg5[%mul3A_16] : memref<10240xf32, #tpu.memory_space<vmem_shared>> -> memref<640xf32, #tpu.memory_space<vmem_shared>>
      tpu.wait_dma2 semaphore(%run_scoped3A : memref<!tpu.dma_semaphore, #tpu.memory_space<semaphore_mem>>) src(%dma_wait3A_22 : memref<640xf32, #tpu.memory_space<vmem_shared>>) dst(%dma_wait3A_21 : memref<640xf32, #tpu.memory_space<hbm>>)
      tpu.yield
    }) : () -> ()
    return
  }
}

#map = affine_map<(d0, d1) -> (0, 0)>
#map1 = affine_map<(d0, d1) -> (0, 0, 0, 0)>
#map2 = affine_map<(d0, d1) -> (0, 0, 0)>
module attributes {stable_mosaic.version = 14 : i64} {
  func.func @_sc_aggregate(%arg0: i32, %arg1: i32, %arg2: memref<10000x128xf32, #tpu.memory_space<hbm>>, %arg3: memref<640x128xf32, #tpu.memory_space<hbm>>, %arg4: memref<2x16x79x128xi32, #tpu.memory_space<hbm>>, %arg5: memref<2x16x79x128xi32, #tpu.memory_space<hbm>>, %arg6: memref<2x10240x128xf32, #tpu.memory_space<hbm>>, %arg7: memref<10240x128xf32, #tpu.memory_space<vmem_shared>>, %arg8: memref<79x128xi32, #tpu.memory_space<vmem>>, %arg9: memref<79x128xi32, #tpu.memory_space<vmem>>, %arg10: memref<128x128xf32, #tpu.memory_space<vmem>>, %arg11: memref<!tpu.dma_semaphore, #tpu.memory_space<semaphore_mem>>) attributes {dimension_semantics = [#tpu.dimension_semantics<core_parallel>, #tpu.dimension_semantics<subcore_parallel>], iteration_bounds = array<i64: 2, 16>, scalar_prefetch = 0 : i64, scratch_operands = 5 : i64, tpu.core_type = #tpu.core_type<sc_vector_subcore>, window_params = [{transform_indices = #map}, {transform_indices = #map}, {transform_indices = #map1}, {transform_indices = #map1}, {transform_indices = #map2}]} {
    %mul3A = arith.constant 640 : i32
    %mul3A_0 = arith.muli %arg1, %mul3A : i32
    "tpu.region"() ({
      %run_scoped3A = tpu.sem_alloc : memref<!tpu.dma_semaphore, #tpu.memory_space<semaphore_mem>>
      %dma_start3A = arith.constant 0 : i32
      %dma_start3A_8 = tpu.memref_slice %arg7[%mul3A_0, %dma_start3A] : memref<10240x128xf32, #tpu.memory_space<vmem_shared>> -> memref<640x128xf32, #tpu.memory_space<vmem_shared>>
      tpu.enqueue_dma source(%arg3 : memref<640x128xf32, #tpu.memory_space<hbm>>) target(%dma_start3A_8 : memref<640x128xf32, #tpu.memory_space<vmem_shared>>) target_semaphore(%run_scoped3A : memref<!tpu.dma_semaphore, #tpu.memory_space<semaphore_mem>>)
      %dma_wait3A = arith.constant 0 : i32
      %dma_wait3A_9 = tpu.memref_slice %arg7[%mul3A_0, %dma_wait3A] : memref<10240x128xf32, #tpu.memory_space<vmem_shared>> -> memref<640x128xf32, #tpu.memory_space<vmem_shared>>
      tpu.wait_dma2 semaphore(%run_scoped3A : memref<!tpu.dma_semaphore, #tpu.memory_space<semaphore_mem>>) src(%arg3 : memref<640x128xf32, #tpu.memory_space<hbm>>) dst(%dma_wait3A_9 : memref<640x128xf32, #tpu.memory_space<vmem_shared>>)
      tpu.yield
    }) : () -> ()
    "tpu.region"() ({
      %run_scoped3A = tpu.sem_alloc : memref<!tpu.dma_semaphore, #tpu.memory_space<semaphore_mem>>
      %dma_start3A = arith.constant 0 : i32
      %dma_start3A_8 = arith.constant 0 : i32
      %dma_start3A_9 = tpu.memref_slice %arg4[%arg0, %arg1, %dma_start3A, %dma_start3A_8] : memref<2x16x79x128xi32, #tpu.memory_space<hbm>> -> memref<1x1x79x128xi32, #tpu.memory_space<hbm>>
      %dma_start3A_10 = tpu.memref_squeeze %dma_start3A_9 : memref<1x1x79x128xi32, #tpu.memory_space<hbm>> -> memref<79x128xi32, #tpu.memory_space<hbm>>
      %dma_start3A_11 = arith.constant 0 : i32
      %dma_start3A_12 = arith.constant 0 : i32
      %dma_start3A_13 = tpu.memref_slice %arg4[%arg0, %arg1, %dma_start3A_11, %dma_start3A_12] : memref<2x16x79x128xi32, #tpu.memory_space<hbm>> -> memref<1x1x79x128xi32, #tpu.memory_space<hbm>>
      %dma_start3A_14 = tpu.memref_squeeze %dma_start3A_13 : memref<1x1x79x128xi32, #tpu.memory_space<hbm>> -> memref<79x128xi32, #tpu.memory_space<hbm>>
      tpu.enqueue_dma source(%dma_start3A_14 : memref<79x128xi32, #tpu.memory_space<hbm>>) target(%arg8 : memref<79x128xi32, #tpu.memory_space<vmem>>) target_semaphore(%run_scoped3A : memref<!tpu.dma_semaphore, #tpu.memory_space<semaphore_mem>>)
      %dma_wait3A = arith.constant 0 : i32
      %dma_wait3A_15 = arith.constant 0 : i32
      %dma_wait3A_16 = tpu.memref_slice %arg4[%arg0, %arg1, %dma_wait3A, %dma_wait3A_15] : memref<2x16x79x128xi32, #tpu.memory_space<hbm>> -> memref<1x1x79x128xi32, #tpu.memory_space<hbm>>
      %dma_wait3A_17 = tpu.memref_squeeze %dma_wait3A_16 : memref<1x1x79x128xi32, #tpu.memory_space<hbm>> -> memref<79x128xi32, #tpu.memory_space<hbm>>
      %dma_wait3A_18 = arith.constant 0 : i32
      %dma_wait3A_19 = arith.constant 0 : i32
      %dma_wait3A_20 = tpu.memref_slice %arg4[%arg0, %arg1, %dma_wait3A_18, %dma_wait3A_19] : memref<2x16x79x128xi32, #tpu.memory_space<hbm>> -> memref<1x1x79x128xi32, #tpu.memory_space<hbm>>
      %dma_wait3A_21 = tpu.memref_squeeze %dma_wait3A_20 : memref<1x1x79x128xi32, #tpu.memory_space<hbm>> -> memref<79x128xi32, #tpu.memory_space<hbm>>
      tpu.wait_dma2 semaphore(%run_scoped3A : memref<!tpu.dma_semaphore, #tpu.memory_space<semaphore_mem>>) src(%dma_wait3A_21 : memref<79x128xi32, #tpu.memory_space<hbm>>) dst(%arg8 : memref<79x128xi32, #tpu.memory_space<vmem>>)
      tpu.yield
    }) : () -> ()
    "tpu.region"() ({
      %run_scoped3A = tpu.sem_alloc : memref<!tpu.dma_semaphore, #tpu.memory_space<semaphore_mem>>
      %dma_start3A = arith.constant 0 : i32
      %dma_start3A_8 = arith.constant 0 : i32
      %dma_start3A_9 = tpu.memref_slice %arg5[%arg0, %arg1, %dma_start3A, %dma_start3A_8] : memref<2x16x79x128xi32, #tpu.memory_space<hbm>> -> memref<1x1x79x128xi32, #tpu.memory_space<hbm>>
      %dma_start3A_10 = tpu.memref_squeeze %dma_start3A_9 : memref<1x1x79x128xi32, #tpu.memory_space<hbm>> -> memref<79x128xi32, #tpu.memory_space<hbm>>
      %dma_start3A_11 = arith.constant 0 : i32
      %dma_start3A_12 = arith.constant 0 : i32
      %dma_start3A_13 = tpu.memref_slice %arg5[%arg0, %arg1, %dma_start3A_11, %dma_start3A_12] : memref<2x16x79x128xi32, #tpu.memory_space<hbm>> -> memref<1x1x79x128xi32, #tpu.memory_space<hbm>>
      %dma_start3A_14 = tpu.memref_squeeze %dma_start3A_13 : memref<1x1x79x128xi32, #tpu.memory_space<hbm>> -> memref<79x128xi32, #tpu.memory_space<hbm>>
      tpu.enqueue_dma source(%dma_start3A_14 : memref<79x128xi32, #tpu.memory_space<hbm>>) target(%arg9 : memref<79x128xi32, #tpu.memory_space<vmem>>) target_semaphore(%run_scoped3A : memref<!tpu.dma_semaphore, #tpu.memory_space<semaphore_mem>>)
      %dma_wait3A = arith.constant 0 : i32
      %dma_wait3A_15 = arith.constant 0 : i32
      %dma_wait3A_16 = tpu.memref_slice %arg5[%arg0, %arg1, %dma_wait3A, %dma_wait3A_15] : memref<2x16x79x128xi32, #tpu.memory_space<hbm>> -> memref<1x1x79x128xi32, #tpu.memory_space<hbm>>
      %dma_wait3A_17 = tpu.memref_squeeze %dma_wait3A_16 : memref<1x1x79x128xi32, #tpu.memory_space<hbm>> -> memref<79x128xi32, #tpu.memory_space<hbm>>
      %dma_wait3A_18 = arith.constant 0 : i32
      %dma_wait3A_19 = arith.constant 0 : i32
      %dma_wait3A_20 = tpu.memref_slice %arg5[%arg0, %arg1, %dma_wait3A_18, %dma_wait3A_19] : memref<2x16x79x128xi32, #tpu.memory_space<hbm>> -> memref<1x1x79x128xi32, #tpu.memory_space<hbm>>
      %dma_wait3A_21 = tpu.memref_squeeze %dma_wait3A_20 : memref<1x1x79x128xi32, #tpu.memory_space<hbm>> -> memref<79x128xi32, #tpu.memory_space<hbm>>
      tpu.wait_dma2 semaphore(%run_scoped3A : memref<!tpu.dma_semaphore, #tpu.memory_space<semaphore_mem>>) src(%dma_wait3A_21 : memref<79x128xi32, #tpu.memory_space<hbm>>) dst(%arg9 : memref<79x128xi32, #tpu.memory_space<vmem>>)
      tpu.yield
    }) : () -> ()
    %barrier3A = arith.constant 0 : index
    tpu.barrier barrier_id(%barrier3A)
    %scan3A = arith.constant 0 : i32
    %scan3A_1 = arith.constant 0 : i32
    %scan3A_2 = arith.constant 79 : i32
    %scan3A_3 = arith.addi %scan3A_1, %scan3A_2 : i32
    %scan3A_4 = arith.constant 1 : i32
    %scan3A_5 = scf.for %scan3A_8 = %scan3A_1 to %scan3A_3 step %scan3A_4 iter_args(%scan3A_9 = %scan3A) -> (i32)  : i32 {
      %dma_start3A = arith.constant 0 : i32
      %dma_start3A_10 = tpu.memref_slice %arg8[%scan3A_8, %dma_start3A] : memref<79x128xi32, #tpu.memory_space<vmem>> -> memref<1x128xi32, #tpu.memory_space<vmem>>
      %dma_start3A_11 = tpu.memref_squeeze %dma_start3A_10 : memref<1x128xi32, #tpu.memory_space<vmem>> -> memref<128xi32, #tpu.memory_space<vmem>>
      %dma_start3A_12 = arith.constant 0 : i32
      %dma_start3A_13 = arith.constant 0 : i32
      %dma_start3A_14 = tpu.memref_slice %arg2[%dma_start3A_12, %dma_start3A_13] : memref<10000x128xf32, #tpu.memory_space<hbm>> -> memref<10000x128xf32, #tpu.memory_space<hbm>>
      tpu.enqueue_indirect_dma source(%dma_start3A_14 : memref<10000x128xf32, #tpu.memory_space<hbm>>) target(%arg10 : memref<128x128xf32, #tpu.memory_space<vmem>>) offsets(%dma_start3A_11 : memref<128xi32, #tpu.memory_space<vmem>>) semaphore(%arg11 : memref<!tpu.dma_semaphore, #tpu.memory_space<semaphore_mem>>)
      %dma_wait3A = arith.constant 0 : i32
      %dma_wait3A_15 = tpu.memref_slice %arg8[%scan3A_8, %dma_wait3A] : memref<79x128xi32, #tpu.memory_space<vmem>> -> memref<1x128xi32, #tpu.memory_space<vmem>>
      %dma_wait3A_16 = tpu.memref_squeeze %dma_wait3A_15 : memref<1x128xi32, #tpu.memory_space<vmem>> -> memref<128xi32, #tpu.memory_space<vmem>>
      %dma_wait3A_17 = arith.constant 0 : i32
      %dma_wait3A_18 = arith.constant 0 : i32
      %dma_wait3A_19 = tpu.memref_slice %arg2[%dma_wait3A_17, %dma_wait3A_18] : memref<10000x128xf32, #tpu.memory_space<hbm>> -> memref<10000x128xf32, #tpu.memory_space<hbm>>
      tpu.wait_indirect_dma semaphore(%arg11 : memref<!tpu.dma_semaphore, #tpu.memory_space<semaphore_mem>>) src(%dma_wait3A_19 : memref<10000x128xf32, #tpu.memory_space<hbm>>) dst(%arg10 : memref<128x128xf32, #tpu.memory_space<vmem>>)
      "tpu.region"() ({
        %run_scoped3A = tpu.sem_alloc : memref<!tpu.dma_semaphore, #tpu.memory_space<semaphore_mem>>
        %dma_start3A_21 = arith.constant 0 : i32
        %dma_start3A_22 = tpu.memref_slice %arg9[%scan3A_8, %dma_start3A_21] : memref<79x128xi32, #tpu.memory_space<vmem>> -> memref<1x128xi32, #tpu.memory_space<vmem>>
        %dma_start3A_23 = tpu.memref_squeeze %dma_start3A_22 : memref<1x128xi32, #tpu.memory_space<vmem>> -> memref<128xi32, #tpu.memory_space<vmem>>
        %dma_start3A_24 = arith.constant 0 : i32
        %dma_start3A_25 = arith.constant 0 : i32
        %dma_start3A_26 = tpu.memref_slice %arg7[%dma_start3A_24, %dma_start3A_25] : memref<10240x128xf32, #tpu.memory_space<vmem_shared>> -> memref<10240x128xf32, #tpu.memory_space<vmem_shared>>
        tpu.enqueue_indirect_dma source(%arg10 : memref<128x128xf32, #tpu.memory_space<vmem>>) target(%dma_start3A_26 : memref<10240x128xf32, #tpu.memory_space<vmem_shared>>) offsets(%dma_start3A_23 : memref<128xi32, #tpu.memory_space<vmem>>) semaphore(%run_scoped3A : memref<!tpu.dma_semaphore, #tpu.memory_space<semaphore_mem>>) {add = true}
        %dma_wait3A_27 = arith.constant 0 : i32
        %dma_wait3A_28 = tpu.memref_slice %arg9[%scan3A_8, %dma_wait3A_27] : memref<79x128xi32, #tpu.memory_space<vmem>> -> memref<1x128xi32, #tpu.memory_space<vmem>>
        %dma_wait3A_29 = tpu.memref_squeeze %dma_wait3A_28 : memref<1x128xi32, #tpu.memory_space<vmem>> -> memref<128xi32, #tpu.memory_space<vmem>>
        %dma_wait3A_30 = arith.constant 0 : i32
        %dma_wait3A_31 = arith.constant 0 : i32
        %dma_wait3A_32 = tpu.memref_slice %arg7[%dma_wait3A_30, %dma_wait3A_31] : memref<10240x128xf32, #tpu.memory_space<vmem_shared>> -> memref<10240x128xf32, #tpu.memory_space<vmem_shared>>
        tpu.wait_indirect_dma semaphore(%run_scoped3A : memref<!tpu.dma_semaphore, #tpu.memory_space<semaphore_mem>>) src(%arg10 : memref<128x128xf32, #tpu.memory_space<vmem>>) dst(%dma_wait3A_32 : memref<10240x128xf32, #tpu.memory_space<vmem_shared>>)
        tpu.yield
      }) : () -> ()
      %scan3A_20 = arith.constant 0 : i32
      scf.yield %scan3A_20 : i32
    }
    %scan3A_6 = arith.constant 79 : i32
    %barrier3A_7 = arith.constant 0 : index
    tpu.barrier barrier_id(%barrier3A_7)
    "tpu.region"() ({
      %run_scoped3A = tpu.sem_alloc : memref<!tpu.dma_semaphore, #tpu.memory_space<semaphore_mem>>
      %dma_start3A = arith.constant 0 : i32
      %dma_start3A_8 = tpu.memref_slice %arg6[%arg0, %mul3A_0, %dma_start3A] : memref<2x10240x128xf32, #tpu.memory_space<hbm>> -> memref<1x640x128xf32, #tpu.memory_space<hbm>>
      %dma_start3A_9 = tpu.memref_squeeze %dma_start3A_8 : memref<1x640x128xf32, #tpu.memory_space<hbm>> -> memref<640x128xf32, #tpu.memory_space<hbm>>
      %dma_start3A_10 = arith.constant 0 : i32
      %dma_start3A_11 = tpu.memref_slice %arg7[%mul3A_0, %dma_start3A_10] : memref<10240x128xf32, #tpu.memory_space<vmem_shared>> -> memref<640x128xf32, #tpu.memory_space<vmem_shared>>
      tpu.enqueue_dma source(%dma_start3A_11 : memref<640x128xf32, #tpu.memory_space<vmem_shared>>) target(%dma_start3A_9 : memref<640x128xf32, #tpu.memory_space<hbm>>) target_semaphore(%run_scoped3A : memref<!tpu.dma_semaphore, #tpu.memory_space<semaphore_mem>>)
      %dma_wait3A = arith.constant 0 : i32
      %dma_wait3A_12 = tpu.memref_slice %arg6[%arg0, %mul3A_0, %dma_wait3A] : memref<2x10240x128xf32, #tpu.memory_space<hbm>> -> memref<1x640x128xf32, #tpu.memory_space<hbm>>
      %dma_wait3A_13 = tpu.memref_squeeze %dma_wait3A_12 : memref<1x640x128xf32, #tpu.memory_space<hbm>> -> memref<640x128xf32, #tpu.memory_space<hbm>>
      %dma_wait3A_14 = arith.constant 0 : i32
      %dma_wait3A_15 = tpu.memref_slice %arg7[%mul3A_0, %dma_wait3A_14] : memref<10240x128xf32, #tpu.memory_space<vmem_shared>> -> memref<640x128xf32, #tpu.memory_space<vmem_shared>>
      tpu.wait_dma2 semaphore(%run_scoped3A : memref<!tpu.dma_semaphore, #tpu.memory_space<semaphore_mem>>) src(%dma_wait3A_15 : memref<640x128xf32, #tpu.memory_space<vmem_shared>>) dst(%dma_wait3A_13 : memref<640x128xf32, #tpu.memory_space<hbm>>)
      tpu.yield
    }) : () -> ()
    return
  }
}

#map = affine_map<(d0, d1) -> (0, 0)>
#map1 = affine_map<(d0, d1) -> (0, 0, 0, 0)>
#map2 = affine_map<(d0, d1) -> (0, 0, 0)>
module attributes {stable_mosaic.version = 14 : i64} {
  func.func @_sc_aggregate(%arg0: i32, %arg1: i32, %arg2: memref<10240x128xf32, #tpu.memory_space<hbm>>, %arg3: memref<640x128xf32, #tpu.memory_space<hbm>>, %arg4: memref<2x16x79x128xi32, #tpu.memory_space<hbm>>, %arg5: memref<2x16x79x128xi32, #tpu.memory_space<hbm>>, %arg6: memref<2x10240x128xf32, #tpu.memory_space<hbm>>, %arg7: memref<10240x128xf32, #tpu.memory_space<vmem_shared>>, %arg8: memref<79x128xi32, #tpu.memory_space<vmem>>, %arg9: memref<79x128xi32, #tpu.memory_space<vmem>>, %arg10: memref<128x128xf32, #tpu.memory_space<vmem>>, %arg11: memref<!tpu.dma_semaphore, #tpu.memory_space<semaphore_mem>>) attributes {dimension_semantics = [#tpu.dimension_semantics<core_parallel>, #tpu.dimension_semantics<subcore_parallel>], iteration_bounds = array<i64: 2, 16>, scalar_prefetch = 0 : i64, scratch_operands = 5 : i64, tpu.core_type = #tpu.core_type<sc_vector_subcore>, window_params = [{transform_indices = #map}, {transform_indices = #map}, {transform_indices = #map1}, {transform_indices = #map1}, {transform_indices = #map2}]} {
    %mul3A = arith.constant 640 : i32
    %mul3A_0 = arith.muli %arg1, %mul3A : i32
    "tpu.region"() ({
      %run_scoped3A = tpu.sem_alloc : memref<!tpu.dma_semaphore, #tpu.memory_space<semaphore_mem>>
      %dma_start3A = arith.constant 0 : i32
      %dma_start3A_8 = tpu.memref_slice %arg7[%mul3A_0, %dma_start3A] : memref<10240x128xf32, #tpu.memory_space<vmem_shared>> -> memref<640x128xf32, #tpu.memory_space<vmem_shared>>
      tpu.enqueue_dma source(%arg3 : memref<640x128xf32, #tpu.memory_space<hbm>>) target(%dma_start3A_8 : memref<640x128xf32, #tpu.memory_space<vmem_shared>>) target_semaphore(%run_scoped3A : memref<!tpu.dma_semaphore, #tpu.memory_space<semaphore_mem>>)
      %dma_wait3A = arith.constant 0 : i32
      %dma_wait3A_9 = tpu.memref_slice %arg7[%mul3A_0, %dma_wait3A] : memref<10240x128xf32, #tpu.memory_space<vmem_shared>> -> memref<640x128xf32, #tpu.memory_space<vmem_shared>>
      tpu.wait_dma2 semaphore(%run_scoped3A : memref<!tpu.dma_semaphore, #tpu.memory_space<semaphore_mem>>) src(%arg3 : memref<640x128xf32, #tpu.memory_space<hbm>>) dst(%dma_wait3A_9 : memref<640x128xf32, #tpu.memory_space<vmem_shared>>)
      tpu.yield
    }) : () -> ()
    "tpu.region"() ({
      %run_scoped3A = tpu.sem_alloc : memref<!tpu.dma_semaphore, #tpu.memory_space<semaphore_mem>>
      %dma_start3A = arith.constant 0 : i32
      %dma_start3A_8 = arith.constant 0 : i32
      %dma_start3A_9 = tpu.memref_slice %arg4[%arg0, %arg1, %dma_start3A, %dma_start3A_8] : memref<2x16x79x128xi32, #tpu.memory_space<hbm>> -> memref<1x1x79x128xi32, #tpu.memory_space<hbm>>
      %dma_start3A_10 = tpu.memref_squeeze %dma_start3A_9 : memref<1x1x79x128xi32, #tpu.memory_space<hbm>> -> memref<79x128xi32, #tpu.memory_space<hbm>>
      %dma_start3A_11 = arith.constant 0 : i32
      %dma_start3A_12 = arith.constant 0 : i32
      %dma_start3A_13 = tpu.memref_slice %arg4[%arg0, %arg1, %dma_start3A_11, %dma_start3A_12] : memref<2x16x79x128xi32, #tpu.memory_space<hbm>> -> memref<1x1x79x128xi32, #tpu.memory_space<hbm>>
      %dma_start3A_14 = tpu.memref_squeeze %dma_start3A_13 : memref<1x1x79x128xi32, #tpu.memory_space<hbm>> -> memref<79x128xi32, #tpu.memory_space<hbm>>
      tpu.enqueue_dma source(%dma_start3A_14 : memref<79x128xi32, #tpu.memory_space<hbm>>) target(%arg8 : memref<79x128xi32, #tpu.memory_space<vmem>>) target_semaphore(%run_scoped3A : memref<!tpu.dma_semaphore, #tpu.memory_space<semaphore_mem>>)
      %dma_wait3A = arith.constant 0 : i32
      %dma_wait3A_15 = arith.constant 0 : i32
      %dma_wait3A_16 = tpu.memref_slice %arg4[%arg0, %arg1, %dma_wait3A, %dma_wait3A_15] : memref<2x16x79x128xi32, #tpu.memory_space<hbm>> -> memref<1x1x79x128xi32, #tpu.memory_space<hbm>>
      %dma_wait3A_17 = tpu.memref_squeeze %dma_wait3A_16 : memref<1x1x79x128xi32, #tpu.memory_space<hbm>> -> memref<79x128xi32, #tpu.memory_space<hbm>>
      %dma_wait3A_18 = arith.constant 0 : i32
      %dma_wait3A_19 = arith.constant 0 : i32
      %dma_wait3A_20 = tpu.memref_slice %arg4[%arg0, %arg1, %dma_wait3A_18, %dma_wait3A_19] : memref<2x16x79x128xi32, #tpu.memory_space<hbm>> -> memref<1x1x79x128xi32, #tpu.memory_space<hbm>>
      %dma_wait3A_21 = tpu.memref_squeeze %dma_wait3A_20 : memref<1x1x79x128xi32, #tpu.memory_space<hbm>> -> memref<79x128xi32, #tpu.memory_space<hbm>>
      tpu.wait_dma2 semaphore(%run_scoped3A : memref<!tpu.dma_semaphore, #tpu.memory_space<semaphore_mem>>) src(%dma_wait3A_21 : memref<79x128xi32, #tpu.memory_space<hbm>>) dst(%arg8 : memref<79x128xi32, #tpu.memory_space<vmem>>)
      tpu.yield
    }) : () -> ()
    "tpu.region"() ({
      %run_scoped3A = tpu.sem_alloc : memref<!tpu.dma_semaphore, #tpu.memory_space<semaphore_mem>>
      %dma_start3A = arith.constant 0 : i32
      %dma_start3A_8 = arith.constant 0 : i32
      %dma_start3A_9 = tpu.memref_slice %arg5[%arg0, %arg1, %dma_start3A, %dma_start3A_8] : memref<2x16x79x128xi32, #tpu.memory_space<hbm>> -> memref<1x1x79x128xi32, #tpu.memory_space<hbm>>
      %dma_start3A_10 = tpu.memref_squeeze %dma_start3A_9 : memref<1x1x79x128xi32, #tpu.memory_space<hbm>> -> memref<79x128xi32, #tpu.memory_space<hbm>>
      %dma_start3A_11 = arith.constant 0 : i32
      %dma_start3A_12 = arith.constant 0 : i32
      %dma_start3A_13 = tpu.memref_slice %arg5[%arg0, %arg1, %dma_start3A_11, %dma_start3A_12] : memref<2x16x79x128xi32, #tpu.memory_space<hbm>> -> memref<1x1x79x128xi32, #tpu.memory_space<hbm>>
      %dma_start3A_14 = tpu.memref_squeeze %dma_start3A_13 : memref<1x1x79x128xi32, #tpu.memory_space<hbm>> -> memref<79x128xi32, #tpu.memory_space<hbm>>
      tpu.enqueue_dma source(%dma_start3A_14 : memref<79x128xi32, #tpu.memory_space<hbm>>) target(%arg9 : memref<79x128xi32, #tpu.memory_space<vmem>>) target_semaphore(%run_scoped3A : memref<!tpu.dma_semaphore, #tpu.memory_space<semaphore_mem>>)
      %dma_wait3A = arith.constant 0 : i32
      %dma_wait3A_15 = arith.constant 0 : i32
      %dma_wait3A_16 = tpu.memref_slice %arg5[%arg0, %arg1, %dma_wait3A, %dma_wait3A_15] : memref<2x16x79x128xi32, #tpu.memory_space<hbm>> -> memref<1x1x79x128xi32, #tpu.memory_space<hbm>>
      %dma_wait3A_17 = tpu.memref_squeeze %dma_wait3A_16 : memref<1x1x79x128xi32, #tpu.memory_space<hbm>> -> memref<79x128xi32, #tpu.memory_space<hbm>>
      %dma_wait3A_18 = arith.constant 0 : i32
      %dma_wait3A_19 = arith.constant 0 : i32
      %dma_wait3A_20 = tpu.memref_slice %arg5[%arg0, %arg1, %dma_wait3A_18, %dma_wait3A_19] : memref<2x16x79x128xi32, #tpu.memory_space<hbm>> -> memref<1x1x79x128xi32, #tpu.memory_space<hbm>>
      %dma_wait3A_21 = tpu.memref_squeeze %dma_wait3A_20 : memref<1x1x79x128xi32, #tpu.memory_space<hbm>> -> memref<79x128xi32, #tpu.memory_space<hbm>>
      tpu.wait_dma2 semaphore(%run_scoped3A : memref<!tpu.dma_semaphore, #tpu.memory_space<semaphore_mem>>) src(%dma_wait3A_21 : memref<79x128xi32, #tpu.memory_space<hbm>>) dst(%arg9 : memref<79x128xi32, #tpu.memory_space<vmem>>)
      tpu.yield
    }) : () -> ()
    %barrier3A = arith.constant 0 : index
    tpu.barrier barrier_id(%barrier3A)
    %scan3A = arith.constant 0 : i32
    %scan3A_1 = arith.constant 0 : i32
    %scan3A_2 = arith.constant 79 : i32
    %scan3A_3 = arith.addi %scan3A_1, %scan3A_2 : i32
    %scan3A_4 = arith.constant 1 : i32
    %scan3A_5 = scf.for %scan3A_8 = %scan3A_1 to %scan3A_3 step %scan3A_4 iter_args(%scan3A_9 = %scan3A) -> (i32)  : i32 {
      %dma_start3A = arith.constant 0 : i32
      %dma_start3A_10 = tpu.memref_slice %arg8[%scan3A_8, %dma_start3A] : memref<79x128xi32, #tpu.memory_space<vmem>> -> memref<1x128xi32, #tpu.memory_space<vmem>>
      %dma_start3A_11 = tpu.memref_squeeze %dma_start3A_10 : memref<1x128xi32, #tpu.memory_space<vmem>> -> memref<128xi32, #tpu.memory_space<vmem>>
      %dma_start3A_12 = arith.constant 0 : i32
      %dma_start3A_13 = arith.constant 0 : i32
      %dma_start3A_14 = tpu.memref_slice %arg2[%dma_start3A_12, %dma_start3A_13] : memref<10240x128xf32, #tpu.memory_space<hbm>> -> memref<10240x128xf32, #tpu.memory_space<hbm>>
      tpu.enqueue_indirect_dma source(%dma_start3A_14 : memref<10240x128xf32, #tpu.memory_space<hbm>>) target(%arg10 : memref<128x128xf32, #tpu.memory_space<vmem>>) offsets(%dma_start3A_11 : memref<128xi32, #tpu.memory_space<vmem>>) semaphore(%arg11 : memref<!tpu.dma_semaphore, #tpu.memory_space<semaphore_mem>>)
      %dma_wait3A = arith.constant 0 : i32
      %dma_wait3A_15 = tpu.memref_slice %arg8[%scan3A_8, %dma_wait3A] : memref<79x128xi32, #tpu.memory_space<vmem>> -> memref<1x128xi32, #tpu.memory_space<vmem>>
      %dma_wait3A_16 = tpu.memref_squeeze %dma_wait3A_15 : memref<1x128xi32, #tpu.memory_space<vmem>> -> memref<128xi32, #tpu.memory_space<vmem>>
      %dma_wait3A_17 = arith.constant 0 : i32
      %dma_wait3A_18 = arith.constant 0 : i32
      %dma_wait3A_19 = tpu.memref_slice %arg2[%dma_wait3A_17, %dma_wait3A_18] : memref<10240x128xf32, #tpu.memory_space<hbm>> -> memref<10240x128xf32, #tpu.memory_space<hbm>>
      tpu.wait_indirect_dma semaphore(%arg11 : memref<!tpu.dma_semaphore, #tpu.memory_space<semaphore_mem>>) src(%dma_wait3A_19 : memref<10240x128xf32, #tpu.memory_space<hbm>>) dst(%arg10 : memref<128x128xf32, #tpu.memory_space<vmem>>)
      "tpu.region"() ({
        %run_scoped3A = tpu.sem_alloc : memref<!tpu.dma_semaphore, #tpu.memory_space<semaphore_mem>>
        %dma_start3A_21 = arith.constant 0 : i32
        %dma_start3A_22 = tpu.memref_slice %arg9[%scan3A_8, %dma_start3A_21] : memref<79x128xi32, #tpu.memory_space<vmem>> -> memref<1x128xi32, #tpu.memory_space<vmem>>
        %dma_start3A_23 = tpu.memref_squeeze %dma_start3A_22 : memref<1x128xi32, #tpu.memory_space<vmem>> -> memref<128xi32, #tpu.memory_space<vmem>>
        %dma_start3A_24 = arith.constant 0 : i32
        %dma_start3A_25 = arith.constant 0 : i32
        %dma_start3A_26 = tpu.memref_slice %arg7[%dma_start3A_24, %dma_start3A_25] : memref<10240x128xf32, #tpu.memory_space<vmem_shared>> -> memref<10240x128xf32, #tpu.memory_space<vmem_shared>>
        tpu.enqueue_indirect_dma source(%arg10 : memref<128x128xf32, #tpu.memory_space<vmem>>) target(%dma_start3A_26 : memref<10240x128xf32, #tpu.memory_space<vmem_shared>>) offsets(%dma_start3A_23 : memref<128xi32, #tpu.memory_space<vmem>>) semaphore(%run_scoped3A : memref<!tpu.dma_semaphore, #tpu.memory_space<semaphore_mem>>) {add = true}
        %dma_wait3A_27 = arith.constant 0 : i32
        %dma_wait3A_28 = tpu.memref_slice %arg9[%scan3A_8, %dma_wait3A_27] : memref<79x128xi32, #tpu.memory_space<vmem>> -> memref<1x128xi32, #tpu.memory_space<vmem>>
        %dma_wait3A_29 = tpu.memref_squeeze %dma_wait3A_28 : memref<1x128xi32, #tpu.memory_space<vmem>> -> memref<128xi32, #tpu.memory_space<vmem>>
        %dma_wait3A_30 = arith.constant 0 : i32
        %dma_wait3A_31 = arith.constant 0 : i32
        %dma_wait3A_32 = tpu.memref_slice %arg7[%dma_wait3A_30, %dma_wait3A_31] : memref<10240x128xf32, #tpu.memory_space<vmem_shared>> -> memref<10240x128xf32, #tpu.memory_space<vmem_shared>>
        tpu.wait_indirect_dma semaphore(%run_scoped3A : memref<!tpu.dma_semaphore, #tpu.memory_space<semaphore_mem>>) src(%arg10 : memref<128x128xf32, #tpu.memory_space<vmem>>) dst(%dma_wait3A_32 : memref<10240x128xf32, #tpu.memory_space<vmem_shared>>)
        tpu.yield
      }) : () -> ()
      %scan3A_20 = arith.constant 0 : i32
      scf.yield %scan3A_20 : i32
    }
    %scan3A_6 = arith.constant 79 : i32
    %barrier3A_7 = arith.constant 0 : index
    tpu.barrier barrier_id(%barrier3A_7)
    "tpu.region"() ({
      %run_scoped3A = tpu.sem_alloc : memref<!tpu.dma_semaphore, #tpu.memory_space<semaphore_mem>>
      %dma_start3A = arith.constant 0 : i32
      %dma_start3A_8 = tpu.memref_slice %arg6[%arg0, %mul3A_0, %dma_start3A] : memref<2x10240x128xf32, #tpu.memory_space<hbm>> -> memref<1x640x128xf32, #tpu.memory_space<hbm>>
      %dma_start3A_9 = tpu.memref_squeeze %dma_start3A_8 : memref<1x640x128xf32, #tpu.memory_space<hbm>> -> memref<640x128xf32, #tpu.memory_space<hbm>>
      %dma_start3A_10 = arith.constant 0 : i32
      %dma_start3A_11 = tpu.memref_slice %arg7[%mul3A_0, %dma_start3A_10] : memref<10240x128xf32, #tpu.memory_space<vmem_shared>> -> memref<640x128xf32, #tpu.memory_space<vmem_shared>>
      tpu.enqueue_dma source(%dma_start3A_11 : memref<640x128xf32, #tpu.memory_space<vmem_shared>>) target(%dma_start3A_9 : memref<640x128xf32, #tpu.memory_space<hbm>>) target_semaphore(%run_scoped3A : memref<!tpu.dma_semaphore, #tpu.memory_space<semaphore_mem>>)
      %dma_wait3A = arith.constant 0 : i32
      %dma_wait3A_12 = tpu.memref_slice %arg6[%arg0, %mul3A_0, %dma_wait3A] : memref<2x10240x128xf32, #tpu.memory_space<hbm>> -> memref<1x640x128xf32, #tpu.memory_space<hbm>>
      %dma_wait3A_13 = tpu.memref_squeeze %dma_wait3A_12 : memref<1x640x128xf32, #tpu.memory_space<hbm>> -> memref<640x128xf32, #tpu.memory_space<hbm>>
      %dma_wait3A_14 = arith.constant 0 : i32
      %dma_wait3A_15 = tpu.memref_slice %arg7[%mul3A_0, %dma_wait3A_14] : memref<10240x128xf32, #tpu.memory_space<vmem_shared>> -> memref<640x128xf32, #tpu.memory_space<vmem_shared>>
      tpu.wait_dma2 semaphore(%run_scoped3A : memref<!tpu.dma_semaphore, #tpu.memory_space<semaphore_mem>>) src(%dma_wait3A_15 : memref<640x128xf32, #tpu.memory_space<vmem_shared>>) dst(%dma_wait3A_13 : memref<640x128xf32, #tpu.memory_space<hbm>>)
      tpu.yield
    }) : () -> ()
    return
  }
}

module attributes {stable_mosaic.version = 14 : i64} {
  func.func @_dep_prep0_body(%arg0: i32, %arg1: memref<2048x128xf32, #tpu.memory_space<vmem>>, %arg2: memref<128x128xf32, #tpu.memory_space<vmem>>, %arg3: memref<2048x1xf32, #tpu.memory_space<vmem>>, %arg4: memref<2048x1xf32, #tpu.memory_space<vmem>>, %arg5: memref<2048x1xf32, #tpu.memory_space<vmem>>, %arg6: memref<2048x128xf32, #tpu.memory_space<vmem>>) attributes {dimension_semantics = [#tpu.dimension_semantics<arbitrary>], iteration_bounds = array<i64: 5>, scalar_prefetch = 0 : i64, scratch_operands = 0 : i64, tpu.core_type = #tpu.core_type<tc>, window_params = [{transform_indices = @transform_0, window_bounds = array<i64: 2048, 128>}, {pipeline_mode = #tpu.pipeline_mode<synchronous>, transform_indices = @transform_1, window_bounds = array<i64: 128, 128>}, {transform_indices = @transform_2, window_bounds = array<i64: 2048, 1>}, {transform_indices = @transform_3, window_bounds = array<i64: 2048, 1>}, {transform_indices = @transform_4, window_bounds = array<i64: 2048, 1>}, {transform_indices = @transform_5, window_bounds = array<i64: 2048, 128>}]} {
    %get3A = arith.constant 0 : index
    %get3A_0 = arith.constant 0 : index
    %get3A_1 = vector.load %arg3[%get3A, %get3A_0] : memref<2048x1xf32, #tpu.memory_space<vmem>>, vector<2048x1xf32>
    %get3A_2 = arith.constant 0 : index
    %get3A_3 = arith.constant 0 : index
    %get3A_4 = vector.load %arg4[%get3A_2, %get3A_3] : memref<2048x1xf32, #tpu.memory_space<vmem>>, vector<2048x1xf32>
    %add3A = arith.addf %get3A_1, %get3A_4 : vector<2048x1xf32>
    %add3A_5 = arith.constant 1.000000e+00 : f32
    %add3A_6 = vector.broadcast %add3A_5 : f32 to vector<2048x1xf32>
    %add3A_7 = arith.addf %add3A, %add3A_6 : vector<2048x1xf32>
    %max3A = arith.constant 9.99999996E-13 : f32
    %max3A_8 = vector.broadcast %max3A : f32 to vector<2048x1xf32>
    %max3A_9 = arith.maximumf %add3A_7, %max3A_8 : vector<2048x1xf32>
    %rsqrt3A = math.rsqrt %max3A_9 : vector<2048x1xf32>
    %swap3A = arith.constant 0 : index
    %swap3A_10 = arith.constant 0 : index
    %swap3A_11 = vector.load %arg5[%swap3A, %swap3A_10] : memref<2048x1xf32, #tpu.memory_space<vmem>>, vector<2048x1xf32>
    tpu.vector_store %arg5[%swap3A, %swap3A_10], %rsqrt3A {strides = array<i32>} : memref<2048x1xf32, #tpu.memory_space<vmem>>, vector<2048x1xf32>,
    %get3A_12 = arith.constant 0 : index
    %get3A_13 = arith.constant 0 : index
    %get3A_14 = vector.load %arg1[%get3A_12, %get3A_13] : memref<2048x128xf32, #tpu.memory_space<vmem>>, vector<2048x128xf32>
    %get3A_15 = arith.constant 0 : index
    %get3A_16 = arith.constant 0 : index
    %get3A_17 = vector.load %arg2[%get3A_15, %get3A_16] : memref<128x128xf32, #tpu.memory_space<vmem>>, vector<128x128xf32>
    %dot_general3A = arith.constant dense<0.000000e+00> : vector<2048x128xf32>
    %dot_general3A_18 = tpu.matmul %get3A_14, %get3A_17, %dot_general3A {dimension_numbers = #tpu.dot_dimension_numbers<[1], [0], [0], [1], [0, 0, 1, 1], [], []>, transpose_lhs_hint = false} : vector<2048x128xf32>, vector<128x128xf32>, vector<2048x128xf32> -> vector<2048x128xf32>
    %mul3A = vector.broadcast %rsqrt3A : vector<2048x1xf32> to vector<2048x128xf32>
    %mul3A_19 = arith.mulf %mul3A, %dot_general3A_18 : vector<2048x128xf32>
    %swap3A_20 = arith.constant 0 : index
    %swap3A_21 = arith.constant 0 : index
    %swap3A_22 = vector.load %arg6[%swap3A_20, %swap3A_21] : memref<2048x128xf32, #tpu.memory_space<vmem>>, vector<2048x128xf32>
    tpu.vector_store %arg6[%swap3A_20, %swap3A_21], %mul3A_19 {strides = array<i32>} : memref<2048x128xf32, #tpu.memory_space<vmem>>, vector<2048x128xf32>,
    return
  }
  func.func @transform_0(%arg0: i32) -> (i32, i32) {
    %c0_i32 = arith.constant 0 : i32
    %c0_i32_0 = arith.constant 0 : i32
    return %arg0, %c0_i32 : i32, i32
  }
  func.func @transform_1(%arg0: i32) -> (i32, i32) {
    %c0_i32 = arith.constant 0 : i32
    %c0_i32_0 = arith.constant 0 : i32
    %c0_i32_1 = arith.constant 0 : i32
    return %c0_i32, %c0_i32_0 : i32, i32
  }
  func.func @transform_2(%arg0: i32) -> (i32, i32) {
    %c0_i32 = arith.constant 0 : i32
    %c0_i32_0 = arith.constant 0 : i32
    return %arg0, %c0_i32 : i32, i32
  }
  func.func @transform_3(%arg0: i32) -> (i32, i32) {
    %c0_i32 = arith.constant 0 : i32
    %c0_i32_0 = arith.constant 0 : i32
    return %arg0, %c0_i32 : i32, i32
  }
  func.func @transform_4(%arg0: i32) -> (i32, i32) {
    %c0_i32 = arith.constant 0 : i32
    %c0_i32_0 = arith.constant 0 : i32
    return %arg0, %c0_i32 : i32, i32
  }
  func.func @transform_5(%arg0: i32) -> (i32, i32) {
    %c0_i32 = arith.constant 0 : i32
    %c0_i32_0 = arith.constant 0 : i32
    return %arg0, %c0_i32 : i32, i32
  }
}

module attributes {stable_mosaic.version = 14 : i64} {
  func.func @_obj_front_body(%arg0: memref<1024x1xi32, #tpu.memory_space<vmem>>, %arg1: memref<1024x4xf32, #tpu.memory_space<vmem>>, %arg2: memref<1600x64xf32, #tpu.memory_space<vmem>>, %arg3: memref<1600x64xf32, #tpu.memory_space<vmem>>, %arg4: memref<4x64xf32, #tpu.memory_space<vmem>>, %arg5: memref<4x64xf32, #tpu.memory_space<vmem>>, %arg6: memref<1600x128xf32, #tpu.memory_space<vmem>>, %arg7: memref<1024x1024xf32, #tpu.memory_space<vmem>>, %arg8: memref<1024x128xf32, #tpu.memory_space<vmem>>) attributes {dimension_semantics = [], scalar_prefetch = 0 : i64, scratch_operands = 0 : i64, tpu.core_type = #tpu.core_type<tc>} {
    %get3A = arith.constant 0 : index
    %get3A_0 = arith.constant 0 : index
    %get3A_1 = vector.load %arg0[%get3A, %get3A_0] : memref<1024x1xi32, #tpu.memory_space<vmem>>, vector<1024x1xi32>
    %iota3A = tpu.iota {dimensions = array<i32: 1>} : vector<1024x1600xi32>
    %eq3A = vector.broadcast %get3A_1 : vector<1024x1xi32> to vector<1024x1600xi32>
    %eq3A_2 = arith.cmpi eq, %iota3A, %eq3A : vector<1024x1600xi32>
    %convert_element_type3A = arith.extui %eq3A_2 : vector<1024x1600xi1> to vector<1024x1600xi32>
    %convert_element_type3A_3 = arith.sitofp %convert_element_type3A : vector<1024x1600xi32> to vector<1024x1600xf32>
    %convert_element_type3A_4 = arith.truncf %convert_element_type3A_3 : vector<1024x1600xf32> to vector<1024x1600xbf16>
    %get3A_5 = arith.constant 0 : index
    %get3A_6 = arith.constant 0 : index
    %get3A_7 = vector.load %arg2[%get3A_5, %get3A_6] : memref<1600x64xf32, #tpu.memory_space<vmem>>, vector<1600x64xf32>
    %convert_element_type3A_8 = arith.truncf %get3A_7 : vector<1600x64xf32> to vector<1600x64xbf16>
    %dot_general3A = arith.constant dense<0.000000e+00> : vector<1024x64xf32>
    %dot_general3A_9 = tpu.matmul %convert_element_type3A_4, %convert_element_type3A_8, %dot_general3A {dimension_numbers = #tpu.dot_dimension_numbers<[1], [0], [0], [1], [0, 0, 1, 1], [], []>, transpose_lhs_hint = false} : vector<1024x1600xbf16>, vector<1600x64xbf16>, vector<1024x64xf32> -> vector<1024x64xf32>
    %get3A_10 = arith.constant 0 : index
    %get3A_11 = arith.constant 0 : index
    %get3A_12 = vector.load %arg1[%get3A_10, %get3A_11] : memref<1024x4xf32, #tpu.memory_space<vmem>>, vector<1024x4xf32>
    %get3A_13 = arith.constant 0 : index
    %get3A_14 = arith.constant 0 : index
    %get3A_15 = vector.load %arg4[%get3A_13, %get3A_14] : memref<4x64xf32, #tpu.memory_space<vmem>>, vector<4x64xf32>
    %dot_general3A_16 = arith.constant dense<0.000000e+00> : vector<1024x64xf32>
    %dot_general3A_17 = tpu.matmul %get3A_12, %get3A_15, %dot_general3A_16 {dimension_numbers = #tpu.dot_dimension_numbers<[1], [0], [0], [1], [0, 0, 1, 1], [], []>, transpose_lhs_hint = false} : vector<1024x4xf32>, vector<4x64xf32>, vector<1024x64xf32> -> vector<1024x64xf32>
    %add3A = arith.addf %dot_general3A_9, %dot_general3A_17 : vector<1024x64xf32>
    %get3A_18 = arith.constant 0 : index
    %get3A_19 = arith.constant 0 : index
    %get3A_20 = vector.load %arg3[%get3A_18, %get3A_19] : memref<1600x64xf32, #tpu.memory_space<vmem>>, vector<1600x64xf32>
    %convert_element_type3A_21 = arith.truncf %get3A_20 : vector<1600x64xf32> to vector<1600x64xbf16>
    %dot_general3A_22 = arith.constant dense<0.000000e+00> : vector<1024x64xf32>
    %dot_general3A_23 = tpu.matmul %convert_element_type3A_4, %convert_element_type3A_21, %dot_general3A_22 {dimension_numbers = #tpu.dot_dimension_numbers<[1], [0], [0], [1], [0, 0, 1, 1], [], []>, transpose_lhs_hint = false} : vector<1024x1600xbf16>, vector<1600x64xbf16>, vector<1024x64xf32> -> vector<1024x64xf32>
    %get3A_24 = arith.constant 0 : index
    %get3A_25 = arith.constant 0 : index
    %get3A_26 = vector.load %arg1[%get3A_24, %get3A_25] : memref<1024x4xf32, #tpu.memory_space<vmem>>, vector<1024x4xf32>
    %get3A_27 = arith.constant 0 : index
    %get3A_28 = arith.constant 0 : index
    %get3A_29 = vector.load %arg5[%get3A_27, %get3A_28] : memref<4x64xf32, #tpu.memory_space<vmem>>, vector<4x64xf32>
    %dot_general3A_30 = arith.constant dense<0.000000e+00> : vector<1024x64xf32>
    %dot_general3A_31 = tpu.matmul %get3A_26, %get3A_29, %dot_general3A_30 {dimension_numbers = #tpu.dot_dimension_numbers<[1], [0], [0], [1], [0, 0, 1, 1], [], []>, transpose_lhs_hint = false} : vector<1024x4xf32>, vector<4x64xf32>, vector<1024x64xf32> -> vector<1024x64xf32>
    %add3A_32 = arith.addf %dot_general3A_23, %dot_general3A_31 : vector<1024x64xf32>
    %dot_general3A_33 = arith.constant dense<0.000000e+00> : vector<1024x1024xf32>
    %dot_general3A_34 = tpu.matmul %add3A_32, %add3A, %dot_general3A_33 {dimension_numbers = #tpu.dot_dimension_numbers<[1], [1], [0], [0], [0, 0, 1, 0], [], []>, transpose_lhs_hint = false} : vector<1024x64xf32>, vector<1024x64xf32>, vector<1024x1024xf32> -> vector<1024x1024xf32>
    %swap3A = arith.constant 0 : index
    %swap3A_35 = arith.constant 0 : index
    %swap3A_36 = vector.load %arg7[%swap3A, %swap3A_35] : memref<1024x1024xf32, #tpu.memory_space<vmem>>, vector<1024x1024xf32>
    tpu.vector_store %arg7[%swap3A, %swap3A_35], %dot_general3A_34 {strides = array<i32>} : memref<1024x1024xf32, #tpu.memory_space<vmem>>, vector<1024x1024xf32>,
    %convert_element_type3A_37 = arith.extf %convert_element_type3A_4 : vector<1024x1600xbf16> to vector<1024x1600xf32>
    %get3A_38 = arith.constant 0 : index
    %get3A_39 = arith.constant 0 : index
    %get3A_40 = vector.load %arg6[%get3A_38, %get3A_39] : memref<1600x128xf32, #tpu.memory_space<vmem>>, vector<1600x128xf32>
    %dot_general3A_41 = arith.constant dense<0.000000e+00> : vector<1024x128xf32>
    %dot_general3A_42 = tpu.matmul %convert_element_type3A_37, %get3A_40, %dot_general3A_41 {dimension_numbers = #tpu.dot_dimension_numbers<[1], [0], [0], [1], [0, 0, 1, 1], [], []>, transpose_lhs_hint = false} : vector<1024x1600xf32>, vector<1600x128xf32>, vector<1024x128xf32> -> vector<1024x128xf32>
    %swap3A_43 = arith.constant 0 : index
    %swap3A_44 = arith.constant 0 : index
    %swap3A_45 = vector.load %arg8[%swap3A_43, %swap3A_44] : memref<1024x128xf32, #tpu.memory_space<vmem>>, vector<1024x128xf32>
    tpu.vector_store %arg8[%swap3A_43, %swap3A_44], %dot_general3A_42 {strides = array<i32>} : memref<1024x128xf32, #tpu.memory_space<vmem>>, vector<1024x128xf32>,
    return
  }
}

module attributes {stable_mosaic.version = 14 : i64} {
  func.func @_obj_conv_body(%arg0: memref<1024x1024xf32, #tpu.memory_space<vmem>>, %arg1: memref<1024x1024xf32, #tpu.memory_space<vmem>>, %arg2: memref<1024x128xf32, #tpu.memory_space<vmem>>, %arg3: memref<1x128xf32, #tpu.memory_space<vmem>>, %arg4: memref<3x128x128xf32, #tpu.memory_space<vmem>>, %arg5: memref<3x128x128xf32, #tpu.memory_space<vmem>>, %arg6: memref<1024x128xf32, #tpu.memory_space<vmem>>, %arg7: memref<3x1024x128xf32, #tpu.memory_space<vmem>>, %arg8: memref<3x1024x128xf32, #tpu.memory_space<vmem>>) attributes {dimension_semantics = [], scalar_prefetch = 0 : i64, scratch_operands = 0 : i64, tpu.core_type = #tpu.core_type<tc>} {
    %get3A = arith.constant 0 : index
    %get3A_0 = arith.constant 0 : index
    %get3A_1 = vector.load %arg1[%get3A, %get3A_0] : memref<1024x1024xf32, #tpu.memory_space<vmem>>, vector<1024x1024xf32>
    %neg3A = arith.constant 0.000000e+00 : f32
    %neg3A_2 = vector.broadcast %neg3A : f32 to vector<1024x1024xf32>
    %neg3A_3 = arith.subf %neg3A_2, %get3A_1 : vector<1024x1024xf32>
    %exp3A = math.exp %neg3A_3 : vector<1024x1024xf32>
    %add3A = arith.constant 1.000000e+00 : f32
    %add3A_4 = vector.broadcast %add3A : f32 to vector<1024x1024xf32>
    %add3A_5 = arith.addf %add3A_4, %exp3A : vector<1024x1024xf32>
    %div3A = arith.constant 1.000000e+00 : f32
    %div3A_6 = vector.broadcast %div3A : f32 to vector<1024x1024xf32>
    %div3A_7 = arith.divf %div3A_6, %add3A_5 : vector<1024x1024xf32>
    %get3A_8 = arith.constant 0 : index
    %get3A_9 = arith.constant 0 : index
    %get3A_10 = vector.load %arg0[%get3A_8, %get3A_9] : memref<1024x1024xf32, #tpu.memory_space<vmem>>, vector<1024x1024xf32>
    %mul3A = arith.mulf %get3A_10, %div3A_7 : vector<1024x1024xf32>
    %reduce_sum3A = arith.constant dense<0.000000e+00> : vector<1024xf32>
    %reduce_sum3A_11 = vector.multi_reduction <add>, %mul3A, %reduce_sum3A [1] : vector<1024x1024xf32> to vector<1024xf32>
    %broadcast_in_dim3A = vector.shape_cast %reduce_sum3A_11 : vector<1024xf32> to vector<1024x1xf32>
    %add3A_12 = arith.constant 1.000000e+00 : f32
    %add3A_13 = vector.broadcast %add3A_12 : f32 to vector<1024x1xf32>
    %add3A_14 = arith.addf %broadcast_in_dim3A, %add3A_13 : vector<1024x1xf32>
    %max3A = arith.constant 9.99999996E-13 : f32
    %max3A_15 = vector.broadcast %max3A : f32 to vector<1024x1xf32>
    %max3A_16 = arith.maximumf %add3A_14, %max3A_15 : vector<1024x1xf32>
    %rsqrt3A = math.rsqrt %max3A_16 : vector<1024x1xf32>
    %get3A_17 = arith.constant 0 : index
    %get3A_18 = arith.constant 0 : index
    %get3A_19 = vector.load %arg2[%get3A_17, %get3A_18] : memref<1024x128xf32, #tpu.memory_space<vmem>>, vector<1024x128xf32>
    %mul3A_20 = vector.broadcast %rsqrt3A : vector<1024x1xf32> to vector<1024x128xf32>
    %mul3A_21 = arith.mulf %mul3A_20, %get3A_19 : vector<1024x128xf32>
    %dot_general3A = arith.constant dense<0.000000e+00> : vector<1024x128xf32>
    %dot_general3A_22 = tpu.matmul %mul3A, %mul3A_21, %dot_general3A {dimension_numbers = #tpu.dot_dimension_numbers<[1], [0], [0], [1], [0, 0, 1, 1], [], []>, transpose_lhs_hint = false} : vector<1024x1024xf32>, vector<1024x128xf32>, vector<1024x128xf32> -> vector<1024x128xf32>
    %add3A_23 = arith.addf %dot_general3A_22, %mul3A_21 : vector<1024x128xf32>
    %mul3A_24 = vector.broadcast %rsqrt3A : vector<1024x1xf32> to vector<1024x128xf32>
    %mul3A_25 = arith.mulf %mul3A_24, %add3A_23 : vector<1024x128xf32>
    %get3A_26 = arith.constant 0 : index
    %get3A_27 = arith.constant 0 : index
    %get3A_28 = vector.load %arg3[%get3A_26, %get3A_27] : memref<1x128xf32, #tpu.memory_space<vmem>>, vector<1x128xf32>
    %add3A_29 = vector.broadcast %get3A_28 : vector<1x128xf32> to vector<1024x128xf32>
    %add3A_30 = arith.addf %mul3A_25, %add3A_29 : vector<1024x128xf32>
    %swap3A = arith.constant 0 : index
    %swap3A_31 = arith.constant 0 : index
    %swap3A_32 = vector.load %arg6[%swap3A, %swap3A_31] : memref<1024x128xf32, #tpu.memory_space<vmem>>, vector<1024x128xf32>
    tpu.vector_store %arg6[%swap3A, %swap3A_31], %add3A_30 {strides = array<i32>} : memref<1024x128xf32, #tpu.memory_space<vmem>>, vector<1024x128xf32>,
    %get3A_33 = arith.constant 0 : index
    %get3A_34 = arith.constant 0 : index
    %get3A_35 = arith.constant 0 : index
    %get3A_36 = vector.load %arg4[%get3A_33, %get3A_34, %get3A_35] : memref<3x128x128xf32, #tpu.memory_space<vmem>>, vector<1x128x128xf32>
    %get3A_37 = vector.shape_cast %get3A_36 : vector<1x128x128xf32> to vector<128x128xf32>
    %dot_general3A_38 = arith.constant dense<0.000000e+00> : vector<1024x128xf32>
    %dot_general3A_39 = tpu.matmul %add3A_30, %get3A_37, %dot_general3A_38 {dimension_numbers = #tpu.dot_dimension_numbers<[1], [0], [0], [1], [0, 0, 1, 1], [], []>, transpose_lhs_hint = false} : vector<1024x128xf32>, vector<128x128xf32>, vector<1024x128xf32> -> vector<1024x128xf32>
    %swap3A_40 = arith.constant 0 : index
    %swap3A_41 = arith.constant 0 : index
    %swap3A_42 = arith.constant 0 : index
    %swap3A_43 = vector.load %arg7[%swap3A_40, %swap3A_41, %swap3A_42] : memref<3x1024x128xf32, #tpu.memory_space<vmem>>, vector<1x1024x128xf32>
    %swap3A_44 = vector.shape_cast %swap3A_43 : vector<1x1024x128xf32> to vector<1024x128xf32>
    %swap3A_45 = vector.shape_cast %dot_general3A_39 : vector<1024x128xf32> to vector<1x1024x128xf32>
    tpu.vector_store %arg7[%swap3A_40, %swap3A_41, %swap3A_42], %swap3A_45 {strides = array<i32>} : memref<3x1024x128xf32, #tpu.memory_space<vmem>>, vector<1x1024x128xf32>,
    %get3A_46 = arith.constant 0 : index
    %get3A_47 = arith.constant 0 : index
    %get3A_48 = arith.constant 0 : index
    %get3A_49 = vector.load %arg5[%get3A_46, %get3A_47, %get3A_48] : memref<3x128x128xf32, #tpu.memory_space<vmem>>, vector<1x128x128xf32>
    %get3A_50 = vector.shape_cast %get3A_49 : vector<1x128x128xf32> to vector<128x128xf32>
    %dot_general3A_51 = arith.constant dense<0.000000e+00> : vector<1024x128xf32>
    %dot_general3A_52 = tpu.matmul %add3A_30, %get3A_50, %dot_general3A_51 {dimension_numbers = #tpu.dot_dimension_numbers<[1], [0], [0], [1], [0, 0, 1, 1], [], []>, transpose_lhs_hint = false} : vector<1024x128xf32>, vector<128x128xf32>, vector<1024x128xf32> -> vector<1024x128xf32>
    %swap3A_53 = arith.constant 0 : index
    %swap3A_54 = arith.constant 0 : index
    %swap3A_55 = arith.constant 0 : index
    %swap3A_56 = vector.load %arg8[%swap3A_53, %swap3A_54, %swap3A_55] : memref<3x1024x128xf32, #tpu.memory_space<vmem>>, vector<1x1024x128xf32>
    %swap3A_57 = vector.shape_cast %swap3A_56 : vector<1x1024x128xf32> to vector<1024x128xf32>
    %swap3A_58 = vector.shape_cast %dot_general3A_52 : vector<1024x128xf32> to vector<1x1024x128xf32>
    tpu.vector_store %arg8[%swap3A_53, %swap3A_54, %swap3A_55], %swap3A_58 {strides = array<i32>} : memref<3x1024x128xf32, #tpu.memory_space<vmem>>, vector<1x1024x128xf32>,
    %get3A_59 = arith.constant 1 : index
    %get3A_60 = arith.constant 0 : index
    %get3A_61 = arith.constant 0 : index
    %get3A_62 = vector.load %arg4[%get3A_59, %get3A_60, %get3A_61] : memref<3x128x128xf32, #tpu.memory_space<vmem>>, vector<1x128x128xf32>
    %get3A_63 = vector.shape_cast %get3A_62 : vector<1x128x128xf32> to vector<128x128xf32>
    %dot_general3A_64 = arith.constant dense<0.000000e+00> : vector<1024x128xf32>
    %dot_general3A_65 = tpu.matmul %add3A_30, %get3A_63, %dot_general3A_64 {dimension_numbers = #tpu.dot_dimension_numbers<[1], [0], [0], [1], [0, 0, 1, 1], [], []>, transpose_lhs_hint = false} : vector<1024x128xf32>, vector<128x128xf32>, vector<1024x128xf32> -> vector<1024x128xf32>
    %swap3A_66 = arith.constant 1 : index
    %swap3A_67 = arith.constant 0 : index
    %swap3A_68 = arith.constant 0 : index
    %swap3A_69 = vector.load %arg7[%swap3A_66, %swap3A_67, %swap3A_68] : memref<3x1024x128xf32, #tpu.memory_space<vmem>>, vector<1x1024x128xf32>
    %swap3A_70 = vector.shape_cast %swap3A_69 : vector<1x1024x128xf32> to vector<1024x128xf32>
    %swap3A_71 = vector.shape_cast %dot_general3A_65 : vector<1024x128xf32> to vector<1x1024x128xf32>
    tpu.vector_store %arg7[%swap3A_66, %swap3A_67, %swap3A_68], %swap3A_71 {strides = array<i32>} : memref<3x1024x128xf32, #tpu.memory_space<vmem>>, vector<1x1024x128xf32>,
    %get3A_72 = arith.constant 1 : index
    %get3A_73 = arith.constant 0 : index
    %get3A_74 = arith.constant 0 : index
    %get3A_75 = vector.load %arg5[%get3A_72, %get3A_73, %get3A_74] : memref<3x128x128xf32, #tpu.memory_space<vmem>>, vector<1x128x128xf32>
    %get3A_76 = vector.shape_cast %get3A_75 : vector<1x128x128xf32> to vector<128x128xf32>
    %dot_general3A_77 = arith.constant dense<0.000000e+00> : vector<1024x128xf32>
    %dot_general3A_78 = tpu.matmul %add3A_30, %get3A_76, %dot_general3A_77 {dimension_numbers = #tpu.dot_dimension_numbers<[1], [0], [0], [1], [0, 0, 1, 1], [], []>, transpose_lhs_hint = false} : vector<1024x128xf32>, vector<128x128xf32>, vector<1024x128xf32> -> vector<1024x128xf32>
    %swap3A_79 = arith.constant 1 : index
    %swap3A_80 = arith.constant 0 : index
    %swap3A_81 = arith.constant 0 : index
    %swap3A_82 = vector.load %arg8[%swap3A_79, %swap3A_80, %swap3A_81] : memref<3x1024x128xf32, #tpu.memory_space<vmem>>, vector<1x1024x128xf32>
    %swap3A_83 = vector.shape_cast %swap3A_82 : vector<1x1024x128xf32> to vector<1024x128xf32>
    %swap3A_84 = vector.shape_cast %dot_general3A_78 : vector<1024x128xf32> to vector<1x1024x128xf32>
    tpu.vector_store %arg8[%swap3A_79, %swap3A_80, %swap3A_81], %swap3A_84 {strides = array<i32>} : memref<3x1024x128xf32, #tpu.memory_space<vmem>>, vector<1x1024x128xf32>,
    %get3A_85 = arith.constant 2 : index
    %get3A_86 = arith.constant 0 : index
    %get3A_87 = arith.constant 0 : index
    %get3A_88 = vector.load %arg4[%get3A_85, %get3A_86, %get3A_87] : memref<3x128x128xf32, #tpu.memory_space<vmem>>, vector<1x128x128xf32>
    %get3A_89 = vector.shape_cast %get3A_88 : vector<1x128x128xf32> to vector<128x128xf32>
    %dot_general3A_90 = arith.constant dense<0.000000e+00> : vector<1024x128xf32>
    %dot_general3A_91 = tpu.matmul %add3A_30, %get3A_89, %dot_general3A_90 {dimension_numbers = #tpu.dot_dimension_numbers<[1], [0], [0], [1], [0, 0, 1, 1], [], []>, transpose_lhs_hint = false} : vector<1024x128xf32>, vector<128x128xf32>, vector<1024x128xf32> -> vector<1024x128xf32>
    %swap3A_92 = arith.constant 2 : index
    %swap3A_93 = arith.constant 0 : index
    %swap3A_94 = arith.constant 0 : index
    %swap3A_95 = vector.load %arg7[%swap3A_92, %swap3A_93, %swap3A_94] : memref<3x1024x128xf32, #tpu.memory_space<vmem>>, vector<1x1024x128xf32>
    %swap3A_96 = vector.shape_cast %swap3A_95 : vector<1x1024x128xf32> to vector<1024x128xf32>
    %swap3A_97 = vector.shape_cast %dot_general3A_91 : vector<1024x128xf32> to vector<1x1024x128xf32>
    tpu.vector_store %arg7[%swap3A_92, %swap3A_93, %swap3A_94], %swap3A_97 {strides = array<i32>} : memref<3x1024x128xf32, #tpu.memory_space<vmem>>, vector<1x1024x128xf32>,
    %get3A_98 = arith.constant 2 : index
    %get3A_99 = arith.constant 0 : index
    %get3A_100 = arith.constant 0 : index
    %get3A_101 = vector.load %arg5[%get3A_98, %get3A_99, %get3A_100] : memref<3x128x128xf32, #tpu.memory_space<vmem>>, vector<1x128x128xf32>
    %get3A_102 = vector.shape_cast %get3A_101 : vector<1x128x128xf32> to vector<128x128xf32>
    %dot_general3A_103 = arith.constant dense<0.000000e+00> : vector<1024x128xf32>
    %dot_general3A_104 = tpu.matmul %add3A_30, %get3A_102, %dot_general3A_103 {dimension_numbers = #tpu.dot_dimension_numbers<[1], [0], [0], [1], [0, 0, 1, 1], [], []>, transpose_lhs_hint = false} : vector<1024x128xf32>, vector<128x128xf32>, vector<1024x128xf32> -> vector<1024x128xf32>
    %swap3A_105 = arith.constant 2 : index
    %swap3A_106 = arith.constant 0 : index
    %swap3A_107 = arith.constant 0 : index
    %swap3A_108 = vector.load %arg8[%swap3A_105, %swap3A_106, %swap3A_107] : memref<3x1024x128xf32, #tpu.memory_space<vmem>>, vector<1x1024x128xf32>
    %swap3A_109 = vector.shape_cast %swap3A_108 : vector<1x1024x128xf32> to vector<1024x128xf32>
    %swap3A_110 = vector.shape_cast %dot_general3A_104 : vector<1024x128xf32> to vector<1x1024x128xf32>
    tpu.vector_store %arg8[%swap3A_105, %swap3A_106, %swap3A_107], %swap3A_110 {strides = array<i32>} : memref<3x1024x128xf32, #tpu.memory_space<vmem>>, vector<1x1024x128xf32>,
    return
  }
}

module attributes {stable_mosaic.version = 14 : i64} {
  func.func @_biatt_body(%arg0: i32, %arg1: memref<400x128xf32, #tpu.memory_space<vmem>>, %arg2: memref<400x128xf32, #tpu.memory_space<vmem>>, %arg3: memref<400x128xf32, #tpu.memory_space<vmem>>, %arg4: memref<400x1xf32, #tpu.memory_space<vmem>>, %arg5: memref<1x128xf32, #tpu.memory_space<vmem>>, %arg6: memref<3x128x128xf32, #tpu.memory_space<vmem>>, %arg7: memref<3x128x128xf32, #tpu.memory_space<vmem>>, %arg8: memref<3x1024x128xf32, #tpu.memory_space<vmem>>, %arg9: memref<3x1024x128xf32, #tpu.memory_space<vmem>>, %arg10: memref<128x128xf32, #tpu.memory_space<vmem>>, %arg11: memref<400x128xf32, #tpu.memory_space<vmem>>, %arg12: memref<1024x128xf32, #tpu.memory_space<vmem>>, %arg13: memref<3x1x1024xf32, #tpu.memory_space<vmem>>, %arg14: memref<3x1x1024xf32, #tpu.memory_space<vmem>>, %arg15: memref<3x1024x128xf32, #tpu.memory_space<vmem>>) attributes {dimension_semantics = [#tpu.dimension_semantics<arbitrary>], iteration_bounds = array<i64: 25>, scalar_prefetch = 0 : i64, scratch_operands = 3 : i64, tpu.core_type = #tpu.core_type<tc>, window_params = [{transform_indices = @transform_0, window_bounds = array<i64: 400, 128>}, {transform_indices = @transform_1, window_bounds = array<i64: 400, 128>}, {transform_indices = @transform_2, window_bounds = array<i64: 400, 128>}, {transform_indices = @transform_3, window_bounds = array<i64: 400, 1>}, {pipeline_mode = #tpu.pipeline_mode<synchronous>, transform_indices = @transform_4, window_bounds = array<i64: 1, 128>}, {pipeline_mode = #tpu.pipeline_mode<synchronous>, transform_indices = @transform_5, window_bounds = array<i64: 3, 128, 128>}, {pipeline_mode = #tpu.pipeline_mode<synchronous>, transform_indices = @transform_6, window_bounds = array<i64: 3, 128, 128>}, {pipeline_mode = #tpu.pipeline_mode<synchronous>, transform_indices = @transform_7, window_bounds = array<i64: 3, 1024, 128>}, {pipeline_mode = #tpu.pipeline_mode<synchronous>, transform_indices = @transform_8, window_bounds = array<i64: 3, 1024, 128>}, {pipeline_mode = #tpu.pipeline_mode<synchronous>, transform_indices = @transform_9, window_bounds = array<i64: 128, 128>}, {transform_indices = @transform_10, window_bounds = array<i64: 400, 128>}, {pipeline_mode = #tpu.pipeline_mode<synchronous>, transform_indices = @transform_11, window_bounds = array<i64: 1024, 128>}]} {
    %sqrt3A = arith.constant 1.280000e+02 : f32
    %sqrt3A_0 = math.sqrt %sqrt3A : f32
    %div3A = arith.constant 1.000000e+00 : f32
    %div3A_1 = arith.divf %div3A, %sqrt3A_0 : f32
    %get3A = arith.constant 0 : index
    %get3A_2 = arith.constant 0 : index
    %get3A_3 = vector.load %arg4[%get3A, %get3A_2] : memref<400x1xf32, #tpu.memory_space<vmem>>, vector<400x1xf32>
    %get3A_4 = arith.constant 0 : index
    %get3A_5 = arith.constant 0 : index
    %get3A_6 = vector.load %arg1[%get3A_4, %get3A_5] : memref<400x128xf32, #tpu.memory_space<vmem>>, vector<400x128xf32>
    %get3A_7 = arith.constant 0 : index
    %get3A_8 = arith.constant 0 : index
    %get3A_9 = vector.load %arg2[%get3A_7, %get3A_8] : memref<400x128xf32, #tpu.memory_space<vmem>>, vector<400x128xf32>
    %add3A = arith.addf %get3A_6, %get3A_9 : vector<400x128xf32>
    %get3A_10 = arith.constant 0 : index
    %get3A_11 = arith.constant 0 : index
    %get3A_12 = vector.load %arg3[%get3A_10, %get3A_11] : memref<400x128xf32, #tpu.memory_space<vmem>>, vector<400x128xf32>
    %add3A_13 = arith.addf %add3A, %get3A_12 : vector<400x128xf32>
    %mul3A = vector.broadcast %get3A_3 : vector<400x1xf32> to vector<400x128xf32>
    %mul3A_14 = arith.mulf %mul3A, %add3A_13 : vector<400x128xf32>
    %get3A_15 = arith.constant 0 : index
    %get3A_16 = arith.constant 0 : index
    %get3A_17 = vector.load %arg5[%get3A_15, %get3A_16] : memref<1x128xf32, #tpu.memory_space<vmem>>, vector<1x128xf32>
    %add3A_18 = vector.broadcast %get3A_17 : vector<1x128xf32> to vector<400x128xf32>
    %add3A_19 = arith.addf %mul3A_14, %add3A_18 : vector<400x128xf32>
    %eq3A = arith.constant 0 : i32
    %eq3A_20 = arith.cmpi eq, %arg0, %eq3A : i32
    %convert_element_type3A = arith.extui %eq3A_20 : i1 to i32
    %cond3A = arith.constant 0 : i32
    %cond3A_21 = arith.cmpi ne, %convert_element_type3A, %cond3A : i32
    scf.if %cond3A_21 {
      %broadcast_in_dim3A_330 = arith.constant -1.000000e+30 : f32
      %broadcast_in_dim3A_331 = vector.broadcast %broadcast_in_dim3A_330 : f32 to vector<3x1x1024xf32>
      %swap3A_332 = arith.constant 0 : index
      %swap3A_333 = arith.constant 0 : index
      %swap3A_334 = arith.constant 0 : index
      %swap3A_335 = vector.load %arg13[%swap3A_332, %swap3A_333, %swap3A_334] : memref<3x1x1024xf32, #tpu.memory_space<vmem>>, vector<3x1x1024xf32>
      tpu.vector_store %arg13[%swap3A_332, %swap3A_333, %swap3A_334], %broadcast_in_dim3A_331 {strides = array<i32>} : memref<3x1x1024xf32, #tpu.memory_space<vmem>>, vector<3x1x1024xf32>,
      %broadcast_in_dim3A_336 = arith.constant 0.000000e+00 : f32
      %broadcast_in_dim3A_337 = vector.broadcast %broadcast_in_dim3A_336 : f32 to vector<3x1x1024xf32>
      %swap3A_338 = arith.constant 0 : index
      %swap3A_339 = arith.constant 0 : index
      %swap3A_340 = arith.constant 0 : index
      %swap3A_341 = vector.load %arg14[%swap3A_338, %swap3A_339, %swap3A_340] : memref<3x1x1024xf32, #tpu.memory_space<vmem>>, vector<3x1x1024xf32>
      tpu.vector_store %arg14[%swap3A_338, %swap3A_339, %swap3A_340], %broadcast_in_dim3A_337 {strides = array<i32>} : memref<3x1x1024xf32, #tpu.memory_space<vmem>>, vector<3x1x1024xf32>,
      %broadcast_in_dim3A_342 = arith.constant 0.000000e+00 : f32
      %broadcast_in_dim3A_343 = vector.broadcast %broadcast_in_dim3A_342 : f32 to vector<3x1024x128xf32>
      %swap3A_344 = arith.constant 0 : index
      %swap3A_345 = arith.constant 0 : index
      %swap3A_346 = arith.constant 0 : index
      %swap3A_347 = vector.load %arg15[%swap3A_344, %swap3A_345, %swap3A_346] : memref<3x1024x128xf32, #tpu.memory_space<vmem>>, vector<3x1024x128xf32>
      tpu.vector_store %arg15[%swap3A_344, %swap3A_345, %swap3A_346], %broadcast_in_dim3A_343 {strides = array<i32>} : memref<3x1024x128xf32, #tpu.memory_space<vmem>>, vector<3x1024x128xf32>,
    } else {
    }
    %broadcast_in_dim3A = arith.constant 0.000000e+00 : f32
    %broadcast_in_dim3A_22 = vector.broadcast %broadcast_in_dim3A : f32 to vector<400x128xf32>
    %get3A_23 = arith.constant 0 : index
    %get3A_24 = arith.constant 0 : index
    %get3A_25 = arith.constant 0 : index
    %get3A_26 = vector.load %arg6[%get3A_23, %get3A_24, %get3A_25] : memref<3x128x128xf32, #tpu.memory_space<vmem>>, vector<1x128x128xf32>
    %get3A_27 = vector.shape_cast %get3A_26 : vector<1x128x128xf32> to vector<128x128xf32>
    %dot_general3A = arith.constant dense<0.000000e+00> : vector<400x128xf32>
    %dot_general3A_28 = tpu.matmul %add3A_19, %get3A_27, %dot_general3A {dimension_numbers = #tpu.dot_dimension_numbers<[1], [0], [0], [1], [0, 0, 1, 1], [], []>, transpose_lhs_hint = false} : vector<400x128xf32>, vector<128x128xf32>, vector<400x128xf32> -> vector<400x128xf32>
    %get3A_29 = arith.constant 0 : index
    %get3A_30 = arith.constant 0 : index
    %get3A_31 = arith.constant 0 : index
    %get3A_32 = vector.load %arg7[%get3A_29, %get3A_30, %get3A_31] : memref<3x128x128xf32, #tpu.memory_space<vmem>>, vector<1x128x128xf32>
    %get3A_33 = vector.shape_cast %get3A_32 : vector<1x128x128xf32> to vector<128x128xf32>
    %dot_general3A_34 = arith.constant dense<0.000000e+00> : vector<400x128xf32>
    %dot_general3A_35 = tpu.matmul %add3A_19, %get3A_33, %dot_general3A_34 {dimension_numbers = #tpu.dot_dimension_numbers<[1], [0], [0], [1], [0, 0, 1, 1], [], []>, transpose_lhs_hint = false} : vector<400x128xf32>, vector<128x128xf32>, vector<400x128xf32> -> vector<400x128xf32>
    %get3A_36 = arith.constant 0 : index
    %get3A_37 = arith.constant 0 : index
    %get3A_38 = arith.constant 0 : index
    %get3A_39 = vector.load %arg8[%get3A_36, %get3A_37, %get3A_38] : memref<3x1024x128xf32, #tpu.memory_space<vmem>>, vector<1x1024x128xf32>
    %get3A_40 = vector.shape_cast %get3A_39 : vector<1x1024x128xf32> to vector<1024x128xf32>
    %dot_general3A_41 = arith.constant dense<0.000000e+00> : vector<400x1024xf32>
    %dot_general3A_42 = tpu.matmul %dot_general3A_28, %get3A_40, %dot_general3A_41 {dimension_numbers = #tpu.dot_dimension_numbers<[1], [1], [0], [0], [0, 0, 1, 0], [], []>, transpose_lhs_hint = false} : vector<400x128xf32>, vector<1024x128xf32>, vector<400x1024xf32> -> vector<400x1024xf32>
    %mul3A_43 = vector.broadcast %div3A_1 : f32 to vector<400x1024xf32>
    %mul3A_44 = arith.mulf %dot_general3A_42, %mul3A_43 : vector<400x1024xf32>
    %reduce_max3A = arith.constant dense<0xFF800000> : vector<400xf32>
    %reduce_max3A_45 = vector.multi_reduction <maximumf>, %mul3A_44, %reduce_max3A [1] : vector<400x1024xf32> to vector<400xf32>
    %broadcast_in_dim3A_46 = vector.shape_cast %reduce_max3A_45 : vector<400xf32> to vector<400x1xf32>
    %sub3A = vector.broadcast %broadcast_in_dim3A_46 : vector<400x1xf32> to vector<400x1024xf32>
    %sub3A_47 = arith.subf %mul3A_44, %sub3A : vector<400x1024xf32>
    %exp3A = math.exp %sub3A_47 : vector<400x1024xf32>
    %reduce_sum3A = arith.constant dense<0.000000e+00> : vector<400xf32>
    %reduce_sum3A_48 = vector.multi_reduction <add>, %exp3A, %reduce_sum3A [1] : vector<400x1024xf32> to vector<400xf32>
    %broadcast_in_dim3A_49 = vector.shape_cast %reduce_sum3A_48 : vector<400xf32> to vector<400x1xf32>
    %div3A_50 = vector.broadcast %broadcast_in_dim3A_49 : vector<400x1xf32> to vector<400x1024xf32>
    %div3A_51 = arith.divf %exp3A, %div3A_50 : vector<400x1024xf32>
    %convert_element_type3A_52 = arith.truncf %div3A_51 : vector<400x1024xf32> to vector<400x1024xbf16>
    %get3A_53 = arith.constant 0 : index
    %get3A_54 = arith.constant 0 : index
    %get3A_55 = arith.constant 0 : index
    %get3A_56 = vector.load %arg9[%get3A_53, %get3A_54, %get3A_55] : memref<3x1024x128xf32, #tpu.memory_space<vmem>>, vector<1x1024x128xf32>
    %get3A_57 = vector.shape_cast %get3A_56 : vector<1x1024x128xf32> to vector<1024x128xf32>
    %convert_element_type3A_58 = arith.truncf %get3A_57 : vector<1024x128xf32> to vector<1024x128xbf16>
    %dot_general3A_59 = arith.constant dense<0.000000e+00> : vector<400x128xf32>
    %dot_general3A_60 = tpu.matmul %convert_element_type3A_52, %convert_element_type3A_58, %dot_general3A_59 {dimension_numbers = #tpu.dot_dimension_numbers<[1], [0], [0], [1], [0, 0, 1, 1], [], []>, transpose_lhs_hint = false} : vector<400x1024xbf16>, vector<1024x128xbf16>, vector<400x128xf32> -> vector<400x128xf32>
    %add3A_61 = arith.addf %broadcast_in_dim3A_22, %dot_general3A_60 : vector<400x128xf32>
    %reduce_max3A_62 = arith.constant dense<0xFF800000> : vector<1024xf32>
    %reduce_max3A_63 = vector.multi_reduction <maximumf>, %mul3A_44, %reduce_max3A_62 [0] : vector<400x1024xf32> to vector<1024xf32>
    %broadcast_in_dim3A_64 = vector.shape_cast %reduce_max3A_63 : vector<1024xf32> to vector<1x1024xf32>
    %get3A_65 = arith.constant 0 : index
    %get3A_66 = arith.constant 0 : index
    %get3A_67 = arith.constant 0 : index
    %get3A_68 = vector.load %arg13[%get3A_65, %get3A_66, %get3A_67] : memref<3x1x1024xf32, #tpu.memory_space<vmem>>, vector<1x1x1024xf32>
    %get3A_69 = vector.shape_cast %get3A_68 : vector<1x1x1024xf32> to vector<1x1024xf32>
    %max3A = arith.maximumf %get3A_69, %broadcast_in_dim3A_64 : vector<1x1024xf32>
    %sub3A_70 = arith.subf %get3A_69, %max3A : vector<1x1024xf32>
    %exp3A_71 = math.exp %sub3A_70 : vector<1x1024xf32>
    %sub3A_72 = vector.broadcast %max3A : vector<1x1024xf32> to vector<400x1024xf32>
    %sub3A_73 = arith.subf %mul3A_44, %sub3A_72 : vector<400x1024xf32>
    %exp3A_74 = math.exp %sub3A_73 : vector<400x1024xf32>
    %swap3A = arith.constant 0 : index
    %swap3A_75 = arith.constant 0 : index
    %swap3A_76 = arith.constant 0 : index
    %swap3A_77 = vector.load %arg13[%swap3A, %swap3A_75, %swap3A_76] : memref<3x1x1024xf32, #tpu.memory_space<vmem>>, vector<1x1x1024xf32>
    %swap3A_78 = vector.shape_cast %swap3A_77 : vector<1x1x1024xf32> to vector<1x1024xf32>
    %swap3A_79 = vector.shape_cast %max3A : vector<1x1024xf32> to vector<1x1x1024xf32>
    tpu.vector_store %arg13[%swap3A, %swap3A_75, %swap3A_76], %swap3A_79 {strides = array<i32>} : memref<3x1x1024xf32, #tpu.memory_space<vmem>>, vector<1x1x1024xf32>,
    %get3A_80 = arith.constant 0 : index
    %get3A_81 = arith.constant 0 : index
    %get3A_82 = arith.constant 0 : index
    %get3A_83 = vector.load %arg14[%get3A_80, %get3A_81, %get3A_82] : memref<3x1x1024xf32, #tpu.memory_space<vmem>>, vector<1x1x1024xf32>
    %get3A_84 = vector.shape_cast %get3A_83 : vector<1x1x1024xf32> to vector<1x1024xf32>
    %mul3A_85 = arith.mulf %get3A_84, %exp3A_71 : vector<1x1024xf32>
    %reduce_sum3A_86 = arith.constant dense<0.000000e+00> : vector<1024xf32>
    %reduce_sum3A_87 = vector.multi_reduction <add>, %exp3A_74, %reduce_sum3A_86 [0] : vector<400x1024xf32> to vector<1024xf32>
    %broadcast_in_dim3A_88 = vector.shape_cast %reduce_sum3A_87 : vector<1024xf32> to vector<1x1024xf32>
    %add3A_89 = arith.addf %mul3A_85, %broadcast_in_dim3A_88 : vector<1x1024xf32>
    %swap3A_90 = arith.constant 0 : index
    %swap3A_91 = arith.constant 0 : index
    %swap3A_92 = arith.constant 0 : index
    %swap3A_93 = vector.load %arg14[%swap3A_90, %swap3A_91, %swap3A_92] : memref<3x1x1024xf32, #tpu.memory_space<vmem>>, vector<1x1x1024xf32>
    %swap3A_94 = vector.shape_cast %swap3A_93 : vector<1x1x1024xf32> to vector<1x1024xf32>
    %swap3A_95 = vector.shape_cast %add3A_89 : vector<1x1024xf32> to vector<1x1x1024xf32>
    tpu.vector_store %arg14[%swap3A_90, %swap3A_91, %swap3A_92], %swap3A_95 {strides = array<i32>} : memref<3x1x1024xf32, #tpu.memory_space<vmem>>, vector<1x1x1024xf32>,
    %reshape3A = vector.shape_cast %exp3A_71 : vector<1x1024xf32> to vector<1024x1xf32>
    %get3A_96 = arith.constant 0 : index
    %get3A_97 = arith.constant 0 : index
    %get3A_98 = arith.constant 0 : index
    %get3A_99 = vector.load %arg15[%get3A_96, %get3A_97, %get3A_98] : memref<3x1024x128xf32, #tpu.memory_space<vmem>>, vector<1x1024x128xf32>
    %get3A_100 = vector.shape_cast %get3A_99 : vector<1x1024x128xf32> to vector<1024x128xf32>
    %mul3A_101 = vector.broadcast %reshape3A : vector<1024x1xf32> to vector<1024x128xf32>
    %mul3A_102 = arith.mulf %get3A_100, %mul3A_101 : vector<1024x128xf32>
    %convert_element_type3A_103 = arith.truncf %exp3A_74 : vector<400x1024xf32> to vector<400x1024xbf16>
    %convert_element_type3A_104 = arith.truncf %dot_general3A_35 : vector<400x128xf32> to vector<400x128xbf16>
    %dot_general3A_105 = arith.constant dense<0.000000e+00> : vector<1024x128xf32>
    %dot_general3A_106 = tpu.matmul %convert_element_type3A_103, %convert_element_type3A_104, %dot_general3A_105 {dimension_numbers = #tpu.dot_dimension_numbers<[0], [0], [1], [1], [0, 1, 1, 1], [], []>, transpose_lhs_hint = false} : vector<400x1024xbf16>, vector<400x128xbf16>, vector<1024x128xf32> -> vector<1024x128xf32>
    %add3A_107 = arith.addf %mul3A_102, %dot_general3A_106 : vector<1024x128xf32>
    %swap3A_108 = arith.constant 0 : index
    %swap3A_109 = arith.constant 0 : index
    %swap3A_110 = arith.constant 0 : index
    %swap3A_111 = vector.load %arg15[%swap3A_108, %swap3A_109, %swap3A_110] : memref<3x1024x128xf32, #tpu.memory_space<vmem>>, vector<1x1024x128xf32>
    %swap3A_112 = vector.shape_cast %swap3A_111 : vector<1x1024x128xf32> to vector<1024x128xf32>
    %swap3A_113 = vector.shape_cast %add3A_107 : vector<1024x128xf32> to vector<1x1024x128xf32>
    tpu.vector_store %arg15[%swap3A_108, %swap3A_109, %swap3A_110], %swap3A_113 {strides = array<i32>} : memref<3x1024x128xf32, #tpu.memory_space<vmem>>, vector<1x1024x128xf32>,
    %get3A_114 = arith.constant 1 : index
    %get3A_115 = arith.constant 0 : index
    %get3A_116 = arith.constant 0 : index
    %get3A_117 = vector.load %arg6[%get3A_114, %get3A_115, %get3A_116] : memref<3x128x128xf32, #tpu.memory_space<vmem>>, vector<1x128x128xf32>
    %get3A_118 = vector.shape_cast %get3A_117 : vector<1x128x128xf32> to vector<128x128xf32>
    %dot_general3A_119 = arith.constant dense<0.000000e+00> : vector<400x128xf32>
    %dot_general3A_120 = tpu.matmul %add3A_19, %get3A_118, %dot_general3A_119 {dimension_numbers = #tpu.dot_dimension_numbers<[1], [0], [0], [1], [0, 0, 1, 1], [], []>, transpose_lhs_hint = false} : vector<400x128xf32>, vector<128x128xf32>, vector<400x128xf32> -> vector<400x128xf32>
    %get3A_121 = arith.constant 1 : index
    %get3A_122 = arith.constant 0 : index
    %get3A_123 = arith.constant 0 : index
    %get3A_124 = vector.load %arg7[%get3A_121, %get3A_122, %get3A_123] : memref<3x128x128xf32, #tpu.memory_space<vmem>>, vector<1x128x128xf32>
    %get3A_125 = vector.shape_cast %get3A_124 : vector<1x128x128xf32> to vector<128x128xf32>
    %dot_general3A_126 = arith.constant dense<0.000000e+00> : vector<400x128xf32>
    %dot_general3A_127 = tpu.matmul %add3A_19, %get3A_125, %dot_general3A_126 {dimension_numbers = #tpu.dot_dimension_numbers<[1], [0], [0], [1], [0, 0, 1, 1], [], []>, transpose_lhs_hint = false} : vector<400x128xf32>, vector<128x128xf32>, vector<400x128xf32> -> vector<400x128xf32>
    %get3A_128 = arith.constant 1 : index
    %get3A_129 = arith.constant 0 : index
    %get3A_130 = arith.constant 0 : index
    %get3A_131 = vector.load %arg8[%get3A_128, %get3A_129, %get3A_130] : memref<3x1024x128xf32, #tpu.memory_space<vmem>>, vector<1x1024x128xf32>
    %get3A_132 = vector.shape_cast %get3A_131 : vector<1x1024x128xf32> to vector<1024x128xf32>
    %dot_general3A_133 = arith.constant dense<0.000000e+00> : vector<400x1024xf32>
    %dot_general3A_134 = tpu.matmul %dot_general3A_120, %get3A_132, %dot_general3A_133 {dimension_numbers = #tpu.dot_dimension_numbers<[1], [1], [0], [0], [0, 0, 1, 0], [], []>, transpose_lhs_hint = false} : vector<400x128xf32>, vector<1024x128xf32>, vector<400x1024xf32> -> vector<400x1024xf32>
    %mul3A_135 = vector.broadcast %div3A_1 : f32 to vector<400x1024xf32>
    %mul3A_136 = arith.mulf %dot_general3A_134, %mul3A_135 : vector<400x1024xf32>
    %reduce_max3A_137 = arith.constant dense<0xFF800000> : vector<400xf32>
    %reduce_max3A_138 = vector.multi_reduction <maximumf>, %mul3A_136, %reduce_max3A_137 [1] : vector<400x1024xf32> to vector<400xf32>
    %broadcast_in_dim3A_139 = vector.shape_cast %reduce_max3A_138 : vector<400xf32> to vector<400x1xf32>
    %sub3A_140 = vector.broadcast %broadcast_in_dim3A_139 : vector<400x1xf32> to vector<400x1024xf32>
    %sub3A_141 = arith.subf %mul3A_136, %sub3A_140 : vector<400x1024xf32>
    %exp3A_142 = math.exp %sub3A_141 : vector<400x1024xf32>
    %reduce_sum3A_143 = arith.constant dense<0.000000e+00> : vector<400xf32>
    %reduce_sum3A_144 = vector.multi_reduction <add>, %exp3A_142, %reduce_sum3A_143 [1] : vector<400x1024xf32> to vector<400xf32>
    %broadcast_in_dim3A_145 = vector.shape_cast %reduce_sum3A_144 : vector<400xf32> to vector<400x1xf32>
    %div3A_146 = vector.broadcast %broadcast_in_dim3A_145 : vector<400x1xf32> to vector<400x1024xf32>
    %div3A_147 = arith.divf %exp3A_142, %div3A_146 : vector<400x1024xf32>
    %convert_element_type3A_148 = arith.truncf %div3A_147 : vector<400x1024xf32> to vector<400x1024xbf16>
    %get3A_149 = arith.constant 1 : index
    %get3A_150 = arith.constant 0 : index
    %get3A_151 = arith.constant 0 : index
    %get3A_152 = vector.load %arg9[%get3A_149, %get3A_150, %get3A_151] : memref<3x1024x128xf32, #tpu.memory_space<vmem>>, vector<1x1024x128xf32>
    %get3A_153 = vector.shape_cast %get3A_152 : vector<1x1024x128xf32> to vector<1024x128xf32>
    %convert_element_type3A_154 = arith.truncf %get3A_153 : vector<1024x128xf32> to vector<1024x128xbf16>
    %dot_general3A_155 = arith.constant dense<0.000000e+00> : vector<400x128xf32>
    %dot_general3A_156 = tpu.matmul %convert_element_type3A_148, %convert_element_type3A_154, %dot_general3A_155 {dimension_numbers = #tpu.dot_dimension_numbers<[1], [0], [0], [1], [0, 0, 1, 1], [], []>, transpose_lhs_hint = false} : vector<400x1024xbf16>, vector<1024x128xbf16>, vector<400x128xf32> -> vector<400x128xf32>
    %add3A_157 = arith.addf %add3A_61, %dot_general3A_156 : vector<400x128xf32>
    %reduce_max3A_158 = arith.constant dense<0xFF800000> : vector<1024xf32>
    %reduce_max3A_159 = vector.multi_reduction <maximumf>, %mul3A_136, %reduce_max3A_158 [0] : vector<400x1024xf32> to vector<1024xf32>
    %broadcast_in_dim3A_160 = vector.shape_cast %reduce_max3A_159 : vector<1024xf32> to vector<1x1024xf32>
    %get3A_161 = arith.constant 1 : index
    %get3A_162 = arith.constant 0 : index
    %get3A_163 = arith.constant 0 : index
    %get3A_164 = vector.load %arg13[%get3A_161, %get3A_162, %get3A_163] : memref<3x1x1024xf32, #tpu.memory_space<vmem>>, vector<1x1x1024xf32>
    %get3A_165 = vector.shape_cast %get3A_164 : vector<1x1x1024xf32> to vector<1x1024xf32>
    %max3A_166 = arith.maximumf %get3A_165, %broadcast_in_dim3A_160 : vector<1x1024xf32>
    %sub3A_167 = arith.subf %get3A_165, %max3A_166 : vector<1x1024xf32>
    %exp3A_168 = math.exp %sub3A_167 : vector<1x1024xf32>
    %sub3A_169 = vector.broadcast %max3A_166 : vector<1x1024xf32> to vector<400x1024xf32>
    %sub3A_170 = arith.subf %mul3A_136, %sub3A_169 : vector<400x1024xf32>
    %exp3A_171 = math.exp %sub3A_170 : vector<400x1024xf32>
    %swap3A_172 = arith.constant 1 : index
    %swap3A_173 = arith.constant 0 : index
    %swap3A_174 = arith.constant 0 : index
    %swap3A_175 = vector.load %arg13[%swap3A_172, %swap3A_173, %swap3A_174] : memref<3x1x1024xf32, #tpu.memory_space<vmem>>, vector<1x1x1024xf32>
    %swap3A_176 = vector.shape_cast %swap3A_175 : vector<1x1x1024xf32> to vector<1x1024xf32>
    %swap3A_177 = vector.shape_cast %max3A_166 : vector<1x1024xf32> to vector<1x1x1024xf32>
    tpu.vector_store %arg13[%swap3A_172, %swap3A_173, %swap3A_174], %swap3A_177 {strides = array<i32>} : memref<3x1x1024xf32, #tpu.memory_space<vmem>>, vector<1x1x1024xf32>,
    %get3A_178 = arith.constant 1 : index
    %get3A_179 = arith.constant 0 : index
    %get3A_180 = arith.constant 0 : index
    %get3A_181 = vector.load %arg14[%get3A_178, %get3A_179, %get3A_180] : memref<3x1x1024xf32, #tpu.memory_space<vmem>>, vector<1x1x1024xf32>
    %get3A_182 = vector.shape_cast %get3A_181 : vector<1x1x1024xf32> to vector<1x1024xf32>
    %mul3A_183 = arith.mulf %get3A_182, %exp3A_168 : vector<1x1024xf32>
    %reduce_sum3A_184 = arith.constant dense<0.000000e+00> : vector<1024xf32>
    %reduce_sum3A_185 = vector.multi_reduction <add>, %exp3A_171, %reduce_sum3A_184 [0] : vector<400x1024xf32> to vector<1024xf32>
    %broadcast_in_dim3A_186 = vector.shape_cast %reduce_sum3A_185 : vector<1024xf32> to vector<1x1024xf32>
    %add3A_187 = arith.addf %mul3A_183, %broadcast_in_dim3A_186 : vector<1x1024xf32>
    %swap3A_188 = arith.constant 1 : index
    %swap3A_189 = arith.constant 0 : index
    %swap3A_190 = arith.constant 0 : index
    %swap3A_191 = vector.load %arg14[%swap3A_188, %swap3A_189, %swap3A_190] : memref<3x1x1024xf32, #tpu.memory_space<vmem>>, vector<1x1x1024xf32>
    %swap3A_192 = vector.shape_cast %swap3A_191 : vector<1x1x1024xf32> to vector<1x1024xf32>
    %swap3A_193 = vector.shape_cast %add3A_187 : vector<1x1024xf32> to vector<1x1x1024xf32>
    tpu.vector_store %arg14[%swap3A_188, %swap3A_189, %swap3A_190], %swap3A_193 {strides = array<i32>} : memref<3x1x1024xf32, #tpu.memory_space<vmem>>, vector<1x1x1024xf32>,
    %reshape3A_194 = vector.shape_cast %exp3A_168 : vector<1x1024xf32> to vector<1024x1xf32>
    %get3A_195 = arith.constant 1 : index
    %get3A_196 = arith.constant 0 : index
    %get3A_197 = arith.constant 0 : index
    %get3A_198 = vector.load %arg15[%get3A_195, %get3A_196, %get3A_197] : memref<3x1024x128xf32, #tpu.memory_space<vmem>>, vector<1x1024x128xf32>
    %get3A_199 = vector.shape_cast %get3A_198 : vector<1x1024x128xf32> to vector<1024x128xf32>
    %mul3A_200 = vector.broadcast %reshape3A_194 : vector<1024x1xf32> to vector<1024x128xf32>
    %mul3A_201 = arith.mulf %get3A_199, %mul3A_200 : vector<1024x128xf32>
    %convert_element_type3A_202 = arith.truncf %exp3A_171 : vector<400x1024xf32> to vector<400x1024xbf16>
    %convert_element_type3A_203 = arith.truncf %dot_general3A_127 : vector<400x128xf32> to vector<400x128xbf16>
    %dot_general3A_204 = arith.constant dense<0.000000e+00> : vector<1024x128xf32>
    %dot_general3A_205 = tpu.matmul %convert_element_type3A_202, %convert_element_type3A_203, %dot_general3A_204 {dimension_numbers = #tpu.dot_dimension_numbers<[0], [0], [1], [1], [0, 1, 1, 1], [], []>, transpose_lhs_hint = false} : vector<400x1024xbf16>, vector<400x128xbf16>, vector<1024x128xf32> -> vector<1024x128xf32>
    %add3A_206 = arith.addf %mul3A_201, %dot_general3A_205 : vector<1024x128xf32>
    %swap3A_207 = arith.constant 1 : index
    %swap3A_208 = arith.constant 0 : index
    %swap3A_209 = arith.constant 0 : index
    %swap3A_210 = vector.load %arg15[%swap3A_207, %swap3A_208, %swap3A_209] : memref<3x1024x128xf32, #tpu.memory_space<vmem>>, vector<1x1024x128xf32>
    %swap3A_211 = vector.shape_cast %swap3A_210 : vector<1x1024x128xf32> to vector<1024x128xf32>
    %swap3A_212 = vector.shape_cast %add3A_206 : vector<1024x128xf32> to vector<1x1024x128xf32>
    tpu.vector_store %arg15[%swap3A_207, %swap3A_208, %swap3A_209], %swap3A_212 {strides = array<i32>} : memref<3x1024x128xf32, #tpu.memory_space<vmem>>, vector<1x1024x128xf32>,
    %get3A_213 = arith.constant 2 : index
    %get3A_214 = arith.constant 0 : index
    %get3A_215 = arith.constant 0 : index
    %get3A_216 = vector.load %arg6[%get3A_213, %get3A_214, %get3A_215] : memref<3x128x128xf32, #tpu.memory_space<vmem>>, vector<1x128x128xf32>
    %get3A_217 = vector.shape_cast %get3A_216 : vector<1x128x128xf32> to vector<128x128xf32>
    %dot_general3A_218 = arith.constant dense<0.000000e+00> : vector<400x128xf32>
    %dot_general3A_219 = tpu.matmul %add3A_19, %get3A_217, %dot_general3A_218 {dimension_numbers = #tpu.dot_dimension_numbers<[1], [0], [0], [1], [0, 0, 1, 1], [], []>, transpose_lhs_hint = false} : vector<400x128xf32>, vector<128x128xf32>, vector<400x128xf32> -> vector<400x128xf32>
    %get3A_220 = arith.constant 2 : index
    %get3A_221 = arith.constant 0 : index
    %get3A_222 = arith.constant 0 : index
    %get3A_223 = vector.load %arg7[%get3A_220, %get3A_221, %get3A_222] : memref<3x128x128xf32, #tpu.memory_space<vmem>>, vector<1x128x128xf32>
    %get3A_224 = vector.shape_cast %get3A_223 : vector<1x128x128xf32> to vector<128x128xf32>
    %dot_general3A_225 = arith.constant dense<0.000000e+00> : vector<400x128xf32>
    %dot_general3A_226 = tpu.matmul %add3A_19, %get3A_224, %dot_general3A_225 {dimension_numbers = #tpu.dot_dimension_numbers<[1], [0], [0], [1], [0, 0, 1, 1], [], []>, transpose_lhs_hint = false} : vector<400x128xf32>, vector<128x128xf32>, vector<400x128xf32> -> vector<400x128xf32>
    %get3A_227 = arith.constant 2 : index
    %get3A_228 = arith.constant 0 : index
    %get3A_229 = arith.constant 0 : index
    %get3A_230 = vector.load %arg8[%get3A_227, %get3A_228, %get3A_229] : memref<3x1024x128xf32, #tpu.memory_space<vmem>>, vector<1x1024x128xf32>
    %get3A_231 = vector.shape_cast %get3A_230 : vector<1x1024x128xf32> to vector<1024x128xf32>
    %dot_general3A_232 = arith.constant dense<0.000000e+00> : vector<400x1024xf32>
    %dot_general3A_233 = tpu.matmul %dot_general3A_219, %get3A_231, %dot_general3A_232 {dimension_numbers = #tpu.dot_dimension_numbers<[1], [1], [0], [0], [0, 0, 1, 0], [], []>, transpose_lhs_hint = false} : vector<400x128xf32>, vector<1024x128xf32>, vector<400x1024xf32> -> vector<400x1024xf32>
    %mul3A_234 = vector.broadcast %div3A_1 : f32 to vector<400x1024xf32>
    %mul3A_235 = arith.mulf %dot_general3A_233, %mul3A_234 : vector<400x1024xf32>
    %reduce_max3A_236 = arith.constant dense<0xFF800000> : vector<400xf32>
    %reduce_max3A_237 = vector.multi_reduction <maximumf>, %mul3A_235, %reduce_max3A_236 [1] : vector<400x1024xf32> to vector<400xf32>
    %broadcast_in_dim3A_238 = vector.shape_cast %reduce_max3A_237 : vector<400xf32> to vector<400x1xf32>
    %sub3A_239 = vector.broadcast %broadcast_in_dim3A_238 : vector<400x1xf32> to vector<400x1024xf32>
    %sub3A_240 = arith.subf %mul3A_235, %sub3A_239 : vector<400x1024xf32>
    %exp3A_241 = math.exp %sub3A_240 : vector<400x1024xf32>
    %reduce_sum3A_242 = arith.constant dense<0.000000e+00> : vector<400xf32>
    %reduce_sum3A_243 = vector.multi_reduction <add>, %exp3A_241, %reduce_sum3A_242 [1] : vector<400x1024xf32> to vector<400xf32>
    %broadcast_in_dim3A_244 = vector.shape_cast %reduce_sum3A_243 : vector<400xf32> to vector<400x1xf32>
    %div3A_245 = vector.broadcast %broadcast_in_dim3A_244 : vector<400x1xf32> to vector<400x1024xf32>
    %div3A_246 = arith.divf %exp3A_241, %div3A_245 : vector<400x1024xf32>
    %convert_element_type3A_247 = arith.truncf %div3A_246 : vector<400x1024xf32> to vector<400x1024xbf16>
    %get3A_248 = arith.constant 2 : index
    %get3A_249 = arith.constant 0 : index
    %get3A_250 = arith.constant 0 : index
    %get3A_251 = vector.load %arg9[%get3A_248, %get3A_249, %get3A_250] : memref<3x1024x128xf32, #tpu.memory_space<vmem>>, vector<1x1024x128xf32>
    %get3A_252 = vector.shape_cast %get3A_251 : vector<1x1024x128xf32> to vector<1024x128xf32>
    %convert_element_type3A_253 = arith.truncf %get3A_252 : vector<1024x128xf32> to vector<1024x128xbf16>
    %dot_general3A_254 = arith.constant dense<0.000000e+00> : vector<400x128xf32>
    %dot_general3A_255 = tpu.matmul %convert_element_type3A_247, %convert_element_type3A_253, %dot_general3A_254 {dimension_numbers = #tpu.dot_dimension_numbers<[1], [0], [0], [1], [0, 0, 1, 1], [], []>, transpose_lhs_hint = false} : vector<400x1024xbf16>, vector<1024x128xbf16>, vector<400x128xf32> -> vector<400x128xf32>
    %add3A_256 = arith.addf %add3A_157, %dot_general3A_255 : vector<400x128xf32>
    %reduce_max3A_257 = arith.constant dense<0xFF800000> : vector<1024xf32>
    %reduce_max3A_258 = vector.multi_reduction <maximumf>, %mul3A_235, %reduce_max3A_257 [0] : vector<400x1024xf32> to vector<1024xf32>
    %broadcast_in_dim3A_259 = vector.shape_cast %reduce_max3A_258 : vector<1024xf32> to vector<1x1024xf32>
    %get3A_260 = arith.constant 2 : index
    %get3A_261 = arith.constant 0 : index
    %get3A_262 = arith.constant 0 : index
    %get3A_263 = vector.load %arg13[%get3A_260, %get3A_261, %get3A_262] : memref<3x1x1024xf32, #tpu.memory_space<vmem>>, vector<1x1x1024xf32>
    %get3A_264 = vector.shape_cast %get3A_263 : vector<1x1x1024xf32> to vector<1x1024xf32>
    %max3A_265 = arith.maximumf %get3A_264, %broadcast_in_dim3A_259 : vector<1x1024xf32>
    %sub3A_266 = arith.subf %get3A_264, %max3A_265 : vector<1x1024xf32>
    %exp3A_267 = math.exp %sub3A_266 : vector<1x1024xf32>
    %sub3A_268 = vector.broadcast %max3A_265 : vector<1x1024xf32> to vector<400x1024xf32>
    %sub3A_269 = arith.subf %mul3A_235, %sub3A_268 : vector<400x1024xf32>
    %exp3A_270 = math.exp %sub3A_269 : vector<400x1024xf32>
    %swap3A_271 = arith.constant 2 : index
    %swap3A_272 = arith.constant 0 : index
    %swap3A_273 = arith.constant 0 : index
    %swap3A_274 = vector.load %arg13[%swap3A_271, %swap3A_272, %swap3A_273] : memref<3x1x1024xf32, #tpu.memory_space<vmem>>, vector<1x1x1024xf32>
    %swap3A_275 = vector.shape_cast %swap3A_274 : vector<1x1x1024xf32> to vector<1x1024xf32>
    %swap3A_276 = vector.shape_cast %max3A_265 : vector<1x1024xf32> to vector<1x1x1024xf32>
    tpu.vector_store %arg13[%swap3A_271, %swap3A_272, %swap3A_273], %swap3A_276 {strides = array<i32>} : memref<3x1x1024xf32, #tpu.memory_space<vmem>>, vector<1x1x1024xf32>,
    %get3A_277 = arith.constant 2 : index
    %get3A_278 = arith.constant 0 : index
    %get3A_279 = arith.constant 0 : index
    %get3A_280 = vector.load %arg14[%get3A_277, %get3A_278, %get3A_279] : memref<3x1x1024xf32, #tpu.memory_space<vmem>>, vector<1x1x1024xf32>
    %get3A_281 = vector.shape_cast %get3A_280 : vector<1x1x1024xf32> to vector<1x1024xf32>
    %mul3A_282 = arith.mulf %get3A_281, %exp3A_267 : vector<1x1024xf32>
    %reduce_sum3A_283 = arith.constant dense<0.000000e+00> : vector<1024xf32>
    %reduce_sum3A_284 = vector.multi_reduction <add>, %exp3A_270, %reduce_sum3A_283 [0] : vector<400x1024xf32> to vector<1024xf32>
    %broadcast_in_dim3A_285 = vector.shape_cast %reduce_sum3A_284 : vector<1024xf32> to vector<1x1024xf32>
    %add3A_286 = arith.addf %mul3A_282, %broadcast_in_dim3A_285 : vector<1x1024xf32>
    %swap3A_287 = arith.constant 2 : index
    %swap3A_288 = arith.constant 0 : index
    %swap3A_289 = arith.constant 0 : index
    %swap3A_290 = vector.load %arg14[%swap3A_287, %swap3A_288, %swap3A_289] : memref<3x1x1024xf32, #tpu.memory_space<vmem>>, vector<1x1x1024xf32>
    %swap3A_291 = vector.shape_cast %swap3A_290 : vector<1x1x1024xf32> to vector<1x1024xf32>
    %swap3A_292 = vector.shape_cast %add3A_286 : vector<1x1024xf32> to vector<1x1x1024xf32>
    tpu.vector_store %arg14[%swap3A_287, %swap3A_288, %swap3A_289], %swap3A_292 {strides = array<i32>} : memref<3x1x1024xf32, #tpu.memory_space<vmem>>, vector<1x1x1024xf32>,
    %reshape3A_293 = vector.shape_cast %exp3A_267 : vector<1x1024xf32> to vector<1024x1xf32>
    %get3A_294 = arith.constant 2 : index
    %get3A_295 = arith.constant 0 : index
    %get3A_296 = arith.constant 0 : index
    %get3A_297 = vector.load %arg15[%get3A_294, %get3A_295, %get3A_296] : memref<3x1024x128xf32, #tpu.memory_space<vmem>>, vector<1x1024x128xf32>
    %get3A_298 = vector.shape_cast %get3A_297 : vector<1x1024x128xf32> to vector<1024x128xf32>
    %mul3A_299 = vector.broadcast %reshape3A_293 : vector<1024x1xf32> to vector<1024x128xf32>
    %mul3A_300 = arith.mulf %get3A_298, %mul3A_299 : vector<1024x128xf32>
    %convert_element_type3A_301 = arith.truncf %exp3A_270 : vector<400x1024xf32> to vector<400x1024xbf16>
    %convert_element_type3A_302 = arith.truncf %dot_general3A_226 : vector<400x128xf32> to vector<400x128xbf16>
    %dot_general3A_303 = arith.constant dense<0.000000e+00> : vector<1024x128xf32>
    %dot_general3A_304 = tpu.matmul %convert_element_type3A_301, %convert_element_type3A_302, %dot_general3A_303 {dimension_numbers = #tpu.dot_dimension_numbers<[0], [0], [1], [1], [0, 1, 1, 1], [], []>, transpose_lhs_hint = false} : vector<400x1024xbf16>, vector<400x128xbf16>, vector<1024x128xf32> -> vector<1024x128xf32>
    %add3A_305 = arith.addf %mul3A_300, %dot_general3A_304 : vector<1024x128xf32>
    %swap3A_306 = arith.constant 2 : index
    %swap3A_307 = arith.constant 0 : index
    %swap3A_308 = arith.constant 0 : index
    %swap3A_309 = vector.load %arg15[%swap3A_306, %swap3A_307, %swap3A_308] : memref<3x1024x128xf32, #tpu.memory_space<vmem>>, vector<1x1024x128xf32>
    %swap3A_310 = vector.shape_cast %swap3A_309 : vector<1x1024x128xf32> to vector<1024x128xf32>
    %swap3A_311 = vector.shape_cast %add3A_305 : vector<1024x128xf32> to vector<1x1024x128xf32>
    tpu.vector_store %arg15[%swap3A_306, %swap3A_307, %swap3A_308], %swap3A_311 {strides = array<i32>} : memref<3x1024x128xf32, #tpu.memory_space<vmem>>, vector<1x1024x128xf32>,
    %mul3A_312 = arith.constant 0.333333343 : f32
    %mul3A_313 = vector.broadcast %mul3A_312 : f32 to vector<400x128xf32>
    %mul3A_314 = arith.mulf %add3A_256, %mul3A_313 : vector<400x128xf32>
    %get3A_315 = arith.constant 0 : index
    %get3A_316 = arith.constant 0 : index
    %get3A_317 = vector.load %arg10[%get3A_315, %get3A_316] : memref<128x128xf32, #tpu.memory_space<vmem>>, vector<128x128xf32>
    %dot_general3A_318 = arith.constant dense<0.000000e+00> : vector<400x128xf32>
    %dot_general3A_319 = tpu.matmul %mul3A_314, %get3A_317, %dot_general3A_318 {dimension_numbers = #tpu.dot_dimension_numbers<[1], [0], [0], [1], [0, 0, 1, 1], [], []>, transpose_lhs_hint = false} : vector<400x128xf32>, vector<128x128xf32>, vector<400x128xf32> -> vector<400x128xf32>
    %mul3A_320 = vector.broadcast %get3A_3 : vector<400x1xf32> to vector<400x128xf32>
    %mul3A_321 = arith.mulf %mul3A_320, %dot_general3A_319 : vector<400x128xf32>
    %swap3A_322 = arith.constant 0 : index
    %swap3A_323 = arith.constant 0 : index
    %swap3A_324 = vector.load %arg11[%swap3A_322, %swap3A_323] : memref<400x128xf32, #tpu.memory_space<vmem>>, vector<400x128xf32>
    tpu.vector_store %arg11[%swap3A_322, %swap3A_323], %mul3A_321 {strides = array<i32>} : memref<400x128xf32, #tpu.memory_space<vmem>>, vector<400x128xf32>,
    %eq3A_325 = arith.constant 24 : i32
    %eq3A_326 = arith.cmpi eq, %arg0, %eq3A_325 : i32
    %convert_element_type3A_327 = arith.extui %eq3A_326 : i1 to i32
    %cond3A_328 = arith.constant 0 : i32
    %cond3A_329 = arith.cmpi ne, %convert_element_type3A_327, %cond3A_328 : i32
    scf.if %cond3A_329 {
      %broadcast_in_dim3A_330 = arith.constant 0.000000e+00 : f32
      %broadcast_in_dim3A_331 = vector.broadcast %broadcast_in_dim3A_330 : f32 to vector<1024x128xf32>
      %get3A_332 = arith.constant 0 : index
      %get3A_333 = arith.constant 0 : index
      %get3A_334 = arith.constant 0 : index
      %get3A_335 = vector.load %arg15[%get3A_332, %get3A_333, %get3A_334] : memref<3x1024x128xf32, #tpu.memory_space<vmem>>, vector<1x1024x128xf32>
      %get3A_336 = vector.shape_cast %get3A_335 : vector<1x1024x128xf32> to vector<1024x128xf32>
      %get3A_337 = arith.constant 0 : index
      %get3A_338 = arith.constant 0 : index
      %get3A_339 = arith.constant 0 : index
      %get3A_340 = vector.load %arg14[%get3A_337, %get3A_338, %get3A_339] : memref<3x1x1024xf32, #tpu.memory_space<vmem>>, vector<1x1x1024xf32>
      %get3A_341 = vector.shape_cast %get3A_340 : vector<1x1x1024xf32> to vector<1x1024xf32>
      %reshape3A_342 = vector.shape_cast %get3A_341 : vector<1x1024xf32> to vector<1024x1xf32>
      %div3A_343 = vector.broadcast %reshape3A_342 : vector<1024x1xf32> to vector<1024x128xf32>
      %div3A_344 = arith.divf %get3A_336, %div3A_343 : vector<1024x128xf32>
      %add3A_345 = arith.addf %broadcast_in_dim3A_331, %div3A_344 : vector<1024x128xf32>
      %get3A_346 = arith.constant 1 : index
      %get3A_347 = arith.constant 0 : index
      %get3A_348 = arith.constant 0 : index
      %get3A_349 = vector.load %arg15[%get3A_346, %get3A_347, %get3A_348] : memref<3x1024x128xf32, #tpu.memory_space<vmem>>, vector<1x1024x128xf32>
      %get3A_350 = vector.shape_cast %get3A_349 : vector<1x1024x128xf32> to vector<1024x128xf32>
      %get3A_351 = arith.constant 1 : index
      %get3A_352 = arith.constant 0 : index
      %get3A_353 = arith.constant 0 : index
      %get3A_354 = vector.load %arg14[%get3A_351, %get3A_352, %get3A_353] : memref<3x1x1024xf32, #tpu.memory_space<vmem>>, vector<1x1x1024xf32>
      %get3A_355 = vector.shape_cast %get3A_354 : vector<1x1x1024xf32> to vector<1x1024xf32>
      %reshape3A_356 = vector.shape_cast %get3A_355 : vector<1x1024xf32> to vector<1024x1xf32>
      %div3A_357 = vector.broadcast %reshape3A_356 : vector<1024x1xf32> to vector<1024x128xf32>
      %div3A_358 = arith.divf %get3A_350, %div3A_357 : vector<1024x128xf32>
      %add3A_359 = arith.addf %add3A_345, %div3A_358 : vector<1024x128xf32>
      %get3A_360 = arith.constant 2 : index
      %get3A_361 = arith.constant 0 : index
      %get3A_362 = arith.constant 0 : index
      %get3A_363 = vector.load %arg15[%get3A_360, %get3A_361, %get3A_362] : memref<3x1024x128xf32, #tpu.memory_space<vmem>>, vector<1x1024x128xf32>
      %get3A_364 = vector.shape_cast %get3A_363 : vector<1x1024x128xf32> to vector<1024x128xf32>
      %get3A_365 = arith.constant 2 : index
      %get3A_366 = arith.constant 0 : index
      %get3A_367 = arith.constant 0 : index
      %get3A_368 = vector.load %arg14[%get3A_365, %get3A_366, %get3A_367] : memref<3x1x1024xf32, #tpu.memory_space<vmem>>, vector<1x1x1024xf32>
      %get3A_369 = vector.shape_cast %get3A_368 : vector<1x1x1024xf32> to vector<1x1024xf32>
      %reshape3A_370 = vector.shape_cast %get3A_369 : vector<1x1024xf32> to vector<1024x1xf32>
      %div3A_371 = vector.broadcast %reshape3A_370 : vector<1024x1xf32> to vector<1024x128xf32>
      %div3A_372 = arith.divf %get3A_364, %div3A_371 : vector<1024x128xf32>
      %add3A_373 = arith.addf %add3A_359, %div3A_372 : vector<1024x128xf32>
      %mul3A_374 = arith.constant 0.333333343 : f32
      %mul3A_375 = vector.broadcast %mul3A_374 : f32 to vector<1024x128xf32>
      %mul3A_376 = arith.mulf %add3A_373, %mul3A_375 : vector<1024x128xf32>
      %swap3A_377 = arith.constant 0 : index
      %swap3A_378 = arith.constant 0 : index
      %swap3A_379 = vector.load %arg12[%swap3A_377, %swap3A_378] : memref<1024x128xf32, #tpu.memory_space<vmem>>, vector<1024x128xf32>
      tpu.vector_store %arg12[%swap3A_377, %swap3A_378], %mul3A_376 {strides = array<i32>} : memref<1024x128xf32, #tpu.memory_space<vmem>>, vector<1024x128xf32>,
    } else {
    }
    return
  }
  func.func @transform_0(%arg0: i32) -> (i32, i32) {
    %c0_i32 = arith.constant 0 : i32
    %c0_i32_0 = arith.constant 0 : i32
    return %arg0, %c0_i32 : i32, i32
  }
  func.func @transform_1(%arg0: i32) -> (i32, i32) {
    %c0_i32 = arith.constant 0 : i32
    %c0_i32_0 = arith.constant 0 : i32
    return %arg0, %c0_i32 : i32, i32
  }
  func.func @transform_2(%arg0: i32) -> (i32, i32) {
    %c0_i32 = arith.constant 0 : i32
    %c0_i32_0 = arith.constant 0 : i32
    return %arg0, %c0_i32 : i32, i32
  }
  func.func @transform_3(%arg0: i32) -> (i32, i32) {
    %c0_i32 = arith.constant 0 : i32
    %c0_i32_0 = arith.constant 0 : i32
    return %arg0, %c0_i32 : i32, i32
  }
  func.func @transform_4(%arg0: i32) -> (i32, i32) {
    %c0_i32 = arith.constant 0 : i32
    %c0_i32_0 = arith.constant 0 : i32
    %c0_i32_1 = arith.constant 0 : i32
    return %c0_i32, %c0_i32_0 : i32, i32
  }
  func.func @transform_5(%arg0: i32) -> (i32, i32, i32) {
    %c0_i32 = arith.constant 0 : i32
    %c0_i32_0 = arith.constant 0 : i32
    %c0_i32_1 = arith.constant 0 : i32
    %c0_i32_2 = arith.constant 0 : i32
    return %c0_i32, %c0_i32_0, %c0_i32_1 : i32, i32, i32
  }
  func.func @transform_6(%arg0: i32) -> (i32, i32, i32) {
    %c0_i32 = arith.constant 0 : i32
    %c0_i32_0 = arith.constant 0 : i32
    %c0_i32_1 = arith.constant 0 : i32
    %c0_i32_2 = arith.constant 0 : i32
    return %c0_i32, %c0_i32_0, %c0_i32_1 : i32, i32, i32
  }
  func.func @transform_7(%arg0: i32) -> (i32, i32, i32) {
    %c0_i32 = arith.constant 0 : i32
    %c0_i32_0 = arith.constant 0 : i32
    %c0_i32_1 = arith.constant 0 : i32
    %c0_i32_2 = arith.constant 0 : i32
    return %c0_i32, %c0_i32_0, %c0_i32_1 : i32, i32, i32
  }
  func.func @transform_8(%arg0: i32) -> (i32, i32, i32) {
    %c0_i32 = arith.constant 0 : i32
    %c0_i32_0 = arith.constant 0 : i32
    %c0_i32_1 = arith.constant 0 : i32
    %c0_i32_2 = arith.constant 0 : i32
    return %c0_i32, %c0_i32_0, %c0_i32_1 : i32, i32, i32
  }
  func.func @transform_9(%arg0: i32) -> (i32, i32) {
    %c0_i32 = arith.constant 0 : i32
    %c0_i32_0 = arith.constant 0 : i32
    %c0_i32_1 = arith.constant 0 : i32
    return %c0_i32, %c0_i32_0 : i32, i32
  }
  func.func @transform_10(%arg0: i32) -> (i32, i32) {
    %c0_i32 = arith.constant 0 : i32
    %c0_i32_0 = arith.constant 0 : i32
    return %arg0, %c0_i32 : i32, i32
  }
  func.func @transform_11(%arg0: i32) -> (i32, i32) {
    %c0_i32 = arith.constant 0 : i32
    %c0_i32_0 = arith.constant 0 : i32
    %c0_i32_1 = arith.constant 0 : i32
    return %c0_i32, %c0_i32_0 : i32, i32
  }
}

module attributes {stable_mosaic.version = 14 : i64} {
  func.func @_dep_prep2_body(%arg0: i32, %arg1: memref<2048x128xf32, #tpu.memory_space<vmem>>, %arg2: memref<2048x128xf32, #tpu.memory_space<vmem>>, %arg3: memref<2048x128xf32, #tpu.memory_space<vmem>>, %arg4: memref<2048x1xf32, #tpu.memory_space<vmem>>, %arg5: memref<1x128xf32, #tpu.memory_space<vmem>>, %arg6: memref<128x128xf32, #tpu.memory_space<vmem>>, %arg7: memref<2048x128xf32, #tpu.memory_space<vmem>>) attributes {dimension_semantics = [#tpu.dimension_semantics<arbitrary>], iteration_bounds = array<i64: 5>, scalar_prefetch = 0 : i64, scratch_operands = 0 : i64, tpu.core_type = #tpu.core_type<tc>, window_params = [{transform_indices = @transform_0, window_bounds = array<i64: 2048, 128>}, {transform_indices = @transform_1, window_bounds = array<i64: 2048, 128>}, {transform_indices = @transform_2, window_bounds = array<i64: 2048, 128>}, {transform_indices = @transform_3, window_bounds = array<i64: 2048, 1>}, {pipeline_mode = #tpu.pipeline_mode<synchronous>, transform_indices = @transform_4, window_bounds = array<i64: 1, 128>}, {pipeline_mode = #tpu.pipeline_mode<synchronous>, transform_indices = @transform_5, window_bounds = array<i64: 128, 128>}, {transform_indices = @transform_6, window_bounds = array<i64: 2048, 128>}]} {
    %get3A = arith.constant 0 : index
    %get3A_0 = arith.constant 0 : index
    %get3A_1 = vector.load %arg4[%get3A, %get3A_0] : memref<2048x1xf32, #tpu.memory_space<vmem>>, vector<2048x1xf32>
    %get3A_2 = arith.constant 0 : index
    %get3A_3 = arith.constant 0 : index
    %get3A_4 = vector.load %arg1[%get3A_2, %get3A_3] : memref<2048x128xf32, #tpu.memory_space<vmem>>, vector<2048x128xf32>
    %get3A_5 = arith.constant 0 : index
    %get3A_6 = arith.constant 0 : index
    %get3A_7 = vector.load %arg2[%get3A_5, %get3A_6] : memref<2048x128xf32, #tpu.memory_space<vmem>>, vector<2048x128xf32>
    %add3A = arith.addf %get3A_4, %get3A_7 : vector<2048x128xf32>
    %get3A_8 = arith.constant 0 : index
    %get3A_9 = arith.constant 0 : index
    %get3A_10 = vector.load %arg3[%get3A_8, %get3A_9] : memref<2048x128xf32, #tpu.memory_space<vmem>>, vector<2048x128xf32>
    %add3A_11 = arith.addf %add3A, %get3A_10 : vector<2048x128xf32>
    %mul3A = vector.broadcast %get3A_1 : vector<2048x1xf32> to vector<2048x128xf32>
    %mul3A_12 = arith.mulf %mul3A, %add3A_11 : vector<2048x128xf32>
    %get3A_13 = arith.constant 0 : index
    %get3A_14 = arith.constant 0 : index
    %get3A_15 = vector.load %arg5[%get3A_13, %get3A_14] : memref<1x128xf32, #tpu.memory_space<vmem>>, vector<1x128xf32>
    %add3A_16 = vector.broadcast %get3A_15 : vector<1x128xf32> to vector<2048x128xf32>
    %add3A_17 = arith.addf %mul3A_12, %add3A_16 : vector<2048x128xf32>
    %get3A_18 = arith.constant 0 : index
    %get3A_19 = arith.constant 0 : index
    %get3A_20 = vector.load %arg6[%get3A_18, %get3A_19] : memref<128x128xf32, #tpu.memory_space<vmem>>, vector<128x128xf32>
    %dot_general3A = arith.constant dense<0.000000e+00> : vector<2048x128xf32>
    %dot_general3A_21 = tpu.matmul %add3A_17, %get3A_20, %dot_general3A {dimension_numbers = #tpu.dot_dimension_numbers<[1], [0], [0], [1], [0, 0, 1, 1], [], []>, transpose_lhs_hint = false} : vector<2048x128xf32>, vector<128x128xf32>, vector<2048x128xf32> -> vector<2048x128xf32>
    %mul3A_22 = vector.broadcast %get3A_1 : vector<2048x1xf32> to vector<2048x128xf32>
    %mul3A_23 = arith.mulf %mul3A_22, %dot_general3A_21 : vector<2048x128xf32>
    %swap3A = arith.constant 0 : index
    %swap3A_24 = arith.constant 0 : index
    %swap3A_25 = vector.load %arg7[%swap3A, %swap3A_24] : memref<2048x128xf32, #tpu.memory_space<vmem>>, vector<2048x128xf32>
    tpu.vector_store %arg7[%swap3A, %swap3A_24], %mul3A_23 {strides = array<i32>} : memref<2048x128xf32, #tpu.memory_space<vmem>>, vector<2048x128xf32>,
    return
  }
  func.func @transform_0(%arg0: i32) -> (i32, i32) {
    %c0_i32 = arith.constant 0 : i32
    %c0_i32_0 = arith.constant 0 : i32
    return %arg0, %c0_i32 : i32, i32
  }
  func.func @transform_1(%arg0: i32) -> (i32, i32) {
    %c0_i32 = arith.constant 0 : i32
    %c0_i32_0 = arith.constant 0 : i32
    return %arg0, %c0_i32 : i32, i32
  }
  func.func @transform_2(%arg0: i32) -> (i32, i32) {
    %c0_i32 = arith.constant 0 : i32
    %c0_i32_0 = arith.constant 0 : i32
    return %arg0, %c0_i32 : i32, i32
  }
  func.func @transform_3(%arg0: i32) -> (i32, i32) {
    %c0_i32 = arith.constant 0 : i32
    %c0_i32_0 = arith.constant 0 : i32
    return %arg0, %c0_i32 : i32, i32
  }
  func.func @transform_4(%arg0: i32) -> (i32, i32) {
    %c0_i32 = arith.constant 0 : i32
    %c0_i32_0 = arith.constant 0 : i32
    %c0_i32_1 = arith.constant 0 : i32
    return %c0_i32, %c0_i32_0 : i32, i32
  }
  func.func @transform_5(%arg0: i32) -> (i32, i32) {
    %c0_i32 = arith.constant 0 : i32
    %c0_i32_0 = arith.constant 0 : i32
    %c0_i32_1 = arith.constant 0 : i32
    return %c0_i32, %c0_i32_0 : i32, i32
  }
  func.func @transform_6(%arg0: i32) -> (i32, i32) {
    %c0_i32 = arith.constant 0 : i32
    %c0_i32_0 = arith.constant 0 : i32
    return %arg0, %c0_i32 : i32, i32
  }
}

module attributes {stable_mosaic.version = 14 : i64} {
  func.func @_final_body(%arg0: memref<10000x128xf32, #tpu.memory_space<vmem>>, %arg1: memref<10000x128xf32, #tpu.memory_space<vmem>>, %arg2: memref<10000x128xf32, #tpu.memory_space<vmem>>, %arg3: memref<10000x1xf32, #tpu.memory_space<vmem>>, %arg4: memref<1x128xf32, #tpu.memory_space<vmem>>, %arg5: memref<1024x128xf32, #tpu.memory_space<vmem>>, %arg6: memref<10000x1xi32, #tpu.memory_space<vmem>>, %arg7: memref<1024x1xi32, #tpu.memory_space<vmem>>, %arg8: memref<256x1692xf32, #tpu.memory_space<vmem>>, %arg9: memref<1x1692xf32, #tpu.memory_space<vmem>>, %arg10: memref<1692x3129xf32, #tpu.memory_space<vmem>>, %arg11: memref<1x3129xf32, #tpu.memory_space<vmem>>, %arg12: memref<64x3129xf32, #tpu.memory_space<vmem>>) attributes {dimension_semantics = [], scalar_prefetch = 0 : i64, scratch_operands = 0 : i64, tpu.core_type = #tpu.core_type<tc>} {
    %get3A = arith.constant 0 : index
    %get3A_0 = arith.constant 0 : index
    %get3A_1 = vector.load %arg3[%get3A, %get3A_0] : memref<10000x1xf32, #tpu.memory_space<vmem>>, vector<10000x1xf32>
    %get3A_2 = arith.constant 0 : index
    %get3A_3 = arith.constant 0 : index
    %get3A_4 = vector.load %arg0[%get3A_2, %get3A_3] : memref<10000x128xf32, #tpu.memory_space<vmem>>, vector<10000x128xf32>
    %get3A_5 = arith.constant 0 : index
    %get3A_6 = arith.constant 0 : index
    %get3A_7 = vector.load %arg1[%get3A_5, %get3A_6] : memref<10000x128xf32, #tpu.memory_space<vmem>>, vector<10000x128xf32>
    %add3A = arith.addf %get3A_4, %get3A_7 : vector<10000x128xf32>
    %get3A_8 = arith.constant 0 : index
    %get3A_9 = arith.constant 0 : index
    %get3A_10 = vector.load %arg2[%get3A_8, %get3A_9] : memref<10000x128xf32, #tpu.memory_space<vmem>>, vector<10000x128xf32>
    %add3A_11 = arith.addf %add3A, %get3A_10 : vector<10000x128xf32>
    %mul3A = vector.broadcast %get3A_1 : vector<10000x1xf32> to vector<10000x128xf32>
    %mul3A_12 = arith.mulf %mul3A, %add3A_11 : vector<10000x128xf32>
    %get3A_13 = arith.constant 0 : index
    %get3A_14 = arith.constant 0 : index
    %get3A_15 = vector.load %arg4[%get3A_13, %get3A_14] : memref<1x128xf32, #tpu.memory_space<vmem>>, vector<1x128xf32>
    %add3A_16 = vector.broadcast %get3A_15 : vector<1x128xf32> to vector<10000x128xf32>
    %add3A_17 = arith.addf %mul3A_12, %add3A_16 : vector<10000x128xf32>
    %get3A_18 = arith.constant 0 : index
    %get3A_19 = arith.constant 0 : index
    %get3A_20 = vector.load %arg6[%get3A_18, %get3A_19] : memref<10000x1xi32, #tpu.memory_space<vmem>>, vector<10000x1xi32>
    %iota3A = tpu.iota {dimensions = array<i32: 1>} : vector<10000x64xi32>
    %eq3A = vector.broadcast %get3A_20 : vector<10000x1xi32> to vector<10000x64xi32>
    %eq3A_21 = arith.cmpi eq, %iota3A, %eq3A : vector<10000x64xi32>
    %convert_element_type3A = arith.extui %eq3A_21 : vector<10000x64xi1> to vector<10000x64xi32>
    %convert_element_type3A_22 = arith.sitofp %convert_element_type3A : vector<10000x64xi32> to vector<10000x64xf32>
    %dot_general3A = arith.constant dense<0.000000e+00> : vector<64x128xf32>
    %dot_general3A_23 = tpu.matmul %convert_element_type3A_22, %add3A_17, %dot_general3A {dimension_numbers = #tpu.dot_dimension_numbers<[0], [0], [1], [1], [0, 1, 1, 1], [], []>, transpose_lhs_hint = false} : vector<10000x64xf32>, vector<10000x128xf32>, vector<64x128xf32> -> vector<64x128xf32>
    %reduce_sum3A = arith.constant dense<0.000000e+00> : vector<64xf32>
    %reduce_sum3A_24 = vector.multi_reduction <add>, %convert_element_type3A_22, %reduce_sum3A [0] : vector<10000x64xf32> to vector<64xf32>
    %broadcast_in_dim3A = vector.shape_cast %reduce_sum3A_24 : vector<64xf32> to vector<1x64xf32>
    %reshape3A = vector.shape_cast %broadcast_in_dim3A : vector<1x64xf32> to vector<64x1xf32>
    %max3A = arith.constant 1.000000e+00 : f32
    %max3A_25 = vector.broadcast %max3A : f32 to vector<64x1xf32>
    %max3A_26 = arith.maximumf %reshape3A, %max3A_25 : vector<64x1xf32>
    %div3A = vector.broadcast %max3A_26 : vector<64x1xf32> to vector<64x128xf32>
    %div3A_27 = arith.divf %dot_general3A_23, %div3A : vector<64x128xf32>
    %get3A_28 = arith.constant 0 : index
    %get3A_29 = arith.constant 0 : index
    %get3A_30 = vector.load %arg7[%get3A_28, %get3A_29] : memref<1024x1xi32, #tpu.memory_space<vmem>>, vector<1024x1xi32>
    %iota3A_31 = tpu.iota {dimensions = array<i32: 1>} : vector<1024x64xi32>
    %eq3A_32 = vector.broadcast %get3A_30 : vector<1024x1xi32> to vector<1024x64xi32>
    %eq3A_33 = arith.cmpi eq, %iota3A_31, %eq3A_32 : vector<1024x64xi32>
    %convert_element_type3A_34 = arith.extui %eq3A_33 : vector<1024x64xi1> to vector<1024x64xi32>
    %convert_element_type3A_35 = arith.sitofp %convert_element_type3A_34 : vector<1024x64xi32> to vector<1024x64xf32>
    %get3A_36 = arith.constant 0 : index
    %get3A_37 = arith.constant 0 : index
    %get3A_38 = vector.load %arg5[%get3A_36, %get3A_37] : memref<1024x128xf32, #tpu.memory_space<vmem>>, vector<1024x128xf32>
    %dot_general3A_39 = arith.constant dense<0.000000e+00> : vector<64x128xf32>
    %dot_general3A_40 = tpu.matmul %convert_element_type3A_35, %get3A_38, %dot_general3A_39 {dimension_numbers = #tpu.dot_dimension_numbers<[0], [0], [1], [1], [0, 1, 1, 1], [], []>, transpose_lhs_hint = false} : vector<1024x64xf32>, vector<1024x128xf32>, vector<64x128xf32> -> vector<64x128xf32>
    %reduce_sum3A_41 = arith.constant dense<0.000000e+00> : vector<64xf32>
    %reduce_sum3A_42 = vector.multi_reduction <add>, %convert_element_type3A_35, %reduce_sum3A_41 [0] : vector<1024x64xf32> to vector<64xf32>
    %broadcast_in_dim3A_43 = vector.shape_cast %reduce_sum3A_42 : vector<64xf32> to vector<1x64xf32>
    %reshape3A_44 = vector.shape_cast %broadcast_in_dim3A_43 : vector<1x64xf32> to vector<64x1xf32>
    %max3A_45 = arith.constant 1.000000e+00 : f32
    %max3A_46 = vector.broadcast %max3A_45 : f32 to vector<64x1xf32>
    %max3A_47 = arith.maximumf %reshape3A_44, %max3A_46 : vector<64x1xf32>
    %div3A_48 = vector.broadcast %max3A_47 : vector<64x1xf32> to vector<64x128xf32>
    %div3A_49 = arith.divf %dot_general3A_40, %div3A_48 : vector<64x128xf32>
    %concatenate3A = tpu.concatenate %div3A_27, %div3A_49 in 1 : vector<64x128xf32>, vector<64x128xf32> -> vector<64x256xf32>
    %get3A_50 = arith.constant 0 : index
    %get3A_51 = arith.constant 0 : index
    %get3A_52 = vector.load %arg8[%get3A_50, %get3A_51] : memref<256x1692xf32, #tpu.memory_space<vmem>>, vector<256x1692xf32>
    %dot_general3A_53 = arith.constant dense<0.000000e+00> : vector<64x1692xf32>
    %dot_general3A_54 = tpu.matmul %concatenate3A, %get3A_52, %dot_general3A_53 {dimension_numbers = #tpu.dot_dimension_numbers<[1], [0], [0], [1], [0, 0, 1, 1], [], []>, transpose_lhs_hint = false} : vector<64x256xf32>, vector<256x1692xf32>, vector<64x1692xf32> -> vector<64x1692xf32>
    %get3A_55 = arith.constant 0 : index
    %get3A_56 = arith.constant 0 : index
    %get3A_57 = vector.load %arg9[%get3A_55, %get3A_56] : memref<1x1692xf32, #tpu.memory_space<vmem>>, vector<1x1692xf32>
    %add3A_58 = vector.broadcast %get3A_57 : vector<1x1692xf32> to vector<64x1692xf32>
    %add3A_59 = arith.addf %dot_general3A_54, %add3A_58 : vector<64x1692xf32>
    %get3A_60 = arith.constant 0 : index
    %get3A_61 = arith.constant 0 : index
    %get3A_62 = vector.load %arg10[%get3A_60, %get3A_61] : memref<1692x3129xf32, #tpu.memory_space<vmem>>, vector<1692x3129xf32>
    %dot_general3A_63 = arith.constant dense<0.000000e+00> : vector<64x3129xf32>
    %dot_general3A_64 = tpu.matmul %add3A_59, %get3A_62, %dot_general3A_63 {dimension_numbers = #tpu.dot_dimension_numbers<[1], [0], [0], [1], [0, 0, 1, 1], [], []>, transpose_lhs_hint = false} : vector<64x1692xf32>, vector<1692x3129xf32>, vector<64x3129xf32> -> vector<64x3129xf32>
    %get3A_65 = arith.constant 0 : index
    %get3A_66 = arith.constant 0 : index
    %get3A_67 = vector.load %arg11[%get3A_65, %get3A_66] : memref<1x3129xf32, #tpu.memory_space<vmem>>, vector<1x3129xf32>
    %add3A_68 = vector.broadcast %get3A_67 : vector<1x3129xf32> to vector<64x3129xf32>
    %add3A_69 = arith.addf %dot_general3A_64, %add3A_68 : vector<64x3129xf32>
    %reduce_max3A = arith.constant dense<0xFF800000> : vector<64xf32>
    %reduce_max3A_70 = vector.multi_reduction <maximumf>, %add3A_69, %reduce_max3A [1] : vector<64x3129xf32> to vector<64xf32>
    %broadcast_in_dim3A_71 = vector.shape_cast %reduce_max3A_70 : vector<64xf32> to vector<64x1xf32>
    %sub3A = vector.broadcast %broadcast_in_dim3A_71 : vector<64x1xf32> to vector<64x3129xf32>
    %sub3A_72 = arith.subf %add3A_69, %sub3A : vector<64x3129xf32>
    %exp3A = math.exp %sub3A_72 : vector<64x3129xf32>
    %reduce_sum3A_73 = arith.constant dense<0.000000e+00> : vector<64xf32>
    %reduce_sum3A_74 = vector.multi_reduction <add>, %exp3A, %reduce_sum3A_73 [1] : vector<64x3129xf32> to vector<64xf32>
    %broadcast_in_dim3A_75 = vector.shape_cast %reduce_sum3A_74 : vector<64xf32> to vector<64x1xf32>
    %log3A = math.log %broadcast_in_dim3A_75 : vector<64x1xf32>
    %add3A_76 = arith.addf %log3A, %broadcast_in_dim3A_71 : vector<64x1xf32>
    %sub3A_77 = vector.broadcast %add3A_76 : vector<64x1xf32> to vector<64x3129xf32>
    %sub3A_78 = arith.subf %add3A_69, %sub3A_77 : vector<64x3129xf32>
    %swap3A = arith.constant 0 : index
    %swap3A_79 = arith.constant 0 : index
    %swap3A_80 = vector.load %arg12[%swap3A, %swap3A_79] : memref<64x3129xf32, #tpu.memory_space<vmem>>, vector<64x3129xf32>
    tpu.vector_store %arg12[%swap3A, %swap3A_79], %sub3A_78 {strides = array<i32>} : memref<64x3129xf32, #tpu.memory_space<vmem>>, vector<64x3129xf32>,
    return
  }
}

</mosaic_0001>

<sc_bundles>
// kernel: kernel.13.cloned.1.call-start
scs
__scs_entry_jumppad:
0x0: {  	(pc) =	sbr.rel $0x88, $3  }
0x1: {  	(tag) =	ssettag $0x0;
	lr =	simm.s32 $0x1  }
0x2: {  	[smem:$0x3F86] =	sst lr;
	_ =	strace $0xD0000000  }
0x3: {  	_ = 	snop  }
0x4: {  	_ = 	snop  }
0x5: {  	_ = 	snop  }
0x6: {  	_ = 	snop  }
0x7: {  	_ = 	snop  }
__scs_overlays_trampoline_lowered:
0x8: {  	[smem:$0x3F95] =	sst s0  }
0x9: {  	[smem:$0x3F96] =	sst s1  }
0xa: {  	[smem:$0x3F97] =	sst s2  }
0xb: {  	[smem:$0x3F98] =	sst s3  }
0xc: {  	[smem:$0x3F99] =	sst s4  }
0xd: {  	[smem:$0x3F9A] =	sst s5  }
0xe: {  	[smem:$0x3F9B] =	sst s6  }
0xf: {  	[smem:$0x3F9C] =	sst s7  }
0x10: {  	[smem:$0x3F9D] =	sst s8  }
0x11: {  	[smem:$0x3F9E] =	sst s9;
	s0 =	simm.s32 @!p0 $0x0  }
0x12: {  	s1 =	sld [smem:$0x3F84];
	s0 =	simm.s32 @p0 $0x1  }
0x13: {  	[smem:$0x3F9F] =	sst s0;
	s0 =	simm.s32 @!p1 $0x0  }
0x14: {  	s2 =	sld [smem:$0x3F83];
	s0 =	simm.s32 @p1 $0x1  }
0x15: {  	[smem:$0x3FA0] =	sst s0;
	s0 =	simm.s32 @!p2 $0x0  }
0x16: {  	s3 =	sld [smem:$0x3FDB];
	s0 =	simm.s32 @p2 $0x1  }
0x17: {  	s4 =	simm.s32 $0x1BF5;
	[smem:$0x3FA2] =	sst s0  }
0x18: {  	s0 =	sld [smem:$0x3F85];
	_ =	swait.ge [sflag:s4], $0x0  }
0x19: {  	s7 =	sld [smem:$0x3F86]  }
0x1a: {  	s8 =	sadd.s32 $0xFFFFE003, lr  }
0x1b: {  	s9 =	sadd.s32 $0xFFFFFEF7, lr;
	s5 =	simm.s32 $0xFFFFFFFF;
	p2 =	slt.u32 s8, $0xFFFFF086  }
0x1c: {  	p1 =	slt.u32 s9, $0xF7A;
	s5 =	simm.s32 @!p2 $0x0  }
0x1d: {  	s5 =	simm.s32 @p1 $0x1;
	p0 =	seq.s32 s7, s2  }
0x1e: {  	s7 =	smul.u32 @!p0 $0xF7A, s2;
	p2 =	seq.s32 @!p0 s5, $0x0  }
0x1f: {  	s9 =	smul.u32 $0xF7A, s1;
	s8 =	simm.s32 @!p0 $0x1BF5;
	p2 =	por !p2, p0  }
0x20: {  	[sflag:s8] =	ssyncset.s32 @!p0 $0xFFFFF086;
	s6 =	sadd.s32 @!p0 s3, s7;
	s7 =	simm.s32 @!p0 $0x108  }
0x21: {  	s3 =	sadd.s32 s3, s9;
	s6 =	sadd.s32 @!p0 $0x88, s6;
	s7 =	simm.s32 @p2 $0x1082  }
0x22: {  	[simem:s7], [sflag:s8] =	dma.local @!p0 [hbm:s6], $0xF7A  }
0x23: {  	s9 =	sor.u32 $0xD0000000, s2;
	s6 =	simm.s32 $0x108;
	_ =	swait.ge @!p0 [sflag:s8], $0x0  }
0x24: {  	s3 =	sadd.s32 $0x88, s3;
	s6 =	simm.s32 @!p1 $0x1082;
	[sflag:s4] =	ssyncset.s32 $0xFFFFF086  }
0x25: {  	[simem:s6], [sflag:s4] =	dma.local [hbm:s3], $0xF7A  }
0x26: {  	[smem:$0x3F86] =	sst s1;
	(tag) =	ssettag s2;
	_ =	strace s9  }
0x27: {  	s1 =	sld [smem:$0x3F96]  }
0x28: {  	s2 =	sld [smem:$0x3F97]  }
0x29: {  	s4 =	sld [smem:$0x3F99]  }
0x2a: {  	p0 =	seq.s32 s5, $0x0;
	s5 =	sld [smem:$0x3F9A]  }
0x2b: {  	s6 =	sld [smem:$0x3F9B]  }
0x2c: {  	s7 =	sld [smem:$0x3F9C]  }
0x2d: {  	s3 =	simm.s32 $0x108;
	s8 =	sld [smem:$0x3F9D]  }
0x2e: {  	s3 =	simm.s32 @!p0 $0x1082;
	s9 =	sld [smem:$0x3F9E]  }
0x2f: {  	lr =	sadd.s32 s0, s3;
	s0 =	sld [smem:$0x3F95]  }
0x30: {  	s3 =	sld [smem:$0x3F98]  }
0x31: {  	[smem:$0x3FA1] =	sst s10  }
0x32: {  	s10 =	sld [smem:$0x3F9F];
	_ =	sdelay $0x3  }
0x33: {  	p0 =	seq.s32 s10, $0x1;
	s10 =	sld [smem:$0x3FA1];
	_ =	sdelay $0x3  }
0x34: {  	[smem:$0x3FA1] =	sst s10  }
0x35: {  	s10 =	sld [smem:$0x3FA0];
	_ =	sdelay $0x3  }
0x36: {  	p1 =	seq.s32 s10, $0x1;
	s10 =	sld [smem:$0x3FA1];
	_ =	sdelay $0x3  }
0x37: {  	[smem:$0x3FA1] =	sst s10  }
0x38: {  	s10 =	sld [smem:$0x3FA2]  }
0x39: {  	_ = 	snop;
	(pc) =	sbr.ind lr, $3  }
0x3a: {  	_ = 	snop  }
0x3b: {  	_ = 	snop  }
0x3c: {  	p2 =	seq.s32 s10, $0x1;
	s10 =	sld [smem:$0x3FA1]  }
0x3d: {  	_ =	shalt  }
0x3e: {  	_ =	shalt  }
0x3f: {  	_ =	shalt  }
0x40: {  	_ =	shalt  }
0x41: {  	_ =	shalt  }
0x42: {  	_ =	shalt  }
0x43: {  	_ =	shalt  }
0x44: {  	_ =	shalt  }
0x45: {  	_ =	shalt  }
0x46: {  	_ =	shalt  }
0x47: {  	_ =	shalt  }
0x48: {  	_ =	shalt  }
0x49: {  	_ =	shalt  }
0x4a: {  	_ =	shalt  }
0x4b: {  	_ =	shalt  }
0x4c: {  	_ =	shalt  }
0x4d: {  	_ =	shalt  }
0x4e: {  	_ =	shalt  }
0x4f: {  	_ =	shalt  }
0x50: {  	_ =	shalt  }
0x51: {  	_ =	shalt  }
0x52: {  	_ =	shalt  }
0x53: {  	_ =	shalt  }
0x54: {  	_ =	shalt  }
0x55: {  	_ =	shalt  }
0x56: {  	_ =	shalt  }
0x57: {  	_ =	shalt  }
0x58: {  	_ =	shalt  }
0x59: {  	_ =	shalt  }
0x5a: {  	_ =	shalt  }
0x5b: {  	_ =	shalt  }
0x5c: {  	_ =	shalt  }
0x5d: {  	_ =	shalt  }
0x5e: {  	_ =	shalt  }
0x5f: {  	_ =	shalt  }
0x60: {  	_ =	shalt  }
0x61: {  	_ =	shalt  }
0x62: {  	_ =	shalt  }
0x63: {  	_ =	shalt  }
0x64: {  	_ =	shalt  }
0x65: {  	_ =	shalt  }
0x66: {  	_ =	shalt  }
0x67: {  	_ =	shalt  }
0x68: {  	_ =	shalt  }
0x69: {  	_ =	shalt  }
0x6a: {  	_ =	shalt  }
0x6b: {  	_ =	shalt  }
0x6c: {  	_ =	shalt  }
0x6d: {  	_ =	shalt  }
0x6e: {  	_ =	shalt  }
0x6f: {  	_ =	shalt  }
0x70: {  	_ =	shalt  }
0x71: {  	_ =	shalt  }
0x72: {  	_ =	shalt  }
0x73: {  	_ =	shalt  }
0x74: {  	_ =	shalt  }
0x75: {  	_ =	shalt  }
0x76: {  	_ =	shalt  }
0x77: {  	_ =	shalt  }
0x78: {  	_ =	shalt  }
0x79: {  	_ =	shalt  }
0x7a: {  	_ =	shalt  }
0x7b: {  	_ =	shalt  }
0x7c: {  	_ =	shalt  }
0x7d: {  	_ =	shalt  }
0x7e: {  	_ =	shalt  }
0x7f: {  	_ =	shalt  }
0x80: {  	_ =	shalt  }
0x81: {  	_ =	shalt  }
0x82: {  	_ =	shalt  }
0x83: {  	_ =	shalt  }
0x84: {  	_ =	shalt  }
0x85: {  	_ =	shalt  }
0x86: {  	_ =	shalt  }
0x87: {  	_ =	shalt  }
.Lfunc_end0:
.L_simem_size_0:
called_computation_lowered:
.L_overlay_start_0:
0x88: {  	s2 =	sld [smem:$0x3FD9]  }
0x89: {  	s3 =	sld [smem:$0x3FFE];
	_ =	sdelay $0x1  }
0x8a: {  	s1 =	srdreg.scid  }
0x8b: {  	s0 =	sand.u32 $0x1, s1  }
0x8c: {  	s16 =	sshll.u32 s0, $0xA;
	s2 =	sadd.s32 s3, s2  }
0x8d: {  	s2 =	sadd.s32 s2, s16  }
0x8e: {  	[smem:$0x3FAD] =	sst s2  }
0x8f: {  	_ = 	snop  }
0x90: {  	(tm) =	ssettm $0x1  }
0x91: {  	s17 =	sld [smem:$0x3FFB];
	_ =	sdelay $0x3  }
0x92: {  	_ =	strace s17  }
0x93: {  	s2 =	sld [smem:$0x3FFC];
	_ =	sdelay $0x3  }
0x94: {  	_ =	strace s2  }
0x95: {  	s2 =	sld [smem:$0x3FFD];
	_ =	sdelay $0x3  }
0x96: {  	_ =	strace s2  }
0x97: {  	_ =	strace $0x8FFFFFFF  }
0x98: {  	s18 =	sld [smem:$0x3FDB];
	_ =	sdelay $0x1  }
0x99: {  	s19 =	simm.s32 $_scs_section_size  }
0x9a: {  	s4 =	simm.s32 $_size__tile_overlayer_lowered;
	s5 =	simm.s32 $_tile_overlayer_lowered  }
0x9b: {  	s22 =	simm.s32 $0x1BFF;
	s21 =	sshll.u32 s5, $0x1;
	s2 =	sadd.s32 s19, s18  }
0x9c: {  	s6 =	simm.s32 $0x0;
	s20 =	sshll.u32 s4, $0x1;
	s4 =	sadd.s32 s21, s2  }
0x9d: {  	[timem:s6], [sflag:s22] =	dma.local [hbm:s4], s20  }
0x9e: {  	_ =	swait.ge [sflag:s22], s20  }
0x9f: {  	s3 =	ssub.s32 $0x0, s20;
	[sflag:s22] =	ssyncset.done $0x0  }
0xa0: {  	[sflag:s22] =	ssyncadd.s32 s3;
	_ =	sdelay $0x1  }
0xa1: {  	s23 =	simm.s32 $0x1B8B  }
0xa2: {  	_ =	swait.ge [sflag:s23], $0x1  }
0xa3: {  	[sflag:s23] =	ssyncset.done $0x0  }
0xa4: {  	s25 =	simm.s32 $0x1B8E;
	s24 =	sld [smem:$0x3FFE];
	[sflag:s23] =	ssyncadd.s32 $0xFFFFFFFF  }
0xa5: {  	s26 =	simm.s32 $execute0_lowered;
	[smem:$0x3FD2] =	sst s25  }
0xa6: {  	s4 =	sshll.u32 s26, $0x1;
	_ =	strace $0x80000046;
	[dreg:$0x1] =	wrdreg $0xFFFFFFFF  }
0xa7: {  	s28 =	simm.s32 $_size_execute0_lowered;
	s2 =	sadd.s32 s2, s4;
	[dreg:$0x0] =	wrdreg $0x0  }
0xa8: {  	s4 =	sshll.u32 s28, $0x1;
	[dreg:$0x2] =	wrdreg s2  }
0xa9: {  	[dreg:$0x3] =	wrdreg s4  }
0xaa: {  	[dreg:$0x4] =	wrdreg $0xC0  }
0xab: {  	_ =	task [dreg:s6], $0x5FFFF  }
0xac: {  	[dreg:$0x1] =	wrdreg $0xFFFFFFFF  }
0xad: {  	[dreg:$0x0] =	wrdreg $0x60  }
0xae: {  	[dreg:$0x2] =	wrdreg s24  }
0xaf: {  	[dreg:$0x3] =	wrdreg $0x0  }
0xb0: {  	[dreg:$0x4] =	wrdreg $0xA  }
0xb1: {  	_ =	task.clear_ibuf [dreg:s6], $0x5FFFF;
	_ =	strace $0x90000046  }
0xb2: {  	s29 =	simm.s32 $0xA;
	_ =	strace $0x80000048  }
0xb3: {  	_ =	swait.ge [sflag:s29], $0x1  }
0xb4: {  	[sflag:s29] =	ssyncadd.s32 $0xFFFFFFFF  }
0xb5: {  	_ =	strace $0x90000048  }
0xb6: {  	_ =	sfence  }
0xb7: {  	s30 =	sld [smem:$0x0];
	_ =	sdelay $0x2  }
0xb8: {  	s31 =	sshll.u32 s1, $0xD;
	s1 =	sshrl.u32 s1, $0x2  }
0xb9: {  	s3 =	sand.u32 $0x4000, s31;
	s1 =	sadd.s32 s1, s30  }
0xba: {  	s0 =	sor.u32 s3, s0;
	s1 =	sshll.u32 s1, $0x11  }
0xbb: {  	s0 =	sor.u32 s1, s0  }
0xbc: {  	s0 =	sadd.s32 $0x8F2B, s0  }
0xbd: {  	[sflag:s0] =	ssyncadd.remote.s32 $0x1  }
0xbe: {  	_ =	sfence.sel $0xFFFF  }
0xbf: {  	[dreg:$0x0] =	wrdreg $0xFFFFFFFF;
	(pc) =	sbr.abs _section_cstart, $3  }
0xc0: {  	[dreg:$0x1] =	wrdreg $0xFFFFFFFF  }
0xc1: {  	_ =	task.clear_ibuf [dreg:s6], $0x2FFFF;
	_ =	strace $0x9FFFFFFF  }
0xc2: {  	(tm) =	ssettm $0x7FFFFFFF  }
0xc3: {  	_ =	shalt  }
tec
execute0_lowered:
.L_overlay_start_1:
0x0: {  	(tag) =	ssettag $0x1  }
0x1: {  	s5 =	rddreg [dreg:$0x0]  }
0x2: {  	s0 =	srdreg.scid;
	s2 =	rddreg [dreg:$0x1]  }
0x3: {  	s1 =	rddreg [dreg:$0x2];
	s3 =	simm.s32 $0x0;
	s12 =	simm.s32 $0x80  }
0x4: {  	s13 =	simm.s32 $0x2A80;
	s14 =	simm.s32 $0x20;
	s6 =	sand.u32 $0x1, s0  }
0x5: {  	s15 =	simm.s32 $0x10;
	s0 =	stileid.u32;
	s4 =	smul.u32 $0x28000, s6  }
0x6: {  	s16 =	simm.s32 $0x0;
	[smem:$0x7FF] =	sst s3;
	s7 =	smul.u32 $0x2800, s0  }
0x7: {  	s28 =	smul.u32 $0x500, s0;
	_ =	strace $0x80000047;
	s8 =	sshll.u32 s6, $0x7  }
0x8: {  	s29 =	smul.u32 $0xA00, s0;
	s6 =	ssub.s32 $0x2, s6;
	s31 =	sshll.u32 s0, $0x6  }
0x9: {  	s30 =	sshrl.u32 s6, $0x1;
	s4 =	sadd.s32 s7, s4;
	s7 =	sor.u32 s8, s28  }
0xa: {  	s8 =	sshrl.u32 s29, $0x2;
	s10 =	ssub.s32 s6, s30;
	s4 =	sshrl.u32 s4, $0x3  }
0xb: {  	s7 =	sshrl.u32 s7, $0x3;
	s11 =	sadd.s32 s8, s2;
	s8 =	smax.u32 s10, $0x1  }
0xc: {  	s10 =	simm.s32 $0x1;
	s9 =	sadd.s32 s4, s5;
	s4 =	sadd.s32 $0x11600, s5  }
0xd: {  	s7 =	sadd.s32 s7, s5;
	s5 =	sor.u32 $0x1C01, s31;
	s6 =	sadd.s32 $0x7600, s9  }
0xe: {  	v0 =	vimm.f32 $1.000000000e+00;
	s7 =	sadd.s32 $0x11800, s7;
	s9 =	sshrl.u32 s11, $0x3;
	s11 =	simm.s32 $0x280  }
.LBB2_1:
0xf: {  	[tilespmem:$0x2A80] =	vst v0  }
0x10: {  	[tilespmem:$0x2A90] =	vst v0  }
0x11: {  	[tilespmem:$0x2AA0] =	vst v0  }
0x12: {  	[tilespmem:$0x2AB0] =	vst v0  }
0x13: {  	[tilespmem:$0x2AC0] =	vst v0  }
0x14: {  	[tilespmem:$0x2AD0] =	vst v0  }
0x15: {  	[tilespmem:$0x2AE0] =	vst v0  }
0x16: {  	[tilespmem:$0x2AF0] =	vst v0  }
0x17: {  	[spmem:s9], [sflag:s5] =	dma.local [hbm:s4], $0x50  }
0x18: {  	_ =	swait.ge [sflag:s10], $0x50  }
0x19: {  	[sflag:s10] =	ssyncset.done $0x0  }
0x1a: {  	[sflag:s10] =	ssyncadd.s32 $0xFFFFFFB0  }
0x1b: {  	[tilespmem:s11], [sflag:$0x1] =	stream.linear.gather [hbm4b:s6+s3], $0x2780, $0x38;
	[tilespmem:$0x2B00] =	vst v63  }
0x1c: {  	_ =	swait.ge [sflag:s10], $0x2780  }
0x1d: {  	[sflag:s10] =	ssyncset.done $0x0  }
0x1e: {  	[sflag:s10] =	ssyncadd.s32 $0xFFFFD880  }
0x1f: {  	s17 =	simm.s32 $0x280;
	[bflag:$0x0] =	sbarrier.arrive $0xFFFF  }
0x20: {  	[spmem:s2] =	stream.indirect.scatter.add.f32 [tilespmem:s13], [sflag:$0x1], $0x1, s17, s12, $0xb8;
	[tilespmem:$0x2B00] =	vst v63  }
0x21: {  	s17 =	simm.s32 $0x200;
	_ =	swait.ge [sflag:s10], $0x80  }
.LBB2_2:
0x22: {  	s18 =	sshra.s32 s17, $0x2;
	[sflag:s10] =	ssyncset.done $0x0;
	p0 =	sne.s32 s17, $0x9C00  }
.Ltmp0:
0x23: {  	s18 =	sadd.s32 $0x280, s18;
	[sflag:s10] =	ssyncadd.s32 $0xFFFFFF80;
	(pc) =	sbr.rel @p0 .LBB2_2-.Ltmp0, $3  }
0x24: {  	[spmem:s2] =	stream.indirect.scatter.add.f32 [tilespmem:s13], [sflag:$0x1], $0x1, s18, s12, $0xb8;
	[tilespmem:$0x2B00] =	vst v63  }
0x25: {  	s17 =	sadd.s32 $0x200, s17;
	_ =	sdelay $0x1  }
0x26: {  	_ =	swait.ge [sflag:s10], $0x80  }
0x27: {  	[sflag:s10] =	ssyncset.done $0x0;
	s16 =	sadd.s32 $0x1, s16  }
0x28: {  	[sflag:s10] =	ssyncadd.s32 $0xFFFFFF80;
	p0 =	sne.s32 s16, s8  }
.Ltmp1:
0x29: {  	[bflag:$0x0] =	sbarrier.arrive $0xFFFF;
	(pc) =	sbr.rel @p0 .LBB2_1-.Ltmp1, $4  }
0x2a: {  	[hbm:s7@s14], [sflag:s5] =	dma.strided [spmem:s9@s15], $0x50, s10, $0x10   }
0x2b: {  	_ =	swait.ge [sflag:s10], $0x50  }
0x2c: {  	[sflag:s10] =	ssyncset.done $0x0  }
0x2d: {  	[sflag:s10] =	ssyncadd.s32 $0xFFFFFFB0  }
0x2e: {  	_ =	sfence.sel $0x180000  }
0x2f: {  	[bflag:$0x0] =	sbarrier.arrive $0xFFFF  }
0x30: {  	p0 =	sne.s32 s0, $0x0;
	_ =	strace $0x90000047  }
0x31: {  	s0 =	sadd.s32 @!p0 $0x100000, s1;
	[bflag:$0x2] =	sbarrier.arrive $0xFFFF  }
0x32: {  	[sflag:s0] =	ssyncadd.tile.s32 @!p0 $0x1;
	_ =	shalt  }
.Lfunc_end2:
_tile_overlayer_lowered:
.L_overlay_start_2:
0x33: {  	(tag) =	ssettag $0x2  }
0x34: {  	s0 =	rddreg [dreg:$0x0];
	s2 =	stileid.u32  }
0x35: {  	s1 =	rddreg [dreg:$0x1];
	p0 =	sne.s32 s2, $0x0  }
0x36: {  	s3 =	rddreg [dreg:$0x2];
	[bflag:$0x3] =	sbarrier.arrive $0xFFFF;
	s2 =	simm.s32 @!p0 $0x1C01  }
0x37: {  	[timem:s3], [sflag:s2] =	dma.local @!p0 [hbm:s0], s1  }
0x38: {  	s0 =	simm.s32 @!p0 $0x1  }
0x39: {  	_ =	swait.ge @!p0 [sflag:s0], s1  }
0x3a: {  	s1 =	ssub.s32 @!p0 $0x0, s1;
	[sflag:s0] =	ssyncset.done @!p0 $0x0  }
0x3b: {  	[sflag:s0] =	ssyncadd.s32 @!p0 s1  }
0x3c: {  	[bflag:$0x3] =	sbarrier.arrive $0xFFFF  }
0x3d: {  	_ =	shalt  }

// kernel: kernel.16.cloned.1.call-start
scs
__scs_entry_jumppad:
0x0: {  	(pc) =	sbr.rel $0x88, $3  }
0x1: {  	(tag) =	ssettag $0x0;
	lr =	simm.s32 $0x1  }
0x2: {  	[smem:$0x3F86] =	sst lr;
	_ =	strace $0xD0000000  }
0x3: {  	_ = 	snop  }
0x4: {  	_ = 	snop  }
0x5: {  	_ = 	snop  }
0x6: {  	_ = 	snop  }
0x7: {  	_ = 	snop  }
__scs_overlays_trampoline_lowered:
0x8: {  	[smem:$0x3F95] =	sst s0  }
0x9: {  	[smem:$0x3F96] =	sst s1  }
0xa: {  	[smem:$0x3F97] =	sst s2  }
0xb: {  	[smem:$0x3F98] =	sst s3  }
0xc: {  	[smem:$0x3F99] =	sst s4  }
0xd: {  	[smem:$0x3F9A] =	sst s5  }
0xe: {  	[smem:$0x3F9B] =	sst s6  }
0xf: {  	[smem:$0x3F9C] =	sst s7  }
0x10: {  	[smem:$0x3F9D] =	sst s8  }
0x11: {  	[smem:$0x3F9E] =	sst s9;
	s0 =	simm.s32 @!p0 $0x0  }
0x12: {  	s1 =	sld [smem:$0x3F84];
	s0 =	simm.s32 @p0 $0x1  }
0x13: {  	[smem:$0x3F9F] =	sst s0;
	s0 =	simm.s32 @!p1 $0x0  }
0x14: {  	s2 =	sld [smem:$0x3F83];
	s0 =	simm.s32 @p1 $0x1  }
0x15: {  	[smem:$0x3FA0] =	sst s0;
	s0 =	simm.s32 @!p2 $0x0  }
0x16: {  	s3 =	sld [smem:$0x3FDB];
	s0 =	simm.s32 @p2 $0x1  }
0x17: {  	s4 =	simm.s32 $0x1BF5;
	[smem:$0x3FA2] =	sst s0  }
0x18: {  	s0 =	sld [smem:$0x3F85];
	_ =	swait.ge [sflag:s4], $0x0  }
0x19: {  	s7 =	sld [smem:$0x3F86]  }
0x1a: {  	s8 =	sadd.s32 $0xFFFFE003, lr  }
0x1b: {  	s9 =	sadd.s32 $0xFFFFFEF7, lr;
	s5 =	simm.s32 $0xFFFFFFFF;
	p2 =	slt.u32 s8, $0xFFFFF086  }
0x1c: {  	p1 =	slt.u32 s9, $0xF7A;
	s5 =	simm.s32 @!p2 $0x0  }
0x1d: {  	s5 =	simm.s32 @p1 $0x1;
	p0 =	seq.s32 s7, s2  }
0x1e: {  	s7 =	smul.u32 @!p0 $0xF7A, s2;
	p2 =	seq.s32 @!p0 s5, $0x0  }
0x1f: {  	s9 =	smul.u32 $0xF7A, s1;
	s8 =	simm.s32 @!p0 $0x1BF5;
	p2 =	por !p2, p0  }
0x20: {  	[sflag:s8] =	ssyncset.s32 @!p0 $0xFFFFF086;
	s6 =	sadd.s32 @!p0 s3, s7;
	s7 =	simm.s32 @!p0 $0x108  }
0x21: {  	s3 =	sadd.s32 s3, s9;
	s6 =	sadd.s32 @!p0 $0x88, s6;
	s7 =	simm.s32 @p2 $0x1082  }
0x22: {  	[simem:s7], [sflag:s8] =	dma.local @!p0 [hbm:s6], $0xF7A  }
0x23: {  	s9 =	sor.u32 $0xD0000000, s2;
	s6 =	simm.s32 $0x108;
	_ =	swait.ge @!p0 [sflag:s8], $0x0  }
0x24: {  	s3 =	sadd.s32 $0x88, s3;
	s6 =	simm.s32 @!p1 $0x1082;
	[sflag:s4] =	ssyncset.s32 $0xFFFFF086  }
0x25: {  	[simem:s6], [sflag:s4] =	dma.local [hbm:s3], $0xF7A  }
0x26: {  	[smem:$0x3F86] =	sst s1;
	(tag) =	ssettag s2;
	_ =	strace s9  }
0x27: {  	s1 =	sld [smem:$0x3F96]  }
0x28: {  	s2 =	sld [smem:$0x3F97]  }
0x29: {  	s4 =	sld [smem:$0x3F99]  }
0x2a: {  	p0 =	seq.s32 s5, $0x0;
	s5 =	sld [smem:$0x3F9A]  }
0x2b: {  	s6 =	sld [smem:$0x3F9B]  }
0x2c: {  	s7 =	sld [smem:$0x3F9C]  }
0x2d: {  	s3 =	simm.s32 $0x108;
	s8 =	sld [smem:$0x3F9D]  }
0x2e: {  	s3 =	simm.s32 @!p0 $0x1082;
	s9 =	sld [smem:$0x3F9E]  }
0x2f: {  	lr =	sadd.s32 s0, s3;
	s0 =	sld [smem:$0x3F95]  }
0x30: {  	s3 =	sld [smem:$0x3F98]  }
0x31: {  	[smem:$0x3FA1] =	sst s10  }
0x32: {  	s10 =	sld [smem:$0x3F9F];
	_ =	sdelay $0x3  }
0x33: {  	p0 =	seq.s32 s10, $0x1;
	s10 =	sld [smem:$0x3FA1];
	_ =	sdelay $0x3  }
0x34: {  	[smem:$0x3FA1] =	sst s10  }
0x35: {  	s10 =	sld [smem:$0x3FA0];
	_ =	sdelay $0x3  }
0x36: {  	p1 =	seq.s32 s10, $0x1;
	s10 =	sld [smem:$0x3FA1];
	_ =	sdelay $0x3  }
0x37: {  	[smem:$0x3FA1] =	sst s10  }
0x38: {  	s10 =	sld [smem:$0x3FA2]  }
0x39: {  	_ = 	snop;
	(pc) =	sbr.ind lr, $3  }
0x3a: {  	_ = 	snop  }
0x3b: {  	_ = 	snop  }
0x3c: {  	p2 =	seq.s32 s10, $0x1;
	s10 =	sld [smem:$0x3FA1]  }
0x3d: {  	_ =	shalt  }
0x3e: {  	_ =	shalt  }
0x3f: {  	_ =	shalt  }
0x40: {  	_ =	shalt  }
0x41: {  	_ =	shalt  }
0x42: {  	_ =	shalt  }
0x43: {  	_ =	shalt  }
0x44: {  	_ =	shalt  }
0x45: {  	_ =	shalt  }
0x46: {  	_ =	shalt  }
0x47: {  	_ =	shalt  }
0x48: {  	_ =	shalt  }
0x49: {  	_ =	shalt  }
0x4a: {  	_ =	shalt  }
0x4b: {  	_ =	shalt  }
0x4c: {  	_ =	shalt  }
0x4d: {  	_ =	shalt  }
0x4e: {  	_ =	shalt  }
0x4f: {  	_ =	shalt  }
0x50: {  	_ =	shalt  }
0x51: {  	_ =	shalt  }
0x52: {  	_ =	shalt  }
0x53: {  	_ =	shalt  }
0x54: {  	_ =	shalt  }
0x55: {  	_ =	shalt  }
0x56: {  	_ =	shalt  }
0x57: {  	_ =	shalt  }
0x58: {  	_ =	shalt  }
0x59: {  	_ =	shalt  }
0x5a: {  	_ =	shalt  }
0x5b: {  	_ =	shalt  }
0x5c: {  	_ =	shalt  }
0x5d: {  	_ =	shalt  }
0x5e: {  	_ =	shalt  }
0x5f: {  	_ =	shalt  }
0x60: {  	_ =	shalt  }
0x61: {  	_ =	shalt  }
0x62: {  	_ =	shalt  }
0x63: {  	_ =	shalt  }
0x64: {  	_ =	shalt  }
0x65: {  	_ =	shalt  }
0x66: {  	_ =	shalt  }
0x67: {  	_ =	shalt  }
0x68: {  	_ =	shalt  }
0x69: {  	_ =	shalt  }
0x6a: {  	_ =	shalt  }
0x6b: {  	_ =	shalt  }
0x6c: {  	_ =	shalt  }
0x6d: {  	_ =	shalt  }
0x6e: {  	_ =	shalt  }
0x6f: {  	_ =	shalt  }
0x70: {  	_ =	shalt  }
0x71: {  	_ =	shalt  }
0x72: {  	_ =	shalt  }
0x73: {  	_ =	shalt  }
0x74: {  	_ =	shalt  }
0x75: {  	_ =	shalt  }
0x76: {  	_ =	shalt  }
0x77: {  	_ =	shalt  }
0x78: {  	_ =	shalt  }
0x79: {  	_ =	shalt  }
0x7a: {  	_ =	shalt  }
0x7b: {  	_ =	shalt  }
0x7c: {  	_ =	shalt  }
0x7d: {  	_ =	shalt  }
0x7e: {  	_ =	shalt  }
0x7f: {  	_ =	shalt  }
0x80: {  	_ =	shalt  }
0x81: {  	_ =	shalt  }
0x82: {  	_ =	shalt  }
0x83: {  	_ =	shalt  }
0x84: {  	_ =	shalt  }
0x85: {  	_ =	shalt  }
0x86: {  	_ =	shalt  }
0x87: {  	_ =	shalt  }
.Lfunc_end0:
.L_simem_size_0:
called_computation.1_lowered:
.L_overlay_start_0:
0x88: {  	s2 =	sld [smem:$0x3FD9]  }
0x89: {  	s3 =	sld [smem:$0x3FFE];
	_ =	sdelay $0x1  }
0x8a: {  	s1 =	srdreg.scid  }
0x8b: {  	s0 =	sand.u32 $0x1, s1  }
0x8c: {  	s17 =	sshll.u32 s0, $0xA;
	s2 =	sadd.s32 s3, s2  }
0x8d: {  	s2 =	sadd.s32 s2, s17  }
0x8e: {  	[smem:$0x3FAD] =	sst s2  }
0x8f: {  	_ = 	snop  }
0x90: {  	s18 =	sld [smem:$0x3FD0];
	(tm) =	ssettm $0x1  }
0x91: {  	s19 =	sld [smem:$0x3FFB];
	_ =	sdelay $0x3  }
0x92: {  	_ =	strace s19  }
0x93: {  	s2 =	sld [smem:$0x3FFC];
	_ =	sdelay $0x3  }
0x94: {  	_ =	strace s2  }
0x95: {  	s2 =	sld [smem:$0x3FFD];
	_ =	sdelay $0x3  }
0x96: {  	_ =	strace s2  }
0x97: {  	_ =	strace $0x8FFFFFFF  }
0x98: {  	s20 =	sld [smem:$0x3FDB];
	_ =	sdelay $0x1  }
0x99: {  	s4 =	simm.s32 $_scs_section_size  }
0x9a: {  	s5 =	simm.s32 $_size__tile_overlayer_lowered;
	s6 =	simm.s32 $_tile_overlayer_lowered  }
0x9b: {  	s7 =	simm.s32 $0x1BFF;
	s21 =	sshll.u32 s6, $0x1;
	s4 =	sadd.s32 s4, s20  }
0x9c: {  	s22 =	simm.s32 $0x0;
	s5 =	sshll.u32 s5, $0x1;
	s6 =	sadd.s32 s21, s4  }
0x9d: {  	[timem:s22], [sflag:s7] =	dma.local [hbm:s6], s5  }
0x9e: {  	_ =	swait.ge [sflag:s7], s5  }
0x9f: {  	s5 =	ssub.s32 $0x0, s5;
	[sflag:s7] =	ssyncset.done $0x0  }
0xa0: {  	[sflag:s7] =	ssyncadd.s32 s5;
	_ =	sdelay $0x1  }
0xa1: {  	s23 =	simm.s32 $0x1B8B  }
0xa2: {  	_ =	swait.ge [sflag:s23], $0x1  }
0xa3: {  	[sflag:s23] =	ssyncset.done $0x0  }
0xa4: {  	[sflag:s23] =	ssyncadd.s32 $0xFFFFFFFF  }
0xa5: {  	s5 =	sld [smem:$0x0]  }
0xa6: {  	s6 =	sand.u32 $0xFFFFFFFE, s1  }
0xa7: {  	p0 =	sne.s32 s1, s6  }
0xa8: {  	s6 =	sshll.u32 @p0 s6, $0xE  }
0xa9: {  	s6 =	sadd.s32 @p0 $0x11B8D, s6;
	s7 =	sshll.u32 @p0 s5, $0x11  }
0xaa: {  	s6 =	sor.u32 @p0 s7, s6  }
0xab: {  	[sflag:s6] =	ssyncadd.remote.s32 @p0 $0x1;
	_ =	sdelay $0x1  }
0xac: {  	s6 =	simm.s32 @p0 $0x1B8D  }
0xad: {  	_ =	swait.eq @p0 [sflag:s6], $0x1  }
0xae: {  	[sflag:s6] =	ssyncadd.s32 @p0 $0xFFFFFFFF  }
0xaf: {  	s7 =	sshll.u32 @!p0 s1, $0xE  }
0xb0: {  	s7 =	sor.u32 @!p0 $0x4000, s7;
	s6 =	simm.s32 @!p0 $0x1B8D  }
0xb1: {  	s5 =	sshll.u32 @!p0 s5, $0x11;
	s7 =	sadd.s32 @!p0 $0x11B8D, s7;
	_ =	swait.eq @!p0 [sflag:s6], $0x1  }
0xb2: {  	s5 =	sor.u32 @!p0 s5, s7;
	[sflag:s6] =	ssyncadd.s32 @!p0 $0xFFFFFFFF  }
0xb3: {  	s25 =	simm.s32 $0x1B8E;
	s24 =	sld [smem:$0x3FFE];
	[sflag:s5] =	ssyncadd.remote.s32 @!p0 $0x1  }
0xb4: {  	s26 =	simm.s32 $execute0_lowered;
	[smem:$0x3FD2] =	sst s25  }
0xb5: {  	s6 =	sshll.u32 s26, $0x1;
	_ =	strace $0x80000049;
	[dreg:$0x1] =	wrdreg $0xFFFFFFFF  }
0xb6: {  	s28 =	simm.s32 $_size_execute0_lowered;
	s4 =	sadd.s32 s4, s6;
	[dreg:$0x0] =	wrdreg $0x0  }
0xb7: {  	s6 =	sshll.u32 s28, $0x1;
	[dreg:$0x2] =	wrdreg s4  }
0xb8: {  	[dreg:$0x3] =	wrdreg s6  }
0xb9: {  	[dreg:$0x4] =	wrdreg $0xC0  }
0xba: {  	_ =	task [dreg:s22], $0x5FFFF  }
0xbb: {  	[dreg:$0x1] =	wrdreg $0xFFFFFFFF  }
0xbc: {  	[dreg:$0x0] =	wrdreg $0x60  }
0xbd: {  	[dreg:$0x2] =	wrdreg s24  }
0xbe: {  	[dreg:$0x3] =	wrdreg s18  }
0xbf: {  	[dreg:$0x4] =	wrdreg $0x0  }
0xc0: {  	[dreg:$0x5] =	wrdreg $0x9  }
0xc1: {  	_ =	task.clear_ibuf [dreg:s22], $0x6FFFF;
	_ =	strace $0x90000049  }
0xc2: {  	s29 =	simm.s32 $0x9;
	_ =	strace $0x8000004B  }
0xc3: {  	_ =	swait.ge [sflag:s29], $0x1  }
0xc4: {  	[sflag:s29] =	ssyncadd.s32 $0xFFFFFFFF  }
0xc5: {  	_ =	strace $0x9000004B  }
0xc6: {  	_ =	sfence  }
0xc7: {  	s30 =	sld [smem:$0x0];
	_ =	sdelay $0x2  }
0xc8: {  	s31 =	sshll.u32 s1, $0xD;
	s1 =	sshrl.u32 s1, $0x2  }
0xc9: {  	s4 =	sand.u32 $0x4000, s31;
	s1 =	sadd.s32 s1, s30  }
0xca: {  	s0 =	sor.u32 s4, s0;
	s1 =	sshll.u32 s1, $0x11  }
0xcb: {  	s0 =	sor.u32 s1, s0  }
0xcc: {  	s0 =	sadd.s32 $0x8F2B, s0  }
0xcd: {  	[sflag:s0] =	ssyncadd.remote.s32 $0x1  }
0xce: {  	_ =	sfence.sel $0xFFFF  }
0xcf: {  	[dreg:$0x0] =	wrdreg $0xFFFFFFFF;
	(pc) =	sbr.abs _section_cstart, $3  }
0xd0: {  	[dreg:$0x1] =	wrdreg $0xFFFFFFFF  }
0xd1: {  	_ =	task.clear_ibuf [dreg:s22], $0x2FFFF;
	_ =	strace $0x9FFFFFFF  }
0xd2: {  	(tm) =	ssettm $0x7FFFFFFF  }
0xd3: {  	_ =	shalt  }
tec
execute0_lowered:
.L_overlay_start_1:
0x0: {  	(tag) =	ssettag $0x1  }
0x1: {  	s5 =	rddreg [dreg:$0x0]  }
0x2: {  	s1 =	rddreg [dreg:$0x1]  }
0x3: {  	s2 =	rddreg [dreg:$0x2]  }
0x4: {  	s0 =	rddreg [dreg:$0x3]  }
0x5: {  	s4 =	simm.s32 $0x0;
	s6 =	srdreg.scid;
	s3 =	stileid.u32  }
0x6: {  	s12 =	simm.s32 $0x10000;
	s13 =	simm.s32 $0x10400;
	s14 =	simm.s32 $0x80  }
0x7: {  	s15 =	simm.s32 $0x10800;
	s16 =	simm.s32 $0x10880;
	[smem:$0x7FF] =	sst s4  }
0x8: {  	s9 =	sand.u32 $0x1, s6;
	s29 =	sshll.u32 s3, $0x7;
	s8 =	sshll.u32 s3, $0xD  }
0x9: {  	s30 =	sshll.u32 s3, $0x10;
	s31 =	sshll.u32 s3, $0x6;
	_ =	strace $0x8000004A  }
.Ltmp0:
0xa: {  	s7 =	ssub.s32 $0x2, s9;
	s6 =	sadd.s32 s29, s5;
	(pc) =	sbr.rel .LBB2_1-.Ltmp0, $4  }
0xb: {  	s8 =	sadd.s32 s8, s5;
	s11 =	sadd.s32 s30, s2;
	p0 =	sne.s32 s9, $0x0  }
0xc: {  	s9 =	sor.u32 $0x1C01, s31;
	s10 =	sshrl.u32 s7, $0x1;
	s5 =	sadd.s32 $0x12A00, s6  }
0xd: {  	s6 =	sadd.s32 $0x12200, s6;
	s10 =	ssub.s32 s7, s10;
	s7 =	sadd.s32 $0x13200, s8  }
0xe: {  	v0 =	vimm.f32 $1.000000000e+00;
	s8 =	smax.u32 s10, $0x1;
	s10 =	sshrl.u32 s11, $0x3;
	s11 =	simm.s32 $0x1  }
.LBB2_7:
0xf: {  	[bflag:$0x0] =	sbarrier.arrive $0xFFFF  }
0x10: {  	[bflag:$0x0] =	sbarrier.arrive $0xFFFF  }
.LBB2_5:
0x11: {  	s4 =	sadd.s32 $0x1, s4  }
0x12: {  	p1 =	sne.s32 s4, s8  }
.Ltmp1:
0x13: {  	_ = 	snop;
	(pc) =	sbr.rel @!p1 .LBB2_6-.Ltmp1, $1  }
0x14: {  	_ =	sdelay $0x3  }
.LBB2_1:
0x15: {  	[tilespmem:$0x10880] =	vst v0  }
0x16: {  	[tilespmem:$0x10890] =	vst v0  }
0x17: {  	[tilespmem:$0x108A0] =	vst v0  }
.Ltmp2:
0x18: {  	[tilespmem:$0x108B0] =	vst v0;
	(pc) =	sbr.rel @p0 .LBB2_7-.Ltmp2, $4  }
0x19: {  	[tilespmem:$0x108C0] =	vst v0  }
0x1a: {  	[tilespmem:$0x108D0] =	vst v0  }
0x1b: {  	[tilespmem:$0x108E0] =	vst v0  }
0x1c: {  	[tilespmem:$0x108F0] =	vst v0  }
0x1d: {  	[spmem:s10], [sflag:s9] =	dma.local [hbm:s1], $0x2000  }
0x1e: {  	_ =	swait.ge [sflag:s11], $0x2000  }
0x1f: {  	[sflag:s11] =	ssyncset.done $0x0  }
0x20: {  	s17 =	simm.s32 $0x0;
	[sflag:s11] =	ssyncadd.s32 $0xFFFFE000  }
0x21: {  	[tilespmem:s12], [sflag:$0x1] =	stream.linear.gather [hbm4b:s5+s17], $0x400, $0x38;
	[tilespmem:$0x10900] =	vst v63  }
0x22: {  	_ =	swait.ge [sflag:s11], $0x400  }
0x23: {  	[sflag:s11] =	ssyncset.done $0x0  }
0x24: {  	[sflag:s11] =	ssyncadd.s32 $0xFFFFFC00  }
0x25: {  	[tilespmem:s13], [sflag:$0x1] =	stream.linear.gather [hbm4b:s6+s17], $0x400, $0x38;
	[tilespmem:$0x10900] =	vst v63  }
0x26: {  	_ =	swait.ge [sflag:s11], $0x400  }
0x27: {  	[sflag:s11] =	ssyncset.done $0x0  }
0x28: {  	[sflag:s11] =	ssyncadd.s32 $0xFFFFFC00  }
0x29: {  	s31 =	simm.s32 $0x0;
	[bflag:$0x0] =	sbarrier.arrive $0xFFFF  }
0x2a: {  	v1 =	vld [tilespmem:s31+$0x10400]  }
0x2b: {  	v2 =	vld [tilespmem:s31+$0x10000];
	_ =	sdelay $0x3  }
0x2c: {  	v1 =	vshll.u32 v1, $0xA  }
0x2d: {  	v1 =	vadd.s32 v2, v1  }
0x2e: {  	[tilespmem:$0x10800] =	vst v1  }
0x2f: {  	v1 =	vld [tilespmem:s31+$0x10410]  }
0x30: {  	v2 =	vld [tilespmem:s31+$0x10010];
	_ =	sdelay $0x3  }
0x31: {  	v1 =	vshll.u32 v1, $0xA  }
0x32: {  	v1 =	vadd.s32 v2, v1  }
0x33: {  	[tilespmem:$0x10810] =	vst v1  }
0x34: {  	v1 =	vld [tilespmem:s31+$0x10420]  }
0x35: {  	v2 =	vld [tilespmem:s31+$0x10020];
	_ =	sdelay $0x3  }
0x36: {  	v1 =	vshll.u32 v1, $0xA  }
0x37: {  	v1 =	vadd.s32 v2, v1  }
0x38: {  	[tilespmem:$0x10820] =	vst v1  }
0x39: {  	v1 =	vld [tilespmem:s31+$0x10430]  }
0x3a: {  	v2 =	vld [tilespmem:s31+$0x10030];
	_ =	sdelay $0x3  }
0x3b: {  	v1 =	vshll.u32 v1, $0xA  }
0x3c: {  	v1 =	vadd.s32 v2, v1  }
0x3d: {  	[tilespmem:$0x10830] =	vst v1  }
0x3e: {  	v1 =	vld [tilespmem:s31+$0x10440]  }
0x3f: {  	v2 =	vld [tilespmem:s31+$0x10040];
	_ =	sdelay $0x3  }
0x40: {  	v1 =	vshll.u32 v1, $0xA  }
0x41: {  	v1 =	vadd.s32 v2, v1  }
0x42: {  	[tilespmem:$0x10840] =	vst v1  }
0x43: {  	v1 =	vld [tilespmem:s31+$0x10450]  }
0x44: {  	v2 =	vld [tilespmem:s31+$0x10050];
	_ =	sdelay $0x3  }
0x45: {  	v1 =	vshll.u32 v1, $0xA  }
0x46: {  	v1 =	vadd.s32 v2, v1  }
0x47: {  	[tilespmem:$0x10850] =	vst v1  }
0x48: {  	v1 =	vld [tilespmem:s31+$0x10460]  }
0x49: {  	v2 =	vld [tilespmem:s31+$0x10060];
	_ =	sdelay $0x3  }
0x4a: {  	v1 =	vshll.u32 v1, $0xA  }
0x4b: {  	v1 =	vadd.s32 v2, v1  }
0x4c: {  	[tilespmem:$0x10860] =	vst v1  }
0x4d: {  	v1 =	vld [tilespmem:s31+$0x10470]  }
0x4e: {  	v2 =	vld [tilespmem:s31+$0x10070];
	_ =	sdelay $0x3  }
0x4f: {  	v1 =	vshll.u32 v1, $0xA  }
0x50: {  	v1 =	vadd.s32 v2, v1  }
0x51: {  	[tilespmem:$0x10870] =	vst v1  }
0x52: {  	[spmem:s2] =	stream.indirect.scatter.add.f32 [tilespmem:s16], [sflag:$0x1], $0x1, s15, s14, $0xb8;
	[tilespmem:$0x10900] =	vst v63  }
0x53: {  	_ =	swait.ge [sflag:s11], $0x80  }
0x54: {  	s20 =	simm.s32 $0x400;
	s17 =	simm.s32 $0x200;
	[sflag:s11] =	ssyncset.done $0x0  }
.LBB2_3:
0x55: {  	s19 =	sshra.s32 s17, $0x2  }
0x56: {  	[sflag:s11] =	ssyncadd.s32 $0xFFFFFF80;
	s17 =	smov.u32 s20;
	s18 =	sadd.s32 $0x200, s20  }
0x57: {  	p1 =	seq.s32 s20, $0xE00;
	v1 =	vld [tilespmem:s19+$0x10400]  }
0x58: {  	v2 =	vld [tilespmem:s19+$0x10000];
	_ =	sdelay $0x3  }
0x59: {  	v1 =	vshll.u32 v1, $0xA  }
0x5a: {  	v1 =	vadd.s32 v2, v1  }
0x5b: {  	[tilespmem:$0x10800] =	vst v1  }
0x5c: {  	v1 =	vld [tilespmem:s19+$0x10410]  }
0x5d: {  	v2 =	vld [tilespmem:s19+$0x10010];
	_ =	sdelay $0x3  }
0x5e: {  	v1 =	vshll.u32 v1, $0xA  }
0x5f: {  	v1 =	vadd.s32 v2, v1  }
0x60: {  	[tilespmem:$0x10810] =	vst v1  }
0x61: {  	v1 =	vld [tilespmem:s19+$0x10420]  }
0x62: {  	v2 =	vld [tilespmem:s19+$0x10020];
	_ =	sdelay $0x3  }
0x63: {  	v1 =	vshll.u32 v1, $0xA  }
0x64: {  	v1 =	vadd.s32 v2, v1  }
0x65: {  	[tilespmem:$0x10820] =	vst v1  }
0x66: {  	v1 =	vld [tilespmem:s19+$0x10430]  }
0x67: {  	v2 =	vld [tilespmem:s19+$0x10030];
	_ =	sdelay $0x3  }
0x68: {  	v1 =	vshll.u32 v1, $0xA  }
0x69: {  	v1 =	vadd.s32 v2, v1  }
0x6a: {  	[tilespmem:$0x10830] =	vst v1  }
0x6b: {  	v1 =	vld [tilespmem:s19+$0x10440]  }
0x6c: {  	v2 =	vld [tilespmem:s19+$0x10040];
	_ =	sdelay $0x3  }
0x6d: {  	v1 =	vshll.u32 v1, $0xA  }
0x6e: {  	v1 =	vadd.s32 v2, v1  }
0x6f: {  	[tilespmem:$0x10840] =	vst v1  }
0x70: {  	v1 =	vld [tilespmem:s19+$0x10450]  }
0x71: {  	v2 =	vld [tilespmem:s19+$0x10050];
	_ =	sdelay $0x3  }
0x72: {  	v1 =	vshll.u32 v1, $0xA  }
0x73: {  	v1 =	vadd.s32 v2, v1  }
0x74: {  	[tilespmem:$0x10850] =	vst v1  }
0x75: {  	v1 =	vld [tilespmem:s19+$0x10460]  }
0x76: {  	v2 =	vld [tilespmem:s19+$0x10060];
	_ =	sdelay $0x3  }
0x77: {  	v1 =	vshll.u32 v1, $0xA  }
0x78: {  	v1 =	vadd.s32 v2, v1  }
0x79: {  	[tilespmem:$0x10860] =	vst v1  }
0x7a: {  	v1 =	vld [tilespmem:s19+$0x10470]  }
0x7b: {  	v2 =	vld [tilespmem:s19+$0x10070];
	_ =	sdelay $0x3  }
0x7c: {  	v1 =	vshll.u32 v1, $0xA  }
.Ltmp3:
0x7d: {  	v1 =	vadd.s32 v2, v1;
	(pc) =	sbr.rel @!p1 .LBB2_3-.Ltmp3, $4  }
0x7e: {  	[tilespmem:$0x10870] =	vst v1  }
0x7f: {  	[spmem:s2] =	stream.indirect.scatter.add.f32 [tilespmem:s16], [sflag:$0x1], $0x1, s15, s14, $0xb8;
	[tilespmem:$0x10900] =	vst v63  }
0x80: {  	_ =	swait.ge [sflag:s11], $0x80  }
0x81: {  	s20 =	smov.u32 s18;
	[sflag:s11] =	ssyncset.done $0x0  }
0x82: {  	s17 =	sshra.s32 s17, $0x2;
	[sflag:s11] =	ssyncadd.s32 $0xFFFFFF80  }
0x83: {  	v1 =	vld [tilespmem:s17+$0x10400]  }
0x84: {  	v2 =	vld [tilespmem:s17+$0x10000];
	_ =	sdelay $0x3  }
0x85: {  	v1 =	vshll.u32 v1, $0xA  }
0x86: {  	v1 =	vadd.s32 v2, v1  }
0x87: {  	[tilespmem:$0x10800] =	vst v1  }
0x88: {  	v1 =	vld [tilespmem:s17+$0x10410]  }
0x89: {  	v2 =	vld [tilespmem:s17+$0x10010];
	_ =	sdelay $0x3  }
0x8a: {  	v1 =	vshll.u32 v1, $0xA  }
0x8b: {  	v1 =	vadd.s32 v2, v1  }
0x8c: {  	[tilespmem:$0x10810] =	vst v1  }
0x8d: {  	v1 =	vld [tilespmem:s17+$0x10420]  }
0x8e: {  	v2 =	vld [tilespmem:s17+$0x10020];
	_ =	sdelay $0x3  }
0x8f: {  	v1 =	vshll.u32 v1, $0xA  }
0x90: {  	v1 =	vadd.s32 v2, v1  }
0x91: {  	[tilespmem:$0x10820] =	vst v1  }
0x92: {  	v1 =	vld [tilespmem:s17+$0x10430]  }
0x93: {  	v2 =	vld [tilespmem:s17+$0x10030];
	_ =	sdelay $0x3  }
0x94: {  	v1 =	vshll.u32 v1, $0xA  }
0x95: {  	v1 =	vadd.s32 v2, v1  }
0x96: {  	[tilespmem:$0x10830] =	vst v1  }
0x97: {  	v1 =	vld [tilespmem:s17+$0x10440]  }
0x98: {  	v2 =	vld [tilespmem:s17+$0x10040];
	_ =	sdelay $0x3  }
0x99: {  	v1 =	vshll.u32 v1, $0xA  }
0x9a: {  	v1 =	vadd.s32 v2, v1  }
0x9b: {  	[tilespmem:$0x10840] =	vst v1  }
0x9c: {  	v1 =	vld [tilespmem:s17+$0x10450]  }
0x9d: {  	v2 =	vld [tilespmem:s17+$0x10050];
	_ =	sdelay $0x3  }
0x9e: {  	v1 =	vshll.u32 v1, $0xA  }
0x9f: {  	v1 =	vadd.s32 v2, v1  }
0xa0: {  	[tilespmem:$0x10850] =	vst v1  }
0xa1: {  	v1 =	vld [tilespmem:s17+$0x10460]  }
0xa2: {  	v2 =	vld [tilespmem:s17+$0x10060];
	_ =	sdelay $0x3  }
0xa3: {  	v1 =	vshll.u32 v1, $0xA  }
0xa4: {  	v1 =	vadd.s32 v2, v1  }
0xa5: {  	[tilespmem:$0x10860] =	vst v1  }
0xa6: {  	v1 =	vld [tilespmem:s17+$0x10470]  }
0xa7: {  	v2 =	vld [tilespmem:s17+$0x10070];
	_ =	sdelay $0x3  }
0xa8: {  	v1 =	vshll.u32 v1, $0xA  }
0xa9: {  	v1 =	vadd.s32 v2, v1  }
0xaa: {  	[tilespmem:$0x10870] =	vst v1  }
0xab: {  	[spmem:s2] =	stream.indirect.scatter.add.f32 [tilespmem:s16], [sflag:$0x1], $0x1, s15, s14, $0xb8;
	[tilespmem:$0x10900] =	vst v63  }
0xac: {  	_ =	swait.ge [sflag:s11], $0x80  }
0xad: {  	[sflag:s11] =	ssyncset.done $0x0  }
0xae: {  	[sflag:s11] =	ssyncadd.s32 $0xFFFFFF80  }
.Ltmp4:
0xaf: {  	[bflag:$0x0] =	sbarrier.arrive $0xFFFF;
	(pc) =	sbr.rel .LBB2_5-.Ltmp4, $4  }
0xb0: {  	[hbm:s7], [sflag:s9] =	dma.local [spmem:s10], $0x2000  }
0xb1: {  	_ =	swait.ge [sflag:s11], $0x2000  }
0xb2: {  	[sflag:s11] =	ssyncset.done $0x0  }
0xb3: {  	[sflag:s11] =	ssyncadd.s32 $0xFFFFE000  }
.LBB2_6:
0xb4: {  	_ =	sfence.sel $0x180000  }
0xb5: {  	[bflag:$0x0] =	sbarrier.arrive $0xFFFF  }
0xb6: {  	p0 =	sne.s32 s3, $0x0;
	_ =	strace $0x9000004A  }
0xb7: {  	s0 =	sadd.s32 @!p0 $0x100000, s0;
	[bflag:$0x2] =	sbarrier.arrive $0xFFFF  }
0xb8: {  	[sflag:s0] =	ssyncadd.tile.s32 @!p0 $0x1;
	_ =	shalt  }
.Lfunc_end2:
_tile_overlayer_lowered:
.L_overlay_start_2:
0xb9: {  	(tag) =	ssettag $0x2  }
0xba: {  	s0 =	rddreg [dreg:$0x0];
	s2 =	stileid.u32  }
0xbb: {  	s1 =	rddreg [dreg:$0x1];
	p0 =	sne.s32 s2, $0x0  }
0xbc: {  	s3 =	rddreg [dreg:$0x2];
	[bflag:$0x3] =	sbarrier.arrive $0xFFFF;
	s2 =	simm.s32 @!p0 $0x1C01  }
0xbd: {  	[timem:s3], [sflag:s2] =	dma.local @!p0 [hbm:s0], s1  }
0xbe: {  	s0 =	simm.s32 @!p0 $0x1  }
0xbf: {  	_ =	swait.ge @!p0 [sflag:s0], s1  }
0xc0: {  	s1 =	ssub.s32 @!p0 $0x0, s1;
	[sflag:s0] =	ssyncset.done @!p0 $0x0  }
0xc1: {  	[sflag:s0] =	ssyncadd.s32 @!p0 s1  }
0xc2: {  	[bflag:$0x3] =	sbarrier.arrive $0xFFFF  }
0xc3: {  	_ =	shalt  }

// kernel: kernel.19.cloned.1.call-start
scs
__scs_entry_jumppad:
0x0: {  	(pc) =	sbr.rel $0x88, $3  }
0x1: {  	(tag) =	ssettag $0x0;
	lr =	simm.s32 $0x1  }
0x2: {  	[smem:$0x3F86] =	sst lr;
	_ =	strace $0xD0000000  }
0x3: {  	_ = 	snop  }
0x4: {  	_ = 	snop  }
0x5: {  	_ = 	snop  }
0x6: {  	_ = 	snop  }
0x7: {  	_ = 	snop  }
__scs_overlays_trampoline_lowered:
0x8: {  	[smem:$0x3F95] =	sst s0  }
0x9: {  	[smem:$0x3F96] =	sst s1  }
0xa: {  	[smem:$0x3F97] =	sst s2  }
0xb: {  	[smem:$0x3F98] =	sst s3  }
0xc: {  	[smem:$0x3F99] =	sst s4  }
0xd: {  	[smem:$0x3F9A] =	sst s5  }
0xe: {  	[smem:$0x3F9B] =	sst s6  }
0xf: {  	[smem:$0x3F9C] =	sst s7  }
0x10: {  	[smem:$0x3F9D] =	sst s8  }
0x11: {  	[smem:$0x3F9E] =	sst s9;
	s0 =	simm.s32 @!p0 $0x0  }
0x12: {  	s1 =	sld [smem:$0x3F84];
	s0 =	simm.s32 @p0 $0x1  }
0x13: {  	[smem:$0x3F9F] =	sst s0;
	s0 =	simm.s32 @!p1 $0x0  }
0x14: {  	s2 =	sld [smem:$0x3F83];
	s0 =	simm.s32 @p1 $0x1  }
0x15: {  	[smem:$0x3FA0] =	sst s0;
	s0 =	simm.s32 @!p2 $0x0  }
0x16: {  	s3 =	sld [smem:$0x3FDB];
	s0 =	simm.s32 @p2 $0x1  }
0x17: {  	s4 =	simm.s32 $0x1BF5;
	[smem:$0x3FA2] =	sst s0  }
0x18: {  	s0 =	sld [smem:$0x3F85];
	_ =	swait.ge [sflag:s4], $0x0  }
0x19: {  	s7 =	sld [smem:$0x3F86]  }
0x1a: {  	s8 =	sadd.s32 $0xFFFFE003, lr  }
0x1b: {  	s9 =	sadd.s32 $0xFFFFFEF7, lr;
	s5 =	simm.s32 $0xFFFFFFFF;
	p2 =	slt.u32 s8, $0xFFFFF086  }
0x1c: {  	p1 =	slt.u32 s9, $0xF7A;
	s5 =	simm.s32 @!p2 $0x0  }
0x1d: {  	s5 =	simm.s32 @p1 $0x1;
	p0 =	seq.s32 s7, s2  }
0x1e: {  	s7 =	smul.u32 @!p0 $0xF7A, s2;
	p2 =	seq.s32 @!p0 s5, $0x0  }
0x1f: {  	s9 =	smul.u32 $0xF7A, s1;
	s8 =	simm.s32 @!p0 $0x1BF5;
	p2 =	por !p2, p0  }
0x20: {  	[sflag:s8] =	ssyncset.s32 @!p0 $0xFFFFF086;
	s6 =	sadd.s32 @!p0 s3, s7;
	s7 =	simm.s32 @!p0 $0x108  }
0x21: {  	s3 =	sadd.s32 s3, s9;
	s6 =	sadd.s32 @!p0 $0x88, s6;
	s7 =	simm.s32 @p2 $0x1082  }
0x22: {  	[simem:s7], [sflag:s8] =	dma.local @!p0 [hbm:s6], $0xF7A  }
0x23: {  	s9 =	sor.u32 $0xD0000000, s2;
	s6 =	simm.s32 $0x108;
	_ =	swait.ge @!p0 [sflag:s8], $0x0  }
0x24: {  	s3 =	sadd.s32 $0x88, s3;
	s6 =	simm.s32 @!p1 $0x1082;
	[sflag:s4] =	ssyncset.s32 $0xFFFFF086  }
0x25: {  	[simem:s6], [sflag:s4] =	dma.local [hbm:s3], $0xF7A  }
0x26: {  	[smem:$0x3F86] =	sst s1;
	(tag) =	ssettag s2;
	_ =	strace s9  }
0x27: {  	s1 =	sld [smem:$0x3F96]  }
0x28: {  	s2 =	sld [smem:$0x3F97]  }
0x29: {  	s4 =	sld [smem:$0x3F99]  }
0x2a: {  	p0 =	seq.s32 s5, $0x0;
	s5 =	sld [smem:$0x3F9A]  }
0x2b: {  	s6 =	sld [smem:$0x3F9B]  }
0x2c: {  	s7 =	sld [smem:$0x3F9C]  }
0x2d: {  	s3 =	simm.s32 $0x108;
	s8 =	sld [smem:$0x3F9D]  }
0x2e: {  	s3 =	simm.s32 @!p0 $0x1082;
	s9 =	sld [smem:$0x3F9E]  }
0x2f: {  	lr =	sadd.s32 s0, s3;
	s0 =	sld [smem:$0x3F95]  }
0x30: {  	s3 =	sld [smem:$0x3F98]  }
0x31: {  	[smem:$0x3FA1] =	sst s10  }
0x32: {  	s10 =	sld [smem:$0x3F9F];
	_ =	sdelay $0x3  }
0x33: {  	p0 =	seq.s32 s10, $0x1;
	s10 =	sld [smem:$0x3FA1];
	_ =	sdelay $0x3  }
0x34: {  	[smem:$0x3FA1] =	sst s10  }
0x35: {  	s10 =	sld [smem:$0x3FA0];
	_ =	sdelay $0x3  }
0x36: {  	p1 =	seq.s32 s10, $0x1;
	s10 =	sld [smem:$0x3FA1];
	_ =	sdelay $0x3  }
0x37: {  	[smem:$0x3FA1] =	sst s10  }
0x38: {  	s10 =	sld [smem:$0x3FA2]  }
0x39: {  	_ = 	snop;
	(pc) =	sbr.ind lr, $3  }
0x3a: {  	_ = 	snop  }
0x3b: {  	_ = 	snop  }
0x3c: {  	p2 =	seq.s32 s10, $0x1;
	s10 =	sld [smem:$0x3FA1]  }
0x3d: {  	_ =	shalt  }
0x3e: {  	_ =	shalt  }
0x3f: {  	_ =	shalt  }
0x40: {  	_ =	shalt  }
0x41: {  	_ =	shalt  }
0x42: {  	_ =	shalt  }
0x43: {  	_ =	shalt  }
0x44: {  	_ =	shalt  }
0x45: {  	_ =	shalt  }
0x46: {  	_ =	shalt  }
0x47: {  	_ =	shalt  }
0x48: {  	_ =	shalt  }
0x49: {  	_ =	shalt  }
0x4a: {  	_ =	shalt  }
0x4b: {  	_ =	shalt  }
0x4c: {  	_ =	shalt  }
0x4d: {  	_ =	shalt  }
0x4e: {  	_ =	shalt  }
0x4f: {  	_ =	shalt  }
0x50: {  	_ =	shalt  }
0x51: {  	_ =	shalt  }
0x52: {  	_ =	shalt  }
0x53: {  	_ =	shalt  }
0x54: {  	_ =	shalt  }
0x55: {  	_ =	shalt  }
0x56: {  	_ =	shalt  }
0x57: {  	_ =	shalt  }
0x58: {  	_ =	shalt  }
0x59: {  	_ =	shalt  }
0x5a: {  	_ =	shalt  }
0x5b: {  	_ =	shalt  }
0x5c: {  	_ =	shalt  }
0x5d: {  	_ =	shalt  }
0x5e: {  	_ =	shalt  }
0x5f: {  	_ =	shalt  }
0x60: {  	_ =	shalt  }
0x61: {  	_ =	shalt  }
0x62: {  	_ =	shalt  }
0x63: {  	_ =	shalt  }
0x64: {  	_ =	shalt  }
0x65: {  	_ =	shalt  }
0x66: {  	_ =	shalt  }
0x67: {  	_ =	shalt  }
0x68: {  	_ =	shalt  }
0x69: {  	_ =	shalt  }
0x6a: {  	_ =	shalt  }
0x6b: {  	_ =	shalt  }
0x6c: {  	_ =	shalt  }
0x6d: {  	_ =	shalt  }
0x6e: {  	_ =	shalt  }
0x6f: {  	_ =	shalt  }
0x70: {  	_ =	shalt  }
0x71: {  	_ =	shalt  }
0x72: {  	_ =	shalt  }
0x73: {  	_ =	shalt  }
0x74: {  	_ =	shalt  }
0x75: {  	_ =	shalt  }
0x76: {  	_ =	shalt  }
0x77: {  	_ =	shalt  }
0x78: {  	_ =	shalt  }
0x79: {  	_ =	shalt  }
0x7a: {  	_ =	shalt  }
0x7b: {  	_ =	shalt  }
0x7c: {  	_ =	shalt  }
0x7d: {  	_ =	shalt  }
0x7e: {  	_ =	shalt  }
0x7f: {  	_ =	shalt  }
0x80: {  	_ =	shalt  }
0x81: {  	_ =	shalt  }
0x82: {  	_ =	shalt  }
0x83: {  	_ =	shalt  }
0x84: {  	_ =	shalt  }
0x85: {  	_ =	shalt  }
0x86: {  	_ =	shalt  }
0x87: {  	_ =	shalt  }
.Lfunc_end0:
.L_simem_size_0:
called_computation.2_lowered:
.L_overlay_start_0:
0x88: {  	s2 =	sld [smem:$0x3FD9]  }
0x89: {  	s3 =	sld [smem:$0x3FFE];
	_ =	sdelay $0x1  }
0x8a: {  	s1 =	srdreg.scid  }
0x8b: {  	s0 =	sand.u32 $0x1, s1  }
0x8c: {  	s17 =	sshll.u32 s0, $0xA;
	s2 =	sadd.s32 s3, s2  }
0x8d: {  	s2 =	sadd.s32 s2, s17  }
0x8e: {  	[smem:$0x3FAD] =	sst s2  }
0x8f: {  	_ = 	snop  }
0x90: {  	(tm) =	ssettm $0x1  }
0x91: {  	s18 =	sld [smem:$0x3FFB];
	_ =	sdelay $0x3  }
0x92: {  	_ =	strace s18  }
0x93: {  	s2 =	sld [smem:$0x3FFC];
	_ =	sdelay $0x3  }
0x94: {  	_ =	strace s2  }
0x95: {  	s2 =	sld [smem:$0x3FFD];
	_ =	sdelay $0x3  }
0x96: {  	_ =	strace s2  }
0x97: {  	_ =	strace $0x8FFFFFFF  }
0x98: {  	s19 =	sld [smem:$0x3FDB];
	_ =	sdelay $0x1  }
0x99: {  	s20 =	simm.s32 $_scs_section_size  }
0x9a: {  	s4 =	simm.s32 $_size__tile_overlayer_lowered;
	s5 =	simm.s32 $_tile_overlayer_lowered  }
0x9b: {  	s6 =	simm.s32 $0x1BFF;
	s21 =	sshll.u32 s5, $0x1;
	s3 =	sadd.s32 s20, s19  }
0x9c: {  	s22 =	simm.s32 $0x0;
	s4 =	sshll.u32 s4, $0x1;
	s5 =	sadd.s32 s21, s3  }
0x9d: {  	[timem:s22], [sflag:s6] =	dma.local [hbm:s5], s4  }
0x9e: {  	_ =	swait.ge [sflag:s6], s4  }
0x9f: {  	s4 =	ssub.s32 $0x0, s4;
	[sflag:s6] =	ssyncset.done $0x0  }
0xa0: {  	[sflag:s6] =	ssyncadd.s32 s4;
	_ =	sdelay $0x1  }
0xa1: {  	s23 =	simm.s32 $0x1B8B  }
0xa2: {  	_ =	swait.ge [sflag:s23], $0x1  }
0xa3: {  	[sflag:s23] =	ssyncset.done $0x0  }
0xa4: {  	[sflag:s23] =	ssyncadd.s32 $0xFFFFFFFF  }
0xa5: {  	s4 =	sld [smem:$0x0]  }
0xa6: {  	s5 =	sand.u32 $0xFFFFFFFE, s1  }
0xa7: {  	p0 =	sne.s32 s1, s5  }
0xa8: {  	s5 =	sshll.u32 @p0 s5, $0xE  }
0xa9: {  	s5 =	sadd.s32 @p0 $0x11B8D, s5;
	s6 =	sshll.u32 @p0 s4, $0x11  }
0xaa: {  	s5 =	sor.u32 @p0 s6, s5  }
0xab: {  	[sflag:s5] =	ssyncadd.remote.s32 @p0 $0x1;
	_ =	sdelay $0x1  }
0xac: {  	s5 =	simm.s32 @p0 $0x1B8D  }
0xad: {  	_ =	swait.eq @p0 [sflag:s5], $0x1  }
0xae: {  	[sflag:s5] =	ssyncadd.s32 @p0 $0xFFFFFFFF  }
0xaf: {  	s6 =	sshll.u32 @!p0 s1, $0xE  }
0xb0: {  	s6 =	sor.u32 @!p0 $0x4000, s6;
	s5 =	simm.s32 @!p0 $0x1B8D  }
0xb1: {  	s4 =	sshll.u32 @!p0 s4, $0x11;
	s6 =	sadd.s32 @!p0 $0x11B8D, s6;
	_ =	swait.eq @!p0 [sflag:s5], $0x1  }
0xb2: {  	s4 =	sor.u32 @!p0 s4, s6;
	[sflag:s5] =	ssyncadd.s32 @!p0 $0xFFFFFFFF  }
0xb3: {  	s25 =	simm.s32 $0x1B8E;
	s24 =	sld [smem:$0x3FFE];
	[sflag:s4] =	ssyncadd.remote.s32 @!p0 $0x1  }
0xb4: {  	s26 =	simm.s32 $execute0_lowered;
	[smem:$0x3FD2] =	sst s25  }
0xb5: {  	s5 =	sshll.u32 s26, $0x1;
	_ =	strace $0x8000004C;
	[dreg:$0x1] =	wrdreg $0xFFFFFFFF  }
0xb6: {  	s28 =	simm.s32 $_size_execute0_lowered;
	s3 =	sadd.s32 s3, s5;
	[dreg:$0x0] =	wrdreg $0x0  }
0xb7: {  	s5 =	sshll.u32 s28, $0x1;
	[dreg:$0x2] =	wrdreg s3  }
0xb8: {  	[dreg:$0x3] =	wrdreg s5  }
0xb9: {  	[dreg:$0x4] =	wrdreg $0xC0  }
0xba: {  	_ =	task [dreg:s22], $0x5FFFF  }
0xbb: {  	[dreg:$0x1] =	wrdreg $0xFFFFFFFF  }
0xbc: {  	[dreg:$0x0] =	wrdreg $0x60  }
0xbd: {  	[dreg:$0x2] =	wrdreg s24  }
0xbe: {  	[dreg:$0x3] =	wrdreg $0x0  }
0xbf: {  	[dreg:$0x4] =	wrdreg $0xA  }
0xc0: {  	_ =	task.clear_ibuf [dreg:s22], $0x5FFFF;
	_ =	strace $0x9000004C  }
0xc1: {  	s29 =	simm.s32 $0xA;
	_ =	strace $0x8000004E  }
0xc2: {  	_ =	swait.ge [sflag:s29], $0x1  }
0xc3: {  	[sflag:s29] =	ssyncadd.s32 $0xFFFFFFFF  }
0xc4: {  	_ =	strace $0x9000004E  }
0xc5: {  	_ =	sfence  }
0xc6: {  	s30 =	sld [smem:$0x0];
	_ =	sdelay $0x2  }
0xc7: {  	s31 =	sshll.u32 s1, $0xD;
	s1 =	sshrl.u32 s1, $0x2  }
0xc8: {  	s4 =	sand.u32 $0x4000, s31;
	s1 =	sadd.s32 s1, s30  }
0xc9: {  	s0 =	sor.u32 s4, s0;
	s1 =	sshll.u32 s1, $0x11  }
0xca: {  	s0 =	sor.u32 s1, s0  }
0xcb: {  	s0 =	sadd.s32 $0x8F2B, s0  }
0xcc: {  	[sflag:s0] =	ssyncadd.remote.s32 $0x1  }
0xcd: {  	_ =	sfence.sel $0xFFFF  }
0xce: {  	[dreg:$0x0] =	wrdreg $0xFFFFFFFF;
	(pc) =	sbr.abs _section_cstart, $3  }
0xcf: {  	[dreg:$0x1] =	wrdreg $0xFFFFFFFF  }
0xd0: {  	_ =	task.clear_ibuf [dreg:s22], $0x2FFFF;
	_ =	strace $0x9FFFFFFF  }
0xd1: {  	(tm) =	ssettm $0x7FFFFFFF  }
tec
execute0_lowered:
.L_overlay_start_1:
0x0: {  	(tag) =	ssettag $0x1  }
0x1: {  	s6 =	rddreg [dreg:$0x0]  }
0x2: {  	s2 =	rddreg [dreg:$0x1]  }
0x3: {  	s0 =	srdreg.scid;
	s1 =	rddreg [dreg:$0x2];
	s3 =	simm.s32 $0x0  }
0x4: {  	s14 =	simm.s32 $0x16800;
	s15 =	simm.s32 $0x80;
	s7 =	sand.u32 $0x1, s0  }
0x5: {  	s16 =	simm.s32 $0x19000;
	s0 =	stileid.u32;
	s8 =	smul.u32 $0x28000, s7  }
0x6: {  	s17 =	simm.s32 $0x1;
	s18 =	simm.s32 $0x0;
	s9 =	smul.u32 $0x2800, s0  }
0x7: {  	[smem:$0x7FF] =	sst s3;
	s4 =	sadd.s32 $0x3D200, s6;
	s10 =	smul.u32 $0x140000, s7  }
0x8: {  	s5 =	sadd.s32 $0x8D200, s6;
	s11 =	smul.u32 $0x14000, s0;
	_ =	strace $0x8000004D  }
0x9: {  	s29 =	smul.u32 $0x50000, s0;
	s30 =	ssub.s32 $0x2, s7;
	s31 =	sshll.u32 s0, $0x6  }
0xa: {  	s7 =	sshrl.u32 s30, $0x1;
	s8 =	sadd.s32 s9, s8;
	s28 =	sadd.s32 s11, s10  }
0xb: {  	s10 =	sshrl.u32 s29, $0x2;
	s12 =	ssub.s32 s30, s7;
	s8 =	sshrl.u32 s8, $0x3  }
0xc: {  	s9 =	sshrl.u32 s28, $0x3;
	s13 =	sadd.s32 s10, s2;
	s10 =	smax.u32 s12, $0x1  }
0xd: {  	s12 =	simm.s32 $0x2;
	s8 =	sadd.s32 s8, s6;
	s9 =	sadd.s32 s9, s6  }
0xe: {  	s6 =	sor.u32 $0x1C02, s31;
	s11 =	sshrl.u32 s13, $0x3;
	s13 =	simm.s32 $0x14000  }
0xf: {  	s7 =	sadd.s32 $0x33200, s8;
	s8 =	sadd.s32 $0x7600, s8;
	s9 =	sadd.s32 $0x8FA00, s9  }
.LBB2_1:
0x10: {  	[spmem:s11], [sflag:s6] =	dma.local [hbm:s5], $0x2800  }
0x11: {  	_ =	swait.ge [sflag:s12], $0x2800  }
0x12: {  	[sflag:s12] =	ssyncset.done $0x0  }
0x13: {  	[sflag:s12] =	ssyncadd.s32 $0xFFFFD800  }
0x14: {  	[tilespmem:s13], [sflag:$0x2] =	stream.linear.gather [hbm4b:s7+s3], $0x2780, $0x38;
	[tilespmem:$0x1D000] =	vst v63  }
0x15: {  	_ =	swait.ge [sflag:s12], $0x2780  }
0x16: {  	[sflag:s12] =	ssyncset.done $0x0  }
0x17: {  	[sflag:s12] =	ssyncadd.s32 $0xFFFFD880  }
0x18: {  	[tilespmem:s14], [sflag:$0x2] =	stream.linear.gather [hbm4b:s8+s3], $0x2780, $0x38;
	[tilespmem:$0x1D000] =	vst v63  }
0x19: {  	_ =	swait.ge [sflag:s12], $0x2780  }
0x1a: {  	[sflag:s12] =	ssyncset.done $0x0  }
0x1b: {  	[sflag:s12] =	ssyncadd.s32 $0xFFFFD880  }
0x1c: {  	s19 =	simm.s32 $0x14000;
	[bflag:$0x0] =	sbarrier.arrive $0xFFFF  }
0x1d: {  	[tilespmem:s16], [sflag:$0x1] =	stream.indirect.gather [hbm4b:s4+s15], $0x80, s19, s15, $0xb8;
	[tilespmem:$0x1D000] =	vst v63  }
0x1e: {  	_ =	swait.ge [sflag:s17], $0x4000  }
0x1f: {  	[sflag:s17] =	ssyncset.done $0x0  }
0x20: {  	s31 =	simm.s32 $0x16800;
	[sflag:s17] =	ssyncadd.s32 $0xFFFFC000  }
0x21: {  	[spmem:s2] =	stream.indirect.scatter.add.f32 [tilespmem:s16], [sflag:$0x2], $0x80, s31, s15, $0xb8;
	[tilespmem:$0x1D000] =	vst v63  }
0x22: {  	_ =	swait.ge [sflag:s12], $0x4000  }
0x23: {  	s20 =	simm.s32 $0x400;
	s19 =	simm.s32 $0x80;
	[sflag:s12] =	ssyncset.done $0x0  }
.LBB2_2:
0x24: {  	s21 =	sadd.s32 $0x14000, s19  }
0x25: {  	[sflag:s12] =	ssyncadd.s32 $0xFFFFC000;
	s22 =	smov.u32 s20;
	s23 =	sadd.s32 $0x200, s20  }
0x26: {  	[tilespmem:s16], [sflag:$0x1] =	stream.indirect.gather [hbm4b:s4+s15], $0x80, s21, s15, $0xb8;
	[tilespmem:$0x1D000] =	vst v63  }
0x27: {  	p0 =	sne.s32 s20, $0x9C00;
	_ =	swait.ge [sflag:s17], $0x4000  }
.Ltmp0:
0x28: {  	[sflag:s17] =	ssyncset.done $0x0;
	(pc) =	sbr.rel @p0 .LBB2_2-.Ltmp0, $4  }
0x29: {  	s19 =	sadd.s32 $0x16800, s19;
	[sflag:s17] =	ssyncadd.s32 $0xFFFFC000  }
0x2a: {  	[spmem:s2] =	stream.indirect.scatter.add.f32 [tilespmem:s16], [sflag:$0x2], $0x80, s19, s15, $0xb8;
	[tilespmem:$0x1D000] =	vst v63  }
0x2b: {  	_ =	swait.ge [sflag:s12], $0x4000  }
0x2c: {  	s20 =	smov.u32 s23;
	s19 =	sshra.s32 s22, $0x2;
	[sflag:s12] =	ssyncset.done $0x0  }
0x2d: {  	s20 =	sadd.s32 $0x14000, s19;
	[sflag:s12] =	ssyncadd.s32 $0xFFFFC000  }
0x2e: {  	[tilespmem:s16], [sflag:$0x1] =	stream.indirect.gather [hbm4b:s4+s15], $0x80, s20, s15, $0xb8;
	[tilespmem:$0x1D000] =	vst v63  }
0x2f: {  	_ =	swait.ge [sflag:s17], $0x4000  }
0x30: {  	[sflag:s17] =	ssyncset.done $0x0  }
0x31: {  	s31 =	sadd.s32 $0x16800, s19;
	[sflag:s17] =	ssyncadd.s32 $0xFFFFC000  }
0x32: {  	[spmem:s2] =	stream.indirect.scatter.add.f32 [tilespmem:s16], [sflag:$0x2], $0x80, s31, s15, $0xb8;
	[tilespmem:$0x1D000] =	vst v63  }
0x33: {  	_ =	swait.ge [sflag:s12], $0x4000  }
0x34: {  	s18 =	sadd.s32 $0x1, s18;
	[sflag:s12] =	ssyncset.done $0x0  }
0x35: {  	p0 =	sne.s32 s18, s10;
	[sflag:s12] =	ssyncadd.s32 $0xFFFFC000  }
.Ltmp1:
0x36: {  	[bflag:$0x0] =	sbarrier.arrive $0xFFFF;
	(pc) =	sbr.rel @p0 .LBB2_1-.Ltmp1, $4  }
0x37: {  	[hbm:s9], [sflag:s6] =	dma.local [spmem:s11], $0x2800  }
0x38: {  	_ =	swait.ge [sflag:s12], $0x2800  }
0x39: {  	[sflag:s12] =	ssyncset.done $0x0  }
0x3a: {  	[sflag:s12] =	ssyncadd.s32 $0xFFFFD800  }
0x3b: {  	_ =	sfence.sel $0x180000  }
0x3c: {  	[bflag:$0x0] =	sbarrier.arrive $0xFFFF  }
0x3d: {  	p0 =	sne.s32 s0, $0x0;
	_ =	strace $0x9000004D  }
0x3e: {  	s0 =	sadd.s32 @!p0 $0x100000, s1;
	[bflag:$0x2] =	sbarrier.arrive $0xFFFF  }
0x3f: {  	[sflag:s0] =	ssyncadd.tile.s32 @!p0 $0x1;
	_ =	shalt  }
.Lfunc_end2:
_tile_overlayer_lowered:
.L_overlay_start_2:
0x40: {  	(tag) =	ssettag $0x2  }
0x41: {  	s0 =	rddreg [dreg:$0x0];
	s2 =	stileid.u32  }
0x42: {  	s1 =	rddreg [dreg:$0x1];
	p0 =	sne.s32 s2, $0x0  }
0x43: {  	s3 =	rddreg [dreg:$0x2];
	[bflag:$0x3] =	sbarrier.arrive $0xFFFF;
	s2 =	simm.s32 @!p0 $0x1C02  }
0x44: {  	[timem:s3], [sflag:s2] =	dma.local @!p0 [hbm:s0], s1  }
0x45: {  	s0 =	simm.s32 @!p0 $0x2  }
0x46: {  	_ =	swait.ge @!p0 [sflag:s0], s1  }
0x47: {  	s1 =	ssub.s32 @!p0 $0x0, s1;
	[sflag:s0] =	ssyncset.done @!p0 $0x0  }
0x48: {  	[sflag:s0] =	ssyncadd.s32 @!p0 s1  }
0x49: {  	[bflag:$0x3] =	sbarrier.arrive $0xFFFF  }
0x4a: {  	_ =	shalt  }

// kernel: kernel.22.cloned.1.call-start
scs
__scs_entry_jumppad:
0x0: {  	(pc) =	sbr.rel $0x88, $3  }
0x1: {  	(tag) =	ssettag $0x0;
	lr =	simm.s32 $0x1  }
0x2: {  	[smem:$0x3F86] =	sst lr;
	_ =	strace $0xD0000000  }
0x3: {  	_ = 	snop  }
0x4: {  	_ = 	snop  }
0x5: {  	_ = 	snop  }
0x6: {  	_ = 	snop  }
0x7: {  	_ = 	snop  }
__scs_overlays_trampoline_lowered:
0x8: {  	[smem:$0x3F95] =	sst s0  }
0x9: {  	[smem:$0x3F96] =	sst s1  }
0xa: {  	[smem:$0x3F97] =	sst s2  }
0xb: {  	[smem:$0x3F98] =	sst s3  }
0xc: {  	[smem:$0x3F99] =	sst s4  }
0xd: {  	[smem:$0x3F9A] =	sst s5  }
0xe: {  	[smem:$0x3F9B] =	sst s6  }
0xf: {  	[smem:$0x3F9C] =	sst s7  }
0x10: {  	[smem:$0x3F9D] =	sst s8  }
0x11: {  	[smem:$0x3F9E] =	sst s9;
	s0 =	simm.s32 @!p0 $0x0  }
0x12: {  	s1 =	sld [smem:$0x3F84];
	s0 =	simm.s32 @p0 $0x1  }
0x13: {  	[smem:$0x3F9F] =	sst s0;
	s0 =	simm.s32 @!p1 $0x0  }
0x14: {  	s2 =	sld [smem:$0x3F83];
	s0 =	simm.s32 @p1 $0x1  }
0x15: {  	[smem:$0x3FA0] =	sst s0;
	s0 =	simm.s32 @!p2 $0x0  }
0x16: {  	s3 =	sld [smem:$0x3FDB];
	s0 =	simm.s32 @p2 $0x1  }
0x17: {  	s4 =	simm.s32 $0x1BF5;
	[smem:$0x3FA2] =	sst s0  }
0x18: {  	s0 =	sld [smem:$0x3F85];
	_ =	swait.ge [sflag:s4], $0x0  }
0x19: {  	s7 =	sld [smem:$0x3F86]  }
0x1a: {  	s8 =	sadd.s32 $0xFFFFE003, lr  }
0x1b: {  	s9 =	sadd.s32 $0xFFFFFEF7, lr;
	s5 =	simm.s32 $0xFFFFFFFF;
	p2 =	slt.u32 s8, $0xFFFFF086  }
0x1c: {  	p1 =	slt.u32 s9, $0xF7A;
	s5 =	simm.s32 @!p2 $0x0  }
0x1d: {  	s5 =	simm.s32 @p1 $0x1;
	p0 =	seq.s32 s7, s2  }
0x1e: {  	s7 =	smul.u32 @!p0 $0xF7A, s2;
	p2 =	seq.s32 @!p0 s5, $0x0  }
0x1f: {  	s9 =	smul.u32 $0xF7A, s1;
	s8 =	simm.s32 @!p0 $0x1BF5;
	p2 =	por !p2, p0  }
0x20: {  	[sflag:s8] =	ssyncset.s32 @!p0 $0xFFFFF086;
	s6 =	sadd.s32 @!p0 s3, s7;
	s7 =	simm.s32 @!p0 $0x108  }
0x21: {  	s3 =	sadd.s32 s3, s9;
	s6 =	sadd.s32 @!p0 $0x88, s6;
	s7 =	simm.s32 @p2 $0x1082  }
0x22: {  	[simem:s7], [sflag:s8] =	dma.local @!p0 [hbm:s6], $0xF7A  }
0x23: {  	s9 =	sor.u32 $0xD0000000, s2;
	s6 =	simm.s32 $0x108;
	_ =	swait.ge @!p0 [sflag:s8], $0x0  }
0x24: {  	s3 =	sadd.s32 $0x88, s3;
	s6 =	simm.s32 @!p1 $0x1082;
	[sflag:s4] =	ssyncset.s32 $0xFFFFF086  }
0x25: {  	[simem:s6], [sflag:s4] =	dma.local [hbm:s3], $0xF7A  }
0x26: {  	[smem:$0x3F86] =	sst s1;
	(tag) =	ssettag s2;
	_ =	strace s9  }
0x27: {  	s1 =	sld [smem:$0x3F96]  }
0x28: {  	s2 =	sld [smem:$0x3F97]  }
0x29: {  	s4 =	sld [smem:$0x3F99]  }
0x2a: {  	p0 =	seq.s32 s5, $0x0;
	s5 =	sld [smem:$0x3F9A]  }
0x2b: {  	s6 =	sld [smem:$0x3F9B]  }
0x2c: {  	s7 =	sld [smem:$0x3F9C]  }
0x2d: {  	s3 =	simm.s32 $0x108;
	s8 =	sld [smem:$0x3F9D]  }
0x2e: {  	s3 =	simm.s32 @!p0 $0x1082;
	s9 =	sld [smem:$0x3F9E]  }
0x2f: {  	lr =	sadd.s32 s0, s3;
	s0 =	sld [smem:$0x3F95]  }
0x30: {  	s3 =	sld [smem:$0x3F98]  }
0x31: {  	[smem:$0x3FA1] =	sst s10  }
0x32: {  	s10 =	sld [smem:$0x3F9F];
	_ =	sdelay $0x3  }
0x33: {  	p0 =	seq.s32 s10, $0x1;
	s10 =	sld [smem:$0x3FA1];
	_ =	sdelay $0x3  }
0x34: {  	[smem:$0x3FA1] =	sst s10  }
0x35: {  	s10 =	sld [smem:$0x3FA0];
	_ =	sdelay $0x3  }
0x36: {  	p1 =	seq.s32 s10, $0x1;
	s10 =	sld [smem:$0x3FA1];
	_ =	sdelay $0x3  }
0x37: {  	[smem:$0x3FA1] =	sst s10  }
0x38: {  	s10 =	sld [smem:$0x3FA2]  }
0x39: {  	_ = 	snop;
	(pc) =	sbr.ind lr, $3  }
0x3a: {  	_ = 	snop  }
0x3b: {  	_ = 	snop  }
0x3c: {  	p2 =	seq.s32 s10, $0x1;
	s10 =	sld [smem:$0x3FA1]  }
0x3d: {  	_ =	shalt  }
0x3e: {  	_ =	shalt  }
0x3f: {  	_ =	shalt  }
0x40: {  	_ =	shalt  }
0x41: {  	_ =	shalt  }
0x42: {  	_ =	shalt  }
0x43: {  	_ =	shalt  }
0x44: {  	_ =	shalt  }
0x45: {  	_ =	shalt  }
0x46: {  	_ =	shalt  }
0x47: {  	_ =	shalt  }
0x48: {  	_ =	shalt  }
0x49: {  	_ =	shalt  }
0x4a: {  	_ =	shalt  }
0x4b: {  	_ =	shalt  }
0x4c: {  	_ =	shalt  }
0x4d: {  	_ =	shalt  }
0x4e: {  	_ =	shalt  }
0x4f: {  	_ =	shalt  }
0x50: {  	_ =	shalt  }
0x51: {  	_ =	shalt  }
0x52: {  	_ =	shalt  }
0x53: {  	_ =	shalt  }
0x54: {  	_ =	shalt  }
0x55: {  	_ =	shalt  }
0x56: {  	_ =	shalt  }
0x57: {  	_ =	shalt  }
0x58: {  	_ =	shalt  }
0x59: {  	_ =	shalt  }
0x5a: {  	_ =	shalt  }
0x5b: {  	_ =	shalt  }
0x5c: {  	_ =	shalt  }
0x5d: {  	_ =	shalt  }
0x5e: {  	_ =	shalt  }
0x5f: {  	_ =	shalt  }
0x60: {  	_ =	shalt  }
0x61: {  	_ =	shalt  }
0x62: {  	_ =	shalt  }
0x63: {  	_ =	shalt  }
0x64: {  	_ =	shalt  }
0x65: {  	_ =	shalt  }
0x66: {  	_ =	shalt  }
0x67: {  	_ =	shalt  }
0x68: {  	_ =	shalt  }
0x69: {  	_ =	shalt  }
0x6a: {  	_ =	shalt  }
0x6b: {  	_ =	shalt  }
0x6c: {  	_ =	shalt  }
0x6d: {  	_ =	shalt  }
0x6e: {  	_ =	shalt  }
0x6f: {  	_ =	shalt  }
0x70: {  	_ =	shalt  }
0x71: {  	_ =	shalt  }
0x72: {  	_ =	shalt  }
0x73: {  	_ =	shalt  }
0x74: {  	_ =	shalt  }
0x75: {  	_ =	shalt  }
0x76: {  	_ =	shalt  }
0x77: {  	_ =	shalt  }
0x78: {  	_ =	shalt  }
0x79: {  	_ =	shalt  }
0x7a: {  	_ =	shalt  }
0x7b: {  	_ =	shalt  }
0x7c: {  	_ =	shalt  }
0x7d: {  	_ =	shalt  }
0x7e: {  	_ =	shalt  }
0x7f: {  	_ =	shalt  }
0x80: {  	_ =	shalt  }
0x81: {  	_ =	shalt  }
0x82: {  	_ =	shalt  }
0x83: {  	_ =	shalt  }
0x84: {  	_ =	shalt  }
0x85: {  	_ =	shalt  }
0x86: {  	_ =	shalt  }
0x87: {  	_ =	shalt  }
.Lfunc_end0:
.L_simem_size_0:
called_computation.3_lowered:
.L_overlay_start_0:
0x88: {  	s2 =	sld [smem:$0x3FD9]  }
0x89: {  	s3 =	sld [smem:$0x3FFE];
	_ =	sdelay $0x1  }
0x8a: {  	s1 =	srdreg.scid  }
0x8b: {  	s0 =	sand.u32 $0x1, s1  }
0x8c: {  	s16 =	sshll.u32 s0, $0xA;
	s2 =	sadd.s32 s3, s2  }
0x8d: {  	s2 =	sadd.s32 s2, s16  }
0x8e: {  	[smem:$0x3FAD] =	sst s2  }
0x8f: {  	_ = 	snop  }
0x90: {  	(tm) =	ssettm $0x1  }
0x91: {  	s17 =	sld [smem:$0x3FFB];
	_ =	sdelay $0x3  }
0x92: {  	_ =	strace s17  }
0x93: {  	s2 =	sld [smem:$0x3FFC];
	_ =	sdelay $0x3  }
0x94: {  	_ =	strace s2  }
0x95: {  	s2 =	sld [smem:$0x3FFD];
	_ =	sdelay $0x3  }
0x96: {  	_ =	strace s2  }
0x97: {  	_ =	strace $0x8FFFFFFF  }
0x98: {  	s18 =	sld [smem:$0x3FDB];
	_ =	sdelay $0x1  }
0x99: {  	s19 =	simm.s32 $_scs_section_size  }
0x9a: {  	s4 =	simm.s32 $_size__tile_overlayer_lowered;
	s5 =	simm.s32 $_tile_overlayer_lowered  }
0x9b: {  	s22 =	simm.s32 $0x1BFF;
	s21 =	sshll.u32 s5, $0x1;
	s2 =	sadd.s32 s19, s18  }
0x9c: {  	s6 =	simm.s32 $0x0;
	s20 =	sshll.u32 s4, $0x1;
	s4 =	sadd.s32 s21, s2  }
0x9d: {  	[timem:s6], [sflag:s22] =	dma.local [hbm:s4], s20  }
0x9e: {  	_ =	swait.ge [sflag:s22], s20  }
0x9f: {  	s3 =	ssub.s32 $0x0, s20;
	[sflag:s22] =	ssyncset.done $0x0  }
0xa0: {  	[sflag:s22] =	ssyncadd.s32 s3;
	_ =	sdelay $0x1  }
0xa1: {  	s23 =	simm.s32 $0x1B8B  }
0xa2: {  	_ =	swait.ge [sflag:s23], $0x1  }
0xa3: {  	[sflag:s23] =	ssyncset.done $0x0  }
0xa4: {  	s25 =	simm.s32 $0x1B8E;
	s24 =	sld [smem:$0x3FFE];
	[sflag:s23] =	ssyncadd.s32 $0xFFFFFFFF  }
0xa5: {  	s26 =	simm.s32 $execute0_lowered;
	[smem:$0x3FD2] =	sst s25  }
0xa6: {  	s4 =	sshll.u32 s26, $0x1;
	_ =	strace $0x8000004F;
	[dreg:$0x1] =	wrdreg $0xFFFFFFFF  }
0xa7: {  	s28 =	simm.s32 $_size_execute0_lowered;
	s2 =	sadd.s32 s2, s4;
	[dreg:$0x0] =	wrdreg $0x0  }
0xa8: {  	s4 =	sshll.u32 s28, $0x1;
	[dreg:$0x2] =	wrdreg s2  }
0xa9: {  	[dreg:$0x3] =	wrdreg s4  }
0xaa: {  	[dreg:$0x4] =	wrdreg $0xC0  }
0xab: {  	_ =	task [dreg:s6], $0x5FFFF  }
0xac: {  	[dreg:$0x1] =	wrdreg $0xFFFFFFFF  }
0xad: {  	[dreg:$0x0] =	wrdreg $0x60  }
0xae: {  	[dreg:$0x2] =	wrdreg s24  }
0xaf: {  	[dreg:$0x3] =	wrdreg $0x0  }
0xb0: {  	[dreg:$0x4] =	wrdreg $0x9  }
0xb1: {  	_ =	task.clear_ibuf [dreg:s6], $0x5FFFF;
	_ =	strace $0x9000004F  }
0xb2: {  	s29 =	simm.s32 $0x9;
	_ =	strace $0x80000051  }
0xb3: {  	_ =	swait.ge [sflag:s29], $0x1  }
0xb4: {  	[sflag:s29] =	ssyncadd.s32 $0xFFFFFFFF  }
0xb5: {  	_ =	strace $0x90000051  }
0xb6: {  	_ =	sfence  }
0xb7: {  	s30 =	sld [smem:$0x0];
	_ =	sdelay $0x2  }
0xb8: {  	s31 =	sshll.u32 s1, $0xD;
	s1 =	sshrl.u32 s1, $0x2  }
0xb9: {  	s3 =	sand.u32 $0x4000, s31;
	s1 =	sadd.s32 s1, s30  }
0xba: {  	s0 =	sor.u32 s3, s0;
	s1 =	sshll.u32 s1, $0x11  }
0xbb: {  	s0 =	sor.u32 s1, s0  }
0xbc: {  	s0 =	sadd.s32 $0x8F2B, s0  }
0xbd: {  	[sflag:s0] =	ssyncadd.remote.s32 $0x1  }
0xbe: {  	_ =	sfence.sel $0xFFFF  }
0xbf: {  	[dreg:$0x0] =	wrdreg $0xFFFFFFFF;
	(pc) =	sbr.abs _section_cstart, $3  }
0xc0: {  	[dreg:$0x1] =	wrdreg $0xFFFFFFFF  }
0xc1: {  	_ =	task.clear_ibuf [dreg:s6], $0x2FFFF;
	_ =	strace $0x9FFFFFFF  }
0xc2: {  	(tm) =	ssettm $0x7FFFFFFF  }
0xc3: {  	_ =	shalt  }
tec
execute0_lowered:
.L_overlay_start_1:
0x0: {  	(tag) =	ssettag $0x1  }
0x1: {  	s6 =	rddreg [dreg:$0x0]  }
0x2: {  	s2 =	rddreg [dreg:$0x1]  }
0x3: {  	s0 =	srdreg.scid;
	s1 =	rddreg [dreg:$0x2];
	s3 =	simm.s32 $0x0  }
0x4: {  	s14 =	simm.s32 $0x16800;
	s15 =	simm.s32 $0x80;
	s7 =	sand.u32 $0x1, s0  }
0x5: {  	s16 =	simm.s32 $0x19000;
	s0 =	stileid.u32;
	s8 =	smul.u32 $0x28000, s7  }
0x6: {  	s17 =	simm.s32 $0x1;
	s18 =	simm.s32 $0x0;
	s9 =	smul.u32 $0x2800, s0  }
0x7: {  	[smem:$0x7FF] =	sst s3;
	s4 =	sadd.s32 $0x3D200, s6;
	s10 =	smul.u32 $0x140000, s7  }
0x8: {  	s5 =	sadd.s32 $0x8D200, s6;
	s11 =	smul.u32 $0x14000, s0;
	_ =	strace $0x80000050  }
0x9: {  	s29 =	smul.u32 $0x50000, s0;
	s30 =	ssub.s32 $0x2, s7;
	s31 =	sshll.u32 s0, $0x6  }
0xa: {  	s7 =	sshrl.u32 s30, $0x1;
	s8 =	sadd.s32 s9, s8;
	s28 =	sadd.s32 s11, s10  }
0xb: {  	s10 =	sshrl.u32 s29, $0x2;
	s12 =	ssub.s32 s30, s7;
	s8 =	sshrl.u32 s8, $0x3  }
0xc: {  	s9 =	sshrl.u32 s28, $0x3;
	s13 =	sadd.s32 s10, s2;
	s10 =	smax.u32 s12, $0x1  }
0xd: {  	s12 =	simm.s32 $0x2;
	s8 =	sadd.s32 s8, s6;
	s9 =	sadd.s32 s9, s6  }
0xe: {  	s6 =	sor.u32 $0x1C02, s31;
	s11 =	sshrl.u32 s13, $0x3;
	s13 =	simm.s32 $0x14000  }
0xf: {  	s7 =	sadd.s32 $0x33200, s8;
	s8 =	sadd.s32 $0x7600, s8;
	s9 =	sadd.s32 $0x8FA00, s9  }
.LBB2_1:
0x10: {  	[spmem:s11], [sflag:s6] =	dma.local [hbm:s5], $0x2800  }
0x11: {  	_ =	swait.ge [sflag:s12], $0x2800  }
0x12: {  	[sflag:s12] =	ssyncset.done $0x0  }
0x13: {  	[sflag:s12] =	ssyncadd.s32 $0xFFFFD800  }
0x14: {  	[tilespmem:s13], [sflag:$0x2] =	stream.linear.gather [hbm4b:s7+s3], $0x2780, $0x38;
	[tilespmem:$0x1D000] =	vst v63  }
0x15: {  	_ =	swait.ge [sflag:s12], $0x2780  }
0x16: {  	[sflag:s12] =	ssyncset.done $0x0  }
0x17: {  	[sflag:s12] =	ssyncadd.s32 $0xFFFFD880  }
0x18: {  	[tilespmem:s14], [sflag:$0x2] =	stream.linear.gather [hbm4b:s8+s3], $0x2780, $0x38;
	[tilespmem:$0x1D000] =	vst v63  }
0x19: {  	_ =	swait.ge [sflag:s12], $0x2780  }
0x1a: {  	[sflag:s12] =	ssyncset.done $0x0  }
0x1b: {  	[sflag:s12] =	ssyncadd.s32 $0xFFFFD880  }
0x1c: {  	s19 =	simm.s32 $0x14000;
	[bflag:$0x0] =	sbarrier.arrive $0xFFFF  }
0x1d: {  	[tilespmem:s16], [sflag:$0x1] =	stream.indirect.gather [hbm4b:s4+s15], $0x80, s19, s15, $0xb8;
	[tilespmem:$0x1D000] =	vst v63  }
0x1e: {  	_ =	swait.ge [sflag:s17], $0x4000  }
0x1f: {  	[sflag:s17] =	ssyncset.done $0x0  }
0x20: {  	s31 =	simm.s32 $0x16800;
	[sflag:s17] =	ssyncadd.s32 $0xFFFFC000  }
0x21: {  	[spmem:s2] =	stream.indirect.scatter.add.f32 [tilespmem:s16], [sflag:$0x2], $0x80, s31, s15, $0xb8;
	[tilespmem:$0x1D000] =	vst v63  }
0x22: {  	_ =	swait.ge [sflag:s12], $0x4000  }
0x23: {  	s20 =	simm.s32 $0x400;
	s19 =	simm.s32 $0x80;
	[sflag:s12] =	ssyncset.done $0x0  }
.LBB2_2:
0x24: {  	s21 =	sadd.s32 $0x14000, s19  }
0x25: {  	[sflag:s12] =	ssyncadd.s32 $0xFFFFC000;
	s22 =	smov.u32 s20;
	s23 =	sadd.s32 $0x200, s20  }
0x26: {  	[tilespmem:s16], [sflag:$0x1] =	stream.indirect.gather [hbm4b:s4+s15], $0x80, s21, s15, $0xb8;
	[tilespmem:$0x1D000] =	vst v63  }
0x27: {  	p0 =	sne.s32 s20, $0x9C00;
	_ =	swait.ge [sflag:s17], $0x4000  }
.Ltmp0:
0x28: {  	[sflag:s17] =	ssyncset.done $0x0;
	(pc) =	sbr.rel @p0 .LBB2_2-.Ltmp0, $4  }
0x29: {  	s19 =	sadd.s32 $0x16800, s19;
	[sflag:s17] =	ssyncadd.s32 $0xFFFFC000  }
0x2a: {  	[spmem:s2] =	stream.indirect.scatter.add.f32 [tilespmem:s16], [sflag:$0x2], $0x80, s19, s15, $0xb8;
	[tilespmem:$0x1D000] =	vst v63  }
0x2b: {  	_ =	swait.ge [sflag:s12], $0x4000  }
0x2c: {  	s20 =	smov.u32 s23;
	s19 =	sshra.s32 s22, $0x2;
	[sflag:s12] =	ssyncset.done $0x0  }
0x2d: {  	s20 =	sadd.s32 $0x14000, s19;
	[sflag:s12] =	ssyncadd.s32 $0xFFFFC000  }
0x2e: {  	[tilespmem:s16], [sflag:$0x1] =	stream.indirect.gather [hbm4b:s4+s15], $0x80, s20, s15, $0xb8;
	[tilespmem:$0x1D000] =	vst v63  }
0x2f: {  	_ =	swait.ge [sflag:s17], $0x4000  }
0x30: {  	[sflag:s17] =	ssyncset.done $0x0  }
0x31: {  	s31 =	sadd.s32 $0x16800, s19;
	[sflag:s17] =	ssyncadd.s32 $0xFFFFC000  }
0x32: {  	[spmem:s2] =	stream.indirect.scatter.add.f32 [tilespmem:s16], [sflag:$0x2], $0x80, s31, s15, $0xb8;
	[tilespmem:$0x1D000] =	vst v63  }
0x33: {  	_ =	swait.ge [sflag:s12], $0x4000  }
0x34: {  	s18 =	sadd.s32 $0x1, s18;
	[sflag:s12] =	ssyncset.done $0x0  }
0x35: {  	p0 =	sne.s32 s18, s10;
	[sflag:s12] =	ssyncadd.s32 $0xFFFFC000  }
.Ltmp1:
0x36: {  	[bflag:$0x0] =	sbarrier.arrive $0xFFFF;
	(pc) =	sbr.rel @p0 .LBB2_1-.Ltmp1, $4  }
0x37: {  	[hbm:s9], [sflag:s6] =	dma.local [spmem:s11], $0x2800  }
0x38: {  	_ =	swait.ge [sflag:s12], $0x2800  }
0x39: {  	[sflag:s12] =	ssyncset.done $0x0  }
0x3a: {  	[sflag:s12] =	ssyncadd.s32 $0xFFFFD800  }
0x3b: {  	_ =	sfence.sel $0x180000  }
0x3c: {  	[bflag:$0x0] =	sbarrier.arrive $0xFFFF  }
0x3d: {  	p0 =	sne.s32 s0, $0x0;
	_ =	strace $0x90000050  }
0x3e: {  	s0 =	sadd.s32 @!p0 $0x100000, s1;
	[bflag:$0x2] =	sbarrier.arrive $0xFFFF  }
0x3f: {  	[sflag:s0] =	ssyncadd.tile.s32 @!p0 $0x1;
	_ =	shalt  }
.Lfunc_end2:
_tile_overlayer_lowered:
.L_overlay_start_2:
0x40: {  	(tag) =	ssettag $0x2  }
0x41: {  	s0 =	rddreg [dreg:$0x0];
	s2 =	stileid.u32  }
0x42: {  	s1 =	rddreg [dreg:$0x1];
	p0 =	sne.s32 s2, $0x0  }
0x43: {  	s3 =	rddreg [dreg:$0x2];
	[bflag:$0x3] =	sbarrier.arrive $0xFFFF;
	s2 =	simm.s32 @!p0 $0x1C02  }
0x44: {  	[timem:s3], [sflag:s2] =	dma.local @!p0 [hbm:s0], s1  }
0x45: {  	s0 =	simm.s32 @!p0 $0x2  }
0x46: {  	_ =	swait.ge @!p0 [sflag:s0], s1  }
0x47: {  	s1 =	ssub.s32 @!p0 $0x0, s1;
	[sflag:s0] =	ssyncset.done @!p0 $0x0  }
0x48: {  	[sflag:s0] =	ssyncadd.s32 @!p0 s1  }
0x49: {  	[bflag:$0x3] =	sbarrier.arrive $0xFFFF  }
0x4a: {  	_ =	shalt  }

// kernel: kernel.25.cloned.1.call-start
scs
__scs_entry_jumppad:
0x0: {  	(pc) =	sbr.rel $0x88, $3  }
0x1: {  	(tag) =	ssettag $0x0;
	lr =	simm.s32 $0x1  }
0x2: {  	[smem:$0x3F86] =	sst lr;
	_ =	strace $0xD0000000  }
0x3: {  	_ = 	snop  }
0x4: {  	_ = 	snop  }
0x5: {  	_ = 	snop  }
0x6: {  	_ = 	snop  }
0x7: {  	_ = 	snop  }
__scs_overlays_trampoline_lowered:
0x8: {  	[smem:$0x3F95] =	sst s0  }
0x9: {  	[smem:$0x3F96] =	sst s1  }
0xa: {  	[smem:$0x3F97] =	sst s2  }
0xb: {  	[smem:$0x3F98] =	sst s3  }
0xc: {  	[smem:$0x3F99] =	sst s4  }
0xd: {  	[smem:$0x3F9A] =	sst s5  }
0xe: {  	[smem:$0x3F9B] =	sst s6  }
0xf: {  	[smem:$0x3F9C] =	sst s7  }
0x10: {  	[smem:$0x3F9D] =	sst s8  }
0x11: {  	[smem:$0x3F9E] =	sst s9;
	s0 =	simm.s32 @!p0 $0x0  }
0x12: {  	s1 =	sld [smem:$0x3F84];
	s0 =	simm.s32 @p0 $0x1  }
0x13: {  	[smem:$0x3F9F] =	sst s0;
	s0 =	simm.s32 @!p1 $0x0  }
0x14: {  	s2 =	sld [smem:$0x3F83];
	s0 =	simm.s32 @p1 $0x1  }
0x15: {  	[smem:$0x3FA0] =	sst s0;
	s0 =	simm.s32 @!p2 $0x0  }
0x16: {  	s3 =	sld [smem:$0x3FDB];
	s0 =	simm.s32 @p2 $0x1  }
0x17: {  	s4 =	simm.s32 $0x1BF5;
	[smem:$0x3FA2] =	sst s0  }
0x18: {  	s0 =	sld [smem:$0x3F85];
	_ =	swait.ge [sflag:s4], $0x0  }
0x19: {  	s7 =	sld [smem:$0x3F86]  }
0x1a: {  	s8 =	sadd.s32 $0xFFFFE003, lr  }
0x1b: {  	s9 =	sadd.s32 $0xFFFFFEF7, lr;
	s5 =	simm.s32 $0xFFFFFFFF;
	p2 =	slt.u32 s8, $0xFFFFF086  }
0x1c: {  	p1 =	slt.u32 s9, $0xF7A;
	s5 =	simm.s32 @!p2 $0x0  }
0x1d: {  	s5 =	simm.s32 @p1 $0x1;
	p0 =	seq.s32 s7, s2  }
0x1e: {  	s7 =	smul.u32 @!p0 $0xF7A, s2;
	p2 =	seq.s32 @!p0 s5, $0x0  }
0x1f: {  	s9 =	smul.u32 $0xF7A, s1;
	s8 =	simm.s32 @!p0 $0x1BF5;
	p2 =	por !p2, p0  }
0x20: {  	[sflag:s8] =	ssyncset.s32 @!p0 $0xFFFFF086;
	s6 =	sadd.s32 @!p0 s3, s7;
	s7 =	simm.s32 @!p0 $0x108  }
0x21: {  	s3 =	sadd.s32 s3, s9;
	s6 =	sadd.s32 @!p0 $0x88, s6;
	s7 =	simm.s32 @p2 $0x1082  }
0x22: {  	[simem:s7], [sflag:s8] =	dma.local @!p0 [hbm:s6], $0xF7A  }
0x23: {  	s9 =	sor.u32 $0xD0000000, s2;
	s6 =	simm.s32 $0x108;
	_ =	swait.ge @!p0 [sflag:s8], $0x0  }
0x24: {  	s3 =	sadd.s32 $0x88, s3;
	s6 =	simm.s32 @!p1 $0x1082;
	[sflag:s4] =	ssyncset.s32 $0xFFFFF086  }
0x25: {  	[simem:s6], [sflag:s4] =	dma.local [hbm:s3], $0xF7A  }
0x26: {  	[smem:$0x3F86] =	sst s1;
	(tag) =	ssettag s2;
	_ =	strace s9  }
0x27: {  	s1 =	sld [smem:$0x3F96]  }
0x28: {  	s2 =	sld [smem:$0x3F97]  }
0x29: {  	s4 =	sld [smem:$0x3F99]  }
0x2a: {  	p0 =	seq.s32 s5, $0x0;
	s5 =	sld [smem:$0x3F9A]  }
0x2b: {  	s6 =	sld [smem:$0x3F9B]  }
0x2c: {  	s7 =	sld [smem:$0x3F9C]  }
0x2d: {  	s3 =	simm.s32 $0x108;
	s8 =	sld [smem:$0x3F9D]  }
0x2e: {  	s3 =	simm.s32 @!p0 $0x1082;
	s9 =	sld [smem:$0x3F9E]  }
0x2f: {  	lr =	sadd.s32 s0, s3;
	s0 =	sld [smem:$0x3F95]  }
0x30: {  	s3 =	sld [smem:$0x3F98]  }
0x31: {  	[smem:$0x3FA1] =	sst s10  }
0x32: {  	s10 =	sld [smem:$0x3F9F];
	_ =	sdelay $0x3  }
0x33: {  	p0 =	seq.s32 s10, $0x1;
	s10 =	sld [smem:$0x3FA1];
	_ =	sdelay $0x3  }
0x34: {  	[smem:$0x3FA1] =	sst s10  }
0x35: {  	s10 =	sld [smem:$0x3FA0];
	_ =	sdelay $0x3  }
0x36: {  	p1 =	seq.s32 s10, $0x1;
	s10 =	sld [smem:$0x3FA1];
	_ =	sdelay $0x3  }
0x37: {  	[smem:$0x3FA1] =	sst s10  }
0x38: {  	s10 =	sld [smem:$0x3FA2]  }
0x39: {  	_ = 	snop;
	(pc) =	sbr.ind lr, $3  }
0x3a: {  	_ = 	snop  }
0x3b: {  	_ = 	snop  }
0x3c: {  	p2 =	seq.s32 s10, $0x1;
	s10 =	sld [smem:$0x3FA1]  }
0x3d: {  	_ =	shalt  }
0x3e: {  	_ =	shalt  }
0x3f: {  	_ =	shalt  }
0x40: {  	_ =	shalt  }
0x41: {  	_ =	shalt  }
0x42: {  	_ =	shalt  }
0x43: {  	_ =	shalt  }
0x44: {  	_ =	shalt  }
0x45: {  	_ =	shalt  }
0x46: {  	_ =	shalt  }
0x47: {  	_ =	shalt  }
0x48: {  	_ =	shalt  }
0x49: {  	_ =	shalt  }
0x4a: {  	_ =	shalt  }
0x4b: {  	_ =	shalt  }
0x4c: {  	_ =	shalt  }
0x4d: {  	_ =	shalt  }
0x4e: {  	_ =	shalt  }
0x4f: {  	_ =	shalt  }
0x50: {  	_ =	shalt  }
0x51: {  	_ =	shalt  }
0x52: {  	_ =	shalt  }
0x53: {  	_ =	shalt  }
0x54: {  	_ =	shalt  }
0x55: {  	_ =	shalt  }
0x56: {  	_ =	shalt  }
0x57: {  	_ =	shalt  }
0x58: {  	_ =	shalt  }
0x59: {  	_ =	shalt  }
0x5a: {  	_ =	shalt  }
0x5b: {  	_ =	shalt  }
0x5c: {  	_ =	shalt  }
0x5d: {  	_ =	shalt  }
0x5e: {  	_ =	shalt  }
0x5f: {  	_ =	shalt  }
0x60: {  	_ =	shalt  }
0x61: {  	_ =	shalt  }
0x62: {  	_ =	shalt  }
0x63: {  	_ =	shalt  }
0x64: {  	_ =	shalt  }
0x65: {  	_ =	shalt  }
0x66: {  	_ =	shalt  }
0x67: {  	_ =	shalt  }
0x68: {  	_ =	shalt  }
0x69: {  	_ =	shalt  }
0x6a: {  	_ =	shalt  }
0x6b: {  	_ =	shalt  }
0x6c: {  	_ =	shalt  }
0x6d: {  	_ =	shalt  }
0x6e: {  	_ =	shalt  }
0x6f: {  	_ =	shalt  }
0x70: {  	_ =	shalt  }
0x71: {  	_ =	shalt  }
0x72: {  	_ =	shalt  }
0x73: {  	_ =	shalt  }
0x74: {  	_ =	shalt  }
0x75: {  	_ =	shalt  }
0x76: {  	_ =	shalt  }
0x77: {  	_ =	shalt  }
0x78: {  	_ =	shalt  }
0x79: {  	_ =	shalt  }
0x7a: {  	_ =	shalt  }
0x7b: {  	_ =	shalt  }
0x7c: {  	_ =	shalt  }
0x7d: {  	_ =	shalt  }
0x7e: {  	_ =	shalt  }
0x7f: {  	_ =	shalt  }
0x80: {  	_ =	shalt  }
0x81: {  	_ =	shalt  }
0x82: {  	_ =	shalt  }
0x83: {  	_ =	shalt  }
0x84: {  	_ =	shalt  }
0x85: {  	_ =	shalt  }
0x86: {  	_ =	shalt  }
0x87: {  	_ =	shalt  }
.Lfunc_end0:
.L_simem_size_0:
called_computation.4_lowered:
.L_overlay_start_0:
0x88: {  	s2 =	sld [smem:$0x3FD9]  }
0x89: {  	s3 =	sld [smem:$0x3FFE];
	_ =	sdelay $0x1  }
0x8a: {  	s1 =	srdreg.scid  }
0x8b: {  	s0 =	sand.u32 $0x1, s1  }
0x8c: {  	s16 =	sshll.u32 s0, $0xA;
	s2 =	sadd.s32 s3, s2  }
0x8d: {  	s2 =	sadd.s32 s2, s16  }
0x8e: {  	[smem:$0x3FAD] =	sst s2  }
0x8f: {  	_ = 	snop  }
0x90: {  	(tm) =	ssettm $0x1  }
0x91: {  	s17 =	sld [smem:$0x3FFB];
	_ =	sdelay $0x3  }
0x92: {  	_ =	strace s17  }
0x93: {  	s2 =	sld [smem:$0x3FFC];
	_ =	sdelay $0x3  }
0x94: {  	_ =	strace s2  }
0x95: {  	s2 =	sld [smem:$0x3FFD];
	_ =	sdelay $0x3  }
0x96: {  	_ =	strace s2  }
0x97: {  	_ =	strace $0x8FFFFFFF  }
0x98: {  	s18 =	sld [smem:$0x3FDB];
	_ =	sdelay $0x1  }
0x99: {  	s19 =	simm.s32 $_scs_section_size  }
0x9a: {  	s4 =	simm.s32 $_size__tile_overlayer_lowered;
	s5 =	simm.s32 $_tile_overlayer_lowered  }
0x9b: {  	s22 =	simm.s32 $0x1BFF;
	s21 =	sshll.u32 s5, $0x1;
	s2 =	sadd.s32 s19, s18  }
0x9c: {  	s6 =	simm.s32 $0x0;
	s20 =	sshll.u32 s4, $0x1;
	s4 =	sadd.s32 s21, s2  }
0x9d: {  	[timem:s6], [sflag:s22] =	dma.local [hbm:s4], s20  }
0x9e: {  	_ =	swait.ge [sflag:s22], s20  }
0x9f: {  	s3 =	ssub.s32 $0x0, s20;
	[sflag:s22] =	ssyncset.done $0x0  }
0xa0: {  	[sflag:s22] =	ssyncadd.s32 s3;
	_ =	sdelay $0x1  }
0xa1: {  	s23 =	simm.s32 $0x1B8B  }
0xa2: {  	_ =	swait.ge [sflag:s23], $0x1  }
0xa3: {  	[sflag:s23] =	ssyncset.done $0x0  }
0xa4: {  	s25 =	simm.s32 $0x1B8E;
	s24 =	sld [smem:$0x3FFE];
	[sflag:s23] =	ssyncadd.s32 $0xFFFFFFFF  }
0xa5: {  	s26 =	simm.s32 $execute0_lowered;
	[smem:$0x3FD2] =	sst s25  }
0xa6: {  	s4 =	sshll.u32 s26, $0x1;
	_ =	strace $0x80000052;
	[dreg:$0x1] =	wrdreg $0xFFFFFFFF  }
0xa7: {  	s28 =	simm.s32 $_size_execute0_lowered;
	s2 =	sadd.s32 s2, s4;
	[dreg:$0x0] =	wrdreg $0x0  }
0xa8: {  	s4 =	sshll.u32 s28, $0x1;
	[dreg:$0x2] =	wrdreg s2  }
0xa9: {  	[dreg:$0x3] =	wrdreg s4  }
0xaa: {  	[dreg:$0x4] =	wrdreg $0xC0  }
0xab: {  	_ =	task [dreg:s6], $0x5FFFF  }
0xac: {  	[dreg:$0x1] =	wrdreg $0xFFFFFFFF  }
0xad: {  	[dreg:$0x0] =	wrdreg $0x60  }
0xae: {  	[dreg:$0x2] =	wrdreg s24  }
0xaf: {  	[dreg:$0x3] =	wrdreg $0x0  }
0xb0: {  	[dreg:$0x4] =	wrdreg $0x9  }
0xb1: {  	_ =	task.clear_ibuf [dreg:s6], $0x5FFFF;
	_ =	strace $0x90000052  }
0xb2: {  	s29 =	simm.s32 $0x9;
	_ =	strace $0x80000054  }
0xb3: {  	_ =	swait.ge [sflag:s29], $0x1  }
0xb4: {  	[sflag:s29] =	ssyncadd.s32 $0xFFFFFFFF  }
0xb5: {  	_ =	strace $0x90000054  }
0xb6: {  	_ =	sfence  }
0xb7: {  	s30 =	sld [smem:$0x0];
	_ =	sdelay $0x2  }
0xb8: {  	s31 =	sshll.u32 s1, $0xD;
	s1 =	sshrl.u32 s1, $0x2  }
0xb9: {  	s3 =	sand.u32 $0x4000, s31;
	s1 =	sadd.s32 s1, s30  }
0xba: {  	s0 =	sor.u32 s3, s0;
	s1 =	sshll.u32 s1, $0x11  }
0xbb: {  	s0 =	sor.u32 s1, s0  }
0xbc: {  	s0 =	sadd.s32 $0x8F2B, s0  }
0xbd: {  	[sflag:s0] =	ssyncadd.remote.s32 $0x1  }
0xbe: {  	_ =	sfence.sel $0xFFFF  }
0xbf: {  	[dreg:$0x0] =	wrdreg $0xFFFFFFFF;
	(pc) =	sbr.abs _section_cstart, $3  }
0xc0: {  	[dreg:$0x1] =	wrdreg $0xFFFFFFFF  }
0xc1: {  	_ =	task.clear_ibuf [dreg:s6], $0x2FFFF;
	_ =	strace $0x9FFFFFFF  }
0xc2: {  	(tm) =	ssettm $0x7FFFFFFF  }
0xc3: {  	_ =	shalt  }
tec
execute0_lowered:
.L_overlay_start_1:
0x0: {  	(tag) =	ssettag $0x1  }
0x1: {  	s6 =	rddreg [dreg:$0x0]  }
0x2: {  	s2 =	rddreg [dreg:$0x1]  }
0x3: {  	s0 =	srdreg.scid;
	s1 =	rddreg [dreg:$0x2];
	s3 =	simm.s32 $0x0  }
0x4: {  	s14 =	simm.s32 $0x16800;
	s15 =	simm.s32 $0x80;
	s7 =	sand.u32 $0x1, s0  }
0x5: {  	s16 =	simm.s32 $0x19000;
	s0 =	stileid.u32;
	s8 =	smul.u32 $0x28000, s7  }
0x6: {  	s17 =	simm.s32 $0x1;
	s18 =	simm.s32 $0x0;
	s9 =	smul.u32 $0x2800, s0  }
0x7: {  	[smem:$0x7FF] =	sst s3;
	s4 =	sadd.s32 $0x3D200, s6;
	s10 =	smul.u32 $0x140000, s7  }
0x8: {  	s5 =	sadd.s32 $0x8D200, s6;
	s11 =	smul.u32 $0x14000, s0;
	_ =	strace $0x80000053  }
0x9: {  	s29 =	smul.u32 $0x50000, s0;
	s30 =	ssub.s32 $0x2, s7;
	s31 =	sshll.u32 s0, $0x6  }
0xa: {  	s7 =	sshrl.u32 s30, $0x1;
	s8 =	sadd.s32 s9, s8;
	s28 =	sadd.s32 s11, s10  }
0xb: {  	s10 =	sshrl.u32 s29, $0x2;
	s12 =	ssub.s32 s30, s7;
	s8 =	sshrl.u32 s8, $0x3  }
0xc: {  	s9 =	sshrl.u32 s28, $0x3;
	s13 =	sadd.s32 s10, s2;
	s10 =	smax.u32 s12, $0x1  }
0xd: {  	s12 =	simm.s32 $0x2;
	s8 =	sadd.s32 s8, s6;
	s9 =	sadd.s32 s9, s6  }
0xe: {  	s6 =	sor.u32 $0x1C02, s31;
	s11 =	sshrl.u32 s13, $0x3;
	s13 =	simm.s32 $0x14000  }
0xf: {  	s7 =	sadd.s32 $0x33200, s8;
	s8 =	sadd.s32 $0x7600, s8;
	s9 =	sadd.s32 $0x8FA00, s9  }
.LBB2_1:
0x10: {  	[spmem:s11], [sflag:s6] =	dma.local [hbm:s5], $0x2800  }
0x11: {  	_ =	swait.ge [sflag:s12], $0x2800  }
0x12: {  	[sflag:s12] =	ssyncset.done $0x0  }
0x13: {  	[sflag:s12] =	ssyncadd.s32 $0xFFFFD800  }
0x14: {  	[tilespmem:s13], [sflag:$0x2] =	stream.linear.gather [hbm4b:s7+s3], $0x2780, $0x38;
	[tilespmem:$0x1D000] =	vst v63  }
0x15: {  	_ =	swait.ge [sflag:s12], $0x2780  }
0x16: {  	[sflag:s12] =	ssyncset.done $0x0  }
0x17: {  	[sflag:s12] =	ssyncadd.s32 $0xFFFFD880  }
0x18: {  	[tilespmem:s14], [sflag:$0x2] =	stream.linear.gather [hbm4b:s8+s3], $0x2780, $0x38;
	[tilespmem:$0x1D000] =	vst v63  }
0x19: {  	_ =	swait.ge [sflag:s12], $0x2780  }
0x1a: {  	[sflag:s12] =	ssyncset.done $0x0  }
0x1b: {  	[sflag:s12] =	ssyncadd.s32 $0xFFFFD880  }
0x1c: {  	s19 =	simm.s32 $0x14000;
	[bflag:$0x0] =	sbarrier.arrive $0xFFFF  }
0x1d: {  	[tilespmem:s16], [sflag:$0x1] =	stream.indirect.gather [hbm4b:s4+s15], $0x80, s19, s15, $0xb8;
	[tilespmem:$0x1D000] =	vst v63  }
0x1e: {  	_ =	swait.ge [sflag:s17], $0x4000  }
0x1f: {  	[sflag:s17] =	ssyncset.done $0x0  }
0x20: {  	s31 =	simm.s32 $0x16800;
	[sflag:s17] =	ssyncadd.s32 $0xFFFFC000  }
0x21: {  	[spmem:s2] =	stream.indirect.scatter.add.f32 [tilespmem:s16], [sflag:$0x2], $0x80, s31, s15, $0xb8;
	[tilespmem:$0x1D000] =	vst v63  }
0x22: {  	_ =	swait.ge [sflag:s12], $0x4000  }
0x23: {  	s20 =	simm.s32 $0x400;
	s19 =	simm.s32 $0x80;
	[sflag:s12] =	ssyncset.done $0x0  }
.LBB2_2:
0x24: {  	s21 =	sadd.s32 $0x14000, s19  }
0x25: {  	[sflag:s12] =	ssyncadd.s32 $0xFFFFC000;
	s22 =	smov.u32 s20;
	s23 =	sadd.s32 $0x200, s20  }
0x26: {  	[tilespmem:s16], [sflag:$0x1] =	stream.indirect.gather [hbm4b:s4+s15], $0x80, s21, s15, $0xb8;
	[tilespmem:$0x1D000] =	vst v63  }
0x27: {  	p0 =	sne.s32 s20, $0x9C00;
	_ =	swait.ge [sflag:s17], $0x4000  }
.Ltmp0:
0x28: {  	[sflag:s17] =	ssyncset.done $0x0;
	(pc) =	sbr.rel @p0 .LBB2_2-.Ltmp0, $4  }
0x29: {  	s19 =	sadd.s32 $0x16800, s19;
	[sflag:s17] =	ssyncadd.s32 $0xFFFFC000  }
0x2a: {  	[spmem:s2] =	stream.indirect.scatter.add.f32 [tilespmem:s16], [sflag:$0x2], $0x80, s19, s15, $0xb8;
	[tilespmem:$0x1D000] =	vst v63  }
0x2b: {  	_ =	swait.ge [sflag:s12], $0x4000  }
0x2c: {  	s20 =	smov.u32 s23;
	s19 =	sshra.s32 s22, $0x2;
	[sflag:s12] =	ssyncset.done $0x0  }
0x2d: {  	s20 =	sadd.s32 $0x14000, s19;
	[sflag:s12] =	ssyncadd.s32 $0xFFFFC000  }
0x2e: {  	[tilespmem:s16], [sflag:$0x1] =	stream.indirect.gather [hbm4b:s4+s15], $0x80, s20, s15, $0xb8;
	[tilespmem:$0x1D000] =	vst v63  }
0x2f: {  	_ =	swait.ge [sflag:s17], $0x4000  }
0x30: {  	[sflag:s17] =	ssyncset.done $0x0  }
0x31: {  	s31 =	sadd.s32 $0x16800, s19;
	[sflag:s17] =	ssyncadd.s32 $0xFFFFC000  }
0x32: {  	[spmem:s2] =	stream.indirect.scatter.add.f32 [tilespmem:s16], [sflag:$0x2], $0x80, s31, s15, $0xb8;
	[tilespmem:$0x1D000] =	vst v63  }
0x33: {  	_ =	swait.ge [sflag:s12], $0x4000  }
0x34: {  	s18 =	sadd.s32 $0x1, s18;
	[sflag:s12] =	ssyncset.done $0x0  }
0x35: {  	p0 =	sne.s32 s18, s10;
	[sflag:s12] =	ssyncadd.s32 $0xFFFFC000  }
.Ltmp1:
0x36: {  	[bflag:$0x0] =	sbarrier.arrive $0xFFFF;
	(pc) =	sbr.rel @p0 .LBB2_1-.Ltmp1, $4  }
0x37: {  	[hbm:s9], [sflag:s6] =	dma.local [spmem:s11], $0x2800  }
0x38: {  	_ =	swait.ge [sflag:s12], $0x2800  }
0x39: {  	[sflag:s12] =	ssyncset.done $0x0  }
0x3a: {  	[sflag:s12] =	ssyncadd.s32 $0xFFFFD800  }
0x3b: {  	_ =	sfence.sel $0x180000  }
0x3c: {  	[bflag:$0x0] =	sbarrier.arrive $0xFFFF  }
0x3d: {  	p0 =	sne.s32 s0, $0x0;
	_ =	strace $0x90000053  }
0x3e: {  	s0 =	sadd.s32 @!p0 $0x100000, s1;
	[bflag:$0x2] =	sbarrier.arrive $0xFFFF  }
0x3f: {  	[sflag:s0] =	ssyncadd.tile.s32 @!p0 $0x1;
	_ =	shalt  }
.Lfunc_end2:
_tile_overlayer_lowered:
.L_overlay_start_2:
0x40: {  	(tag) =	ssettag $0x2  }
0x41: {  	s0 =	rddreg [dreg:$0x0];
	s2 =	stileid.u32  }
0x42: {  	s1 =	rddreg [dreg:$0x1];
	p0 =	sne.s32 s2, $0x0  }
0x43: {  	s3 =	rddreg [dreg:$0x2];
	[bflag:$0x3] =	sbarrier.arrive $0xFFFF;
	s2 =	simm.s32 @!p0 $0x1C02  }
0x44: {  	[timem:s3], [sflag:s2] =	dma.local @!p0 [hbm:s0], s1  }
0x45: {  	s0 =	simm.s32 @!p0 $0x2  }
0x46: {  	_ =	swait.ge @!p0 [sflag:s0], s1  }
0x47: {  	s1 =	ssub.s32 @!p0 $0x0, s1;
	[sflag:s0] =	ssyncset.done @!p0 $0x0  }
0x48: {  	[sflag:s0] =	ssyncadd.s32 @!p0 s1  }
0x49: {  	[bflag:$0x3] =	sbarrier.arrive $0xFFFF  }
0x4a: {  	_ =	shalt  }

</sc_bundles>
